<compile_context>
chip_gen: v7x
topology: tpu7x:2x2x1
jax: 0.10.2.dev20260603
libtpu: 0.0.44.dev20260713+nightly
codegen_flags: <defaults>
</compile_context>

<pallas_src>
import functools

import jax
import jax.numpy as jnp
from jax import lax
from jax.experimental import pallas as pl
from jax.experimental.pallas import tpu as pltpu
from jax.experimental.pallas import tpu_sc as plsc

N = 10000
E = 160000
D_IN = 256
H = 512
Q = 4
K = 1024

NC = 2
NS = 16
DH = D_IN // NC
ECS = 80
E_PAD = NS * ECS * 128
NPAD = 10240
TRASH = N
ROWS_PER_TILE = NPAD // NS

BN = 512
NB = NPAD // BN


def _sc_body(use_perm, do_deg,
             xcat_hbm, src_hbm, dst_hbm, permr_hbm,
             *refs):
    if do_deg:
        agg2_hbm, deg2_hbm = refs[:2]
        scratches = refs[2:]
        y2_hbm = None
    else:
        agg2_hbm, y2_hbm = refs[:2]
        scratches = refs[2:]
    if use_perm:
        (acc_sp, srcv, dstv, rowsv, zerov, permv5, sem) = scratches
    else:
        (acc_sp, srcv, dstv, rowsv, zerov, sem) = scratches

    c = lax.axis_index("c")
    s = lax.axis_index("s")

    zero16 = jnp.zeros((16,), jnp.float32)
    one16 = jnp.ones((16,), jnp.float32)

    def _zf(i, carry):
        zerov[i // 8, pl.ds((i % 8) * 16, 16)] = zero16
        return carry
    lax.fori_loop(0, 8 * 8, _zf, 0)

    base = s * ROWS_PER_TILE

    def _zacc(k, carry):
        pltpu.sync_copy(zerov, acc_sp.at[pl.ds(base + k * 8, 8)])
        return carry
    lax.fori_loop(0, ROWS_PER_TILE // 8, _zacc, 0)

    pltpu.sync_copy(src_hbm.at[s], srcv)
    pltpu.sync_copy(dst_hbm.at[s], dstv)

    if use_perm:
        pltpu.sync_copy(permr_hbm.at[s], permv5)
        for p in range(2):
            qd = 2 * c + p
            for k in range(ROWS_PER_TILE // 128):
                pltpu.async_copy(xcat_hbm.at[qd].at[permv5.at[k]], rowsv,
                                 sem).wait()
                pltpu.sync_copy(rowsv,
                                y2_hbm.at[qd].at[pl.ds(base + k * 128, 128)])

    plsc.subcore_barrier()

    table_hbm = y2_hbm if use_perm else xcat_hbm

    def _step_for(qd):
        def _step(j, carry):
            pltpu.async_copy(table_hbm.at[qd].at[srcv.at[j]], rowsv,
                             sem).wait()
            pltpu.sync_copy(rowsv, acc_sp.at[dstv.at[j]], add=True)
            return carry
        return _step

    for p in range(2):
        qd = 2 * c + p
        if p > 0:
            plsc.subcore_barrier()
            lax.fori_loop(0, ROWS_PER_TILE // 8, _zacc, 0)
            plsc.subcore_barrier()
        lax.fori_loop(0, ECS, _step_for(qd), 0)
        plsc.subcore_barrier()
        pltpu.sync_copy(acc_sp.at[pl.ds(base, ROWS_PER_TILE)],
                        agg2_hbm.at[qd].at[pl.ds(base, ROWS_PER_TILE)])

    if do_deg:
        plsc.subcore_barrier()
        lax.fori_loop(0, ROWS_PER_TILE // 8, _zacc, 0)

        def _of(i, carry):
            rowsv[i // 8, pl.ds((i % 8) * 16, 16)] = one16
            return carry
        lax.fori_loop(0, 128 * 8, _of, 0)
        plsc.subcore_barrier()

        def _dstep(j, carry):
            pltpu.sync_copy(rowsv, acc_sp.at[dstv.at[c * (ECS // 2) + j]],
                            add=True)
            return carry
        lax.fori_loop(0, ECS // 2, _dstep, 0)
        plsc.subcore_barrier()

        pltpu.sync_copy(acc_sp.at[pl.ds(base, ROWS_PER_TILE)],
                        deg2_hbm.at[c].at[pl.ds(base, ROWS_PER_TILE)])


def _make_sc_call(use_perm, do_deg):
    mesh = plsc.VectorSubcoreMesh(core_axis_name="c", subcore_axis_name="s",
                                  num_cores=NC, num_subcores=NS)
    out_type = [jax.ShapeDtypeStruct((4, NPAD, 128), jnp.float32)]
    if do_deg:
        out_type.append(jax.ShapeDtypeStruct((NC, NPAD, 128), jnp.float32))
    else:
        out_type.append(jax.ShapeDtypeStruct((4, NPAD, 128), jnp.float32))
    scratch_types = [
        pltpu.VMEM_SHARED((NPAD, DH), jnp.float32),
        pltpu.VMEM((ECS, 128), jnp.int32),
        pltpu.VMEM((ECS, 128), jnp.int32),
        pltpu.VMEM((128, DH), jnp.float32),
        pltpu.VMEM((8, 128), jnp.float32),
    ]
    if use_perm:
        scratch_types.append(
            pltpu.VMEM((ROWS_PER_TILE // 128, 128), jnp.int32))
    scratch_types.append(pltpu.SemaphoreType.DMA)
    return pl.kernel(functools.partial(_sc_body, use_perm, do_deg),
                     out_type=out_type, mesh=mesh,
                     scratch_types=scratch_types)


def _cn_body(cb_ref, out_ref):
    cb = cb_ref[0]
    nrm = jnp.sqrt(jnp.sum(cb * cb, axis=-1, keepdims=True))
    out_ref[0] = cb / (nrm + 1e-8)


_cn_call = pl.pallas_call(
    _cn_body,
    grid=(Q,),
    in_specs=[pl.BlockSpec((1, K, H), lambda q: (q, 0, 0))],
    out_specs=pl.BlockSpec((1, K, H), lambda q: (q, 0, 0)),
    out_shape=jax.ShapeDtypeStruct((Q, K, H), jnp.float32),
)


def _mat_body(x_ref, w_ref, m_ref):
    m = jax.lax.dot_general(x_ref[...], w_ref[...], (((1,), (0,)), ((), ())),
                            preferred_element_type=jnp.float32)
    for qd in range(4):
        m_ref[qd] = m[:, qd * 128:(qd + 1) * 128]


_mat_call = pl.pallas_call(
    _mat_body,
    grid=(NB,),
    in_specs=[
        pl.BlockSpec((BN, D_IN), lambda i: (i, 0)),
        pl.BlockSpec((D_IN, H), lambda i: (0, 0)),
    ],
    out_specs=pl.BlockSpec((4, BN, 128), lambda i: (0, i, 0)),
    out_shape=jax.ShapeDtypeStruct((4, NPAD, 128), jnp.float32),
)


def _tc_body(a0_ref, a1_ref, a2_ref, a3_ref, dega_ref, degb_ref, b_ref,
             cn_ref,
             z_ref, q_ref, idx_ref, s_ref, sq_ref, loss_ref,
             zsum, qsum, lsum):
    i = pl.program_id(0)

    @pl.when(i == 0)
    def _init():
        zsum[...] = jnp.zeros_like(zsum)
        qsum[...] = jnp.zeros_like(qsum)
        for qi in range(Q):
            lsum[qi] = 0.0

    agg = jnp.concatenate([a0_ref[...], a1_ref[...], a2_ref[...],
                           a3_ref[...]], axis=1)
    deg = jnp.maximum(dega_ref[:, 0:1] + degb_ref[:, 0:1], 1.0)
    z = jnp.maximum(agg / deg + b_ref[...], 0.0)
    z_ref[...] = z

    rowid = i * BN + lax.broadcasted_iota(jnp.int32, (BN, 1), 0)
    mask = (rowid < N).astype(jnp.float32)

    r = z
    qacc = jnp.zeros_like(z)
    idx_cols = []
    for qi in range(Q):
        cn = cn_ref[qi]
        rn = r / (jnp.sqrt(jnp.sum(r * r, axis=-1, keepdims=True)) + 1e-8)
        sim = jax.lax.dot_general(rn, cn, (((1,), (1,)), ((), ())),
                                  preferred_element_type=jnp.float32)
        mx = jnp.max(sim, axis=-1, keepdims=True)
        kiota = lax.broadcasted_iota(jnp.int32, (BN, K), 1)
        idx = jnp.min(jnp.where(sim >= mx, kiota, K), axis=-1)
        onehot = (kiota == idx[:, None]).astype(jnp.float32)
        quant = jax.lax.dot_general(onehot, cn, (((1,), (0,)), ((), ())),
                                    precision=lax.Precision.HIGHEST,
                                    preferred_element_type=jnp.float32)
        diff = quant - r
        lsum[qi] += jnp.sum(diff * diff * mask)
        idx_cols.append(idx[:, None])
        r = r - quant
        qacc = qacc + quant

    q_ref[...] = qacc
    idx_ref[...] = jnp.concatenate(idx_cols, axis=1)
    zsum[...] += jnp.sum(z * mask, axis=0, keepdims=True)
    qsum[...] += jnp.sum(qacc * mask, axis=0, keepdims=True)

    @pl.when(i == NB - 1)
    def _fin():
        s_ref[...] = jax.nn.sigmoid(zsum[...] / N)
        sq_ref[...] = jax.nn.sigmoid(qsum[...] / N)
        total = (lsum[0] + lsum[1] + lsum[2] + lsum[3]) / (N * H)
        loss_ref[...] = jnp.full((1, 1), total, jnp.float32)


_tc_call = pl.pallas_call(
    _tc_body,
    grid=(NB,),
    in_specs=[
        pl.BlockSpec((BN, 128), lambda i: (i, 0)),
        pl.BlockSpec((BN, 128), lambda i: (i, 0)),
        pl.BlockSpec((BN, 128), lambda i: (i, 0)),
        pl.BlockSpec((BN, 128), lambda i: (i, 0)),
        pl.BlockSpec((BN, 128), lambda i: (i, 0)),
        pl.BlockSpec((BN, 128), lambda i: (i, 0)),
        pl.BlockSpec((1, H), lambda i: (0, 0)),
        pl.BlockSpec((Q, K, H), lambda i: (0, 0, 0)),
    ],
    out_specs=[
        pl.BlockSpec((BN, H), lambda i: (i, 0)),
        pl.BlockSpec((BN, H), lambda i: (i, 0)),
        pl.BlockSpec((BN, Q), lambda i: (i, 0)),
        pl.BlockSpec((1, H), lambda i: (0, 0)),
        pl.BlockSpec((1, H), lambda i: (0, 0)),
        pl.BlockSpec((1, 1), lambda i: (0, 0)),
    ],
    out_shape=[
        jax.ShapeDtypeStruct((N, H), jnp.float32),
        jax.ShapeDtypeStruct((N, H), jnp.float32),
        jax.ShapeDtypeStruct((N, Q), jnp.int32),
        jax.ShapeDtypeStruct((1, H), jnp.float32),
        jax.ShapeDtypeStruct((1, H), jnp.float32),
        jax.ShapeDtypeStruct((1, 1), jnp.float32),
    ],
    scratch_shapes=[
        pltpu.VMEM((1, H), jnp.float32),
        pltpu.VMEM((1, H), jnp.float32),
        pltpu.SMEM((Q,), jnp.float32),
    ],
)


def kernel(x, edge_index, perm, W_enc, b_enc, codebooks):
    src = edge_index[0]
    dst = edge_index[1]
    pad = E_PAD - E
    srcp = jnp.concatenate([src, jnp.zeros((pad,), jnp.int32)]).reshape(
        NS, ECS, 128)
    dstp = jnp.concatenate([dst, jnp.full((pad,), TRASH, jnp.int32)]).reshape(
        NS, ECS, 128)
    permr = jnp.concatenate([perm, jnp.zeros((NPAD - N,), jnp.int32)]).reshape(
        NS, ROWS_PER_TILE // 128, 128)
    xpad = jnp.concatenate(
        [x, jnp.zeros((NPAD - N, D_IN), jnp.float32)], axis=0)

    m4 = _mat_call(xpad, W_enc)
    agg4_p, deg2 = _make_sc_call(False, True)(m4, srcp, dstp, permr)
    agg4_n, _ = _make_sc_call(True, False)(m4, srcp, dstp, permr)

    cn = _cn_call(codebooks)
    b2 = b_enc.reshape(1, H)

    zp, qp, idxp, sp, sqp, lp = _tc_call(
        agg4_p[0], agg4_p[1], agg4_p[2], agg4_p[3],
        deg2[0], deg2[1], b2, cn)
    zn, qn, _, _, _, ln = _tc_call(
        agg4_n[0], agg4_n[1], agg4_n[2], agg4_n[3],
        deg2[0], deg2[1], b2, cn)

    return (zp, zn, sp[0], qp, qn, sqp[0], lp[0, 0], ln[0, 0], idxp)

# --- scband reference (transcript-rebuilt; emitter-appended) ---
"""Pipeline reference for scband-deep-graph-infomax-78314433675269 (READ-ONLY COPY).

The authoritative reference and input builder live on the scoring server;
editing this copy changes nothing except your own understanding.
"""

import jax, jax.numpy as jnp
import numpy as np

N = 10000
E = 160000
D_IN = 256
H = 512
Q = 4
K = 1024


def setup_inputs(seed: int = 0) -> dict:
    key = jax.random.key(seed)
    ks = jax.random.split(key, 6)
    x = jax.random.normal(ks[0], (N, D_IN), dtype=jnp.float32)
    edge_index = jax.random.randint(ks[1], (2, E), 0, N, dtype=jnp.int32)
    perm = jax.random.permutation(ks[2], N).astype(jnp.int32)
    W_enc = jax.random.normal(ks[3], (D_IN, H), dtype=jnp.float32) * 0.05
    b_enc = jnp.zeros((H,), dtype=jnp.float32)
    codebooks = jax.random.normal(ks[4], (Q, K, H), dtype=jnp.float32)
    return {"x": x, "edge_index": edge_index, "perm": perm,
            "W_enc": W_enc, "b_enc": b_enc, "codebooks": codebooks}


def gcn_encoder(x, edge_index, W_enc, b_enc):
    src = edge_index[0]
    dst = edge_index[1]
    m = jnp.take(x, src, axis=0) @ W_enc
    agg = jax.ops.segment_sum(m, dst, num_segments=N)
    deg = jax.ops.segment_sum(jnp.ones((E,), dtype=jnp.float32), dst, num_segments=N)
    deg = jnp.maximum(deg, 1.0)
    return jax.nn.relu(agg / deg[:, None] + b_enc)


def residual_vq(z, codebooks):
    residual = z
    q_out = jnp.zeros_like(z)
    idxs = []
    losses = []
    for i in range(Q):
        cb = codebooks[i]
        r_n = residual / (jnp.linalg.norm(residual, axis=-1, keepdims=True) + 1e-8)
        c_n = cb / (jnp.linalg.norm(cb, axis=-1, keepdims=True) + 1e-8)
        sim = r_n @ c_n.T
        idx = jnp.argmax(sim, axis=-1)
        quant = jnp.take(c_n, idx, axis=0)
        commit = jnp.mean((jax.lax.stop_gradient(quant) - residual) ** 2)
        quant_st = residual + jax.lax.stop_gradient(quant - residual)
        residual = residual - jax.lax.stop_gradient(quant_st)
        q_out = q_out + quant_st
        idxs.append(idx)
        losses.append(commit)
    return q_out, jnp.stack(idxs, axis=-1), jnp.stack(losses)


def summary_fn(z):
    return jax.nn.sigmoid(jnp.mean(z, axis=0))


def reference(x, edge_index, perm, W_enc, b_enc, codebooks):
    pos_z = gcn_encoder(x, edge_index, W_enc, b_enc)
    pos_q, pos_idx, pos_losses = residual_vq(pos_z, codebooks)
    neg_x = jnp.take(x, perm, axis=0)
    neg_z = gcn_encoder(neg_x, edge_index, W_enc, b_enc)
    neg_q, neg_idx, neg_losses = residual_vq(neg_z, codebooks)
    s = summary_fn(pos_z)
    s_q = summary_fn(pos_q)
    return (pos_z, neg_z, s, pos_q, neg_q, s_q,
            jnp.sum(pos_losses), jnp.sum(neg_losses), pos_idx)

if __name__ == "__main__":
    import jax
    _d = setup_inputs()
    print(jax.jit(kernel)(*tuple(_d.values())))

</pallas_src>

<mosaic_0001>
#map = affine_map<(d0, d1) -> (0, 0, 0)>
module attributes {stable_mosaic.version = 14 : i64} {
  func.func @_sc_body(%arg0: i32, %arg1: i32, %arg2: memref<4x10240x128xf32, #tpu.memory_space<hbm>>, %arg3: memref<16x80x128xi32, #tpu.memory_space<hbm>>, %arg4: memref<16x80x128xi32, #tpu.memory_space<hbm>>, %arg5: memref<16x5x128xi32, #tpu.memory_space<hbm>>, %arg6: memref<4x10240x128xf32, #tpu.memory_space<hbm>>, %arg7: memref<2x10240x128xf32, #tpu.memory_space<hbm>>, %arg8: memref<10240x128xf32, #tpu.memory_space<vmem_shared>>, %arg9: memref<80x128xi32, #tpu.memory_space<vmem>>, %arg10: memref<80x128xi32, #tpu.memory_space<vmem>>, %arg11: memref<128x128xf32, #tpu.memory_space<vmem>>, %arg12: memref<8x128xf32, #tpu.memory_space<vmem>>, %arg13: memref<!tpu.dma_semaphore, #tpu.memory_space<semaphore_mem>>) attributes {dimension_semantics = [#tpu.dimension_semantics<core_parallel>, #tpu.dimension_semantics<subcore_parallel>], iteration_bounds = array<i64: 2, 16>, scalar_prefetch = 0 : i64, scratch_operands = 6 : i64, tpu.core_type = #tpu.core_type<sc_vector_subcore>, window_params = [{transform_indices = #map}, {transform_indices = #map}, {transform_indices = #map}, {transform_indices = #map}, {transform_indices = #map}, {transform_indices = #map}]} {
    %broadcast_in_dim3A = arith.constant 0.000000e+00 : f32
    %broadcast_in_dim3A_0 = vector.broadcast %broadcast_in_dim3A : f32 to vector<16xf32>
    %broadcast_in_dim3A_1 = arith.constant 1.000000e+00 : f32
    %broadcast_in_dim3A_2 = vector.broadcast %broadcast_in_dim3A_1 : f32 to vector<16xf32>
    %scan3A = arith.constant 0 : i32
    %scan3A_3 = arith.constant 0 : i32
    %scan3A_4 = arith.constant 64 : i32
    %scan3A_5 = arith.addi %scan3A_3, %scan3A_4 : i32
    %scan3A_6 = arith.constant 1 : i32
    scf.for %scan3A_65 = %scan3A_3 to %scan3A_5 step %scan3A_6  : i32 {
      %jit3A = arith.constant 8 : i32
      %div3A = arith.divsi %scan3A_65, %jit3A : i32
      %sign3A = arith.constant 0 : i32
      %sign3A_66 = arith.cmpi sgt, %scan3A_65, %sign3A : i32
      %sign3A_67 = arith.extui %sign3A_66 : i1 to i32
      %sign3A_68 = arith.constant 0 : i32
      %sign3A_69 = arith.cmpi slt, %scan3A_65, %sign3A_68 : i32
      %sign3A_70 = arith.extui %sign3A_69 : i1 to i32
      %sign3A_71 = arith.subi %sign3A_67, %sign3A_70 : i32
      %sign3A_72 = arith.constant 0 : i32
      %sign3A_73 = arith.cmpi sgt, %jit3A, %sign3A_72 : i32
      %sign3A_74 = arith.extui %sign3A_73 : i1 to i32
      %sign3A_75 = arith.constant 0 : i32
      %sign3A_76 = arith.cmpi slt, %jit3A, %sign3A_75 : i32
      %sign3A_77 = arith.extui %sign3A_76 : i1 to i32
      %sign3A_78 = arith.subi %sign3A_74, %sign3A_77 : i32
      %ne3A = arith.cmpi ne, %sign3A_71, %sign3A_78 : i32
      %rem3A = arith.remsi %scan3A_65, %jit3A : i32
      %ne3A_79 = arith.constant 0 : i32
      %ne3A_80 = arith.cmpi ne, %rem3A, %ne3A_79 : i32
      %and3A = arith.andi %ne3A, %ne3A_80 : i1
      %sub3A = arith.constant 1 : i32
      %sub3A_81 = arith.subi %div3A, %sub3A : i32
      %select_n3A = arith.select %and3A, %sub3A_81, %div3A : i32
      %jit3A_82 = arith.constant 8 : i32
      %eq3A = arith.constant 0 : i32
      %eq3A_83 = arith.cmpi eq, %jit3A_82, %eq3A : i32
      %jit3A_84 = arith.constant 1 : i32
      %select_n3A_85 = arith.select %eq3A_83, %jit3A_84, %jit3A_82 : i32
      %rem3A_86 = arith.remsi %scan3A_65, %select_n3A_85 : i32
      %ne3A_87 = arith.constant 0 : i32
      %ne3A_88 = arith.cmpi ne, %rem3A_86, %ne3A_87 : i32
      %lt3A = arith.constant 0 : i32
      %lt3A_89 = arith.cmpi slt, %rem3A_86, %lt3A : i32
      %lt3A_90 = arith.constant 0 : i32
      %lt3A_91 = arith.cmpi slt, %select_n3A_85, %lt3A_90 : i32
      %ne3A_92 = arith.xori %lt3A_89, %lt3A_91 : i1
      %and3A_93 = arith.andi %ne3A_92, %ne3A_88 : i1
      %add3A_94 = arith.addi %rem3A_86, %select_n3A_85 : i32
      %select_n3A_95 = arith.select %and3A_93, %add3A_94, %rem3A_86 : i32
      %mul3A_96 = arith.constant 16 : i32
      %mul3A_97 = arith.muli %select_n3A_95, %mul3A_96 : i32
      %swap3A = arith.index_cast %select_n3A : i32 to index
      %swap3A_98 = arith.index_cast %mul3A_97 : i32 to index
      %swap3A_99 = tpu.vector_load %arg12[%swap3A, %swap3A_98] {strides = array<i32>} : memref<8x128xf32, #tpu.memory_space<vmem>>, vector<1x16xf32>,
      %swap3A_100 = vector.shape_cast %swap3A_99 : vector<1x16xf32> to vector<16xf32>
      %swap3A_101 = vector.shape_cast %broadcast_in_dim3A_0 : vector<16xf32> to vector<1x16xf32>
      tpu.vector_store %arg12[%swap3A, %swap3A_98], %swap3A_101 {strides = array<i32>} : memref<8x128xf32, #tpu.memory_space<vmem>>, vector<1x16xf32>,
    }
    %scan3A_7 = arith.constant 64 : i32
    %mul3A = arith.constant 640 : i32
    %mul3A_8 = arith.muli %arg1, %mul3A : i32
    %scan3A_9 = arith.constant 0 : i32
    %scan3A_10 = arith.constant 0 : i32
    %scan3A_11 = arith.constant 80 : i32
    %scan3A_12 = arith.addi %scan3A_10, %scan3A_11 : i32
    %scan3A_13 = arith.constant 1 : i32
    scf.for %scan3A_65 = %scan3A_10 to %scan3A_12 step %scan3A_13  : i32 {
      %mul3A_66 = arith.constant 8 : i32
      %mul3A_67 = arith.muli %scan3A_65, %mul3A_66 : i32
      %add3A_68 = arith.addi %mul3A_8, %mul3A_67 : i32
      "tpu.region"() ({
        %run_scoped3A = tpu.sem_alloc : memref<!tpu.dma_semaphore, #tpu.memory_space<semaphore_mem>>
        %dma_start3A = arith.constant 0 : i32
        %dma_start3A_69 = tpu.memref_slice %arg8[%add3A_68, %dma_start3A] : memref<10240x128xf32, #tpu.memory_space<vmem_shared>> -> memref<8x128xf32, #tpu.memory_space<vmem_shared>>
        %dma_start3A_70 = arith.constant 0 : i32
        %dma_start3A_71 = tpu.memref_slice %arg8[%add3A_68, %dma_start3A_70] : memref<10240x128xf32, #tpu.memory_space<vmem_shared>> -> memref<8x128xf32, #tpu.memory_space<vmem_shared>>
        tpu.enqueue_dma source(%arg12 : memref<8x128xf32, #tpu.memory_space<vmem>>) target(%dma_start3A_71 : memref<8x128xf32, #tpu.memory_space<vmem_shared>>) target_semaphore(%run_scoped3A : memref<!tpu.dma_semaphore, #tpu.memory_space<semaphore_mem>>)
        %dma_wait3A = arith.constant 0 : i32
        %dma_wait3A_72 = tpu.memref_slice %arg8[%add3A_68, %dma_wait3A] : memref<10240x128xf32, #tpu.memory_space<vmem_shared>> -> memref<8x128xf32, #tpu.memory_space<vmem_shared>>
        %dma_wait3A_73 = arith.constant 0 : i32
        %dma_wait3A_74 = tpu.memref_slice %arg8[%add3A_68, %dma_wait3A_73] : memref<10240x128xf32, #tpu.memory_space<vmem_shared>> -> memref<8x128xf32, #tpu.memory_space<vmem_shared>>
        tpu.wait_dma2 semaphore(%run_scoped3A : memref<!tpu.dma_semaphore, #tpu.memory_space<semaphore_mem>>) src(%arg12 : memref<8x128xf32, #tpu.memory_space<vmem>>) dst(%dma_wait3A_74 : memref<8x128xf32, #tpu.memory_space<vmem_shared>>)
        tpu.yield
      }) : () -> ()
    }
    %scan3A_14 = arith.constant 80 : i32
    "tpu.region"() ({
      %run_scoped3A = tpu.sem_alloc : memref<!tpu.dma_semaphore, #tpu.memory_space<semaphore_mem>>
      %dma_start3A = arith.constant 0 : i32
      %dma_start3A_65 = arith.constant 0 : i32
      %dma_start3A_66 = tpu.memref_slice %arg3[%arg1, %dma_start3A, %dma_start3A_65] : memref<16x80x128xi32, #tpu.memory_space<hbm>> -> memref<1x80x128xi32, #tpu.memory_space<hbm>>
      %dma_start3A_67 = tpu.memref_squeeze %dma_start3A_66 : memref<1x80x128xi32, #tpu.memory_space<hbm>> -> memref<80x128xi32, #tpu.memory_space<hbm>>
      %dma_start3A_68 = arith.constant 0 : i32
      %dma_start3A_69 = arith.constant 0 : i32
      %dma_start3A_70 = tpu.memref_slice %arg3[%arg1, %dma_start3A_68, %dma_start3A_69] : memref<16x80x128xi32, #tpu.memory_space<hbm>> -> memref<1x80x128xi32, #tpu.memory_space<hbm>>
      %dma_start3A_71 = tpu.memref_squeeze %dma_start3A_70 : memref<1x80x128xi32, #tpu.memory_space<hbm>> -> memref<80x128xi32, #tpu.memory_space<hbm>>
      tpu.enqueue_dma source(%dma_start3A_71 : memref<80x128xi32, #tpu.memory_space<hbm>>) target(%arg9 : memref<80x128xi32, #tpu.memory_space<vmem>>) target_semaphore(%run_scoped3A : memref<!tpu.dma_semaphore, #tpu.memory_space<semaphore_mem>>)
      %dma_wait3A = arith.constant 0 : i32
      %dma_wait3A_72 = arith.constant 0 : i32
      %dma_wait3A_73 = tpu.memref_slice %arg3[%arg1, %dma_wait3A, %dma_wait3A_72] : memref<16x80x128xi32, #tpu.memory_space<hbm>> -> memref<1x80x128xi32, #tpu.memory_space<hbm>>
      %dma_wait3A_74 = tpu.memref_squeeze %dma_wait3A_73 : memref<1x80x128xi32, #tpu.memory_space<hbm>> -> memref<80x128xi32, #tpu.memory_space<hbm>>
      %dma_wait3A_75 = arith.constant 0 : i32
      %dma_wait3A_76 = arith.constant 0 : i32
      %dma_wait3A_77 = tpu.memref_slice %arg3[%arg1, %dma_wait3A_75, %dma_wait3A_76] : memref<16x80x128xi32, #tpu.memory_space<hbm>> -> memref<1x80x128xi32, #tpu.memory_space<hbm>>
      %dma_wait3A_78 = tpu.memref_squeeze %dma_wait3A_77 : memref<1x80x128xi32, #tpu.memory_space<hbm>> -> memref<80x128xi32, #tpu.memory_space<hbm>>
      tpu.wait_dma2 semaphore(%run_scoped3A : memref<!tpu.dma_semaphore, #tpu.memory_space<semaphore_mem>>) src(%dma_wait3A_78 : memref<80x128xi32, #tpu.memory_space<hbm>>) dst(%arg9 : memref<80x128xi32, #tpu.memory_space<vmem>>)
      tpu.yield
    }) : () -> ()
    "tpu.region"() ({
      %run_scoped3A = tpu.sem_alloc : memref<!tpu.dma_semaphore, #tpu.memory_space<semaphore_mem>>
      %dma_start3A = arith.constant 0 : i32
      %dma_start3A_65 = arith.constant 0 : i32
      %dma_start3A_66 = tpu.memref_slice %arg4[%arg1, %dma_start3A, %dma_start3A_65] : memref<16x80x128xi32, #tpu.memory_space<hbm>> -> memref<1x80x128xi32, #tpu.memory_space<hbm>>
      %dma_start3A_67 = tpu.memref_squeeze %dma_start3A_66 : memref<1x80x128xi32, #tpu.memory_space<hbm>> -> memref<80x128xi32, #tpu.memory_space<hbm>>
      %dma_start3A_68 = arith.constant 0 : i32
      %dma_start3A_69 = arith.constant 0 : i32
      %dma_start3A_70 = tpu.memref_slice %arg4[%arg1, %dma_start3A_68, %dma_start3A_69] : memref<16x80x128xi32, #tpu.memory_space<hbm>> -> memref<1x80x128xi32, #tpu.memory_space<hbm>>
      %dma_start3A_71 = tpu.memref_squeeze %dma_start3A_70 : memref<1x80x128xi32, #tpu.memory_space<hbm>> -> memref<80x128xi32, #tpu.memory_space<hbm>>
      tpu.enqueue_dma source(%dma_start3A_71 : memref<80x128xi32, #tpu.memory_space<hbm>>) target(%arg10 : memref<80x128xi32, #tpu.memory_space<vmem>>) target_semaphore(%run_scoped3A : memref<!tpu.dma_semaphore, #tpu.memory_space<semaphore_mem>>)
      %dma_wait3A = arith.constant 0 : i32
      %dma_wait3A_72 = arith.constant 0 : i32
      %dma_wait3A_73 = tpu.memref_slice %arg4[%arg1, %dma_wait3A, %dma_wait3A_72] : memref<16x80x128xi32, #tpu.memory_space<hbm>> -> memref<1x80x128xi32, #tpu.memory_space<hbm>>
      %dma_wait3A_74 = tpu.memref_squeeze %dma_wait3A_73 : memref<1x80x128xi32, #tpu.memory_space<hbm>> -> memref<80x128xi32, #tpu.memory_space<hbm>>
      %dma_wait3A_75 = arith.constant 0 : i32
      %dma_wait3A_76 = arith.constant 0 : i32
      %dma_wait3A_77 = tpu.memref_slice %arg4[%arg1, %dma_wait3A_75, %dma_wait3A_76] : memref<16x80x128xi32, #tpu.memory_space<hbm>> -> memref<1x80x128xi32, #tpu.memory_space<hbm>>
      %dma_wait3A_78 = tpu.memref_squeeze %dma_wait3A_77 : memref<1x80x128xi32, #tpu.memory_space<hbm>> -> memref<80x128xi32, #tpu.memory_space<hbm>>
      tpu.wait_dma2 semaphore(%run_scoped3A : memref<!tpu.dma_semaphore, #tpu.memory_space<semaphore_mem>>) src(%dma_wait3A_78 : memref<80x128xi32, #tpu.memory_space<hbm>>) dst(%arg10 : memref<80x128xi32, #tpu.memory_space<vmem>>)
      tpu.yield
    }) : () -> ()
    %barrier3A = arith.constant 0 : index
    tpu.barrier barrier_id(%barrier3A)
    %mul3A_15 = arith.constant 2 : i32
    %mul3A_16 = arith.muli %mul3A_15, %arg0 : i32
    %add3A = arith.constant 0 : i32
    %add3A_17 = arith.addi %mul3A_16, %add3A : i32
    %scan3A_18 = arith.constant 0 : i32
    %scan3A_19 = arith.constant 0 : i32
    %scan3A_20 = arith.constant 80 : i32
    %scan3A_21 = arith.addi %scan3A_19, %scan3A_20 : i32
    %scan3A_22 = arith.constant 1 : i32
    scf.for %scan3A_65 = %scan3A_19 to %scan3A_21 step %scan3A_22  : i32 {
      %dma_start3A = arith.constant 0 : i32
      %dma_start3A_66 = tpu.memref_slice %arg9[%scan3A_65, %dma_start3A] : memref<80x128xi32, #tpu.memory_space<vmem>> -> memref<1x128xi32, #tpu.memory_space<vmem>>
      %dma_start3A_67 = tpu.memref_squeeze %dma_start3A_66 : memref<1x128xi32, #tpu.memory_space<vmem>> -> memref<128xi32, #tpu.memory_space<vmem>>
      %dma_start3A_68 = arith.constant 0 : i32
      %dma_start3A_69 = arith.constant 0 : i32
      %dma_start3A_70 = tpu.memref_slice %arg2[%add3A_17, %dma_start3A_68, %dma_start3A_69] : memref<4x10240x128xf32, #tpu.memory_space<hbm>> -> memref<1x10240x128xf32, #tpu.memory_space<hbm>>
      %dma_start3A_71 = tpu.memref_squeeze %dma_start3A_70 : memref<1x10240x128xf32, #tpu.memory_space<hbm>> -> memref<10240x128xf32, #tpu.memory_space<hbm>>
      %dma_start3A_72 = arith.constant 0 : i32
      %dma_start3A_73 = arith.constant 0 : i32
      %dma_start3A_74 = tpu.memref_slice %dma_start3A_71[%dma_start3A_72, %dma_start3A_73] : memref<10240x128xf32, #tpu.memory_space<hbm>> -> memref<10240x128xf32, #tpu.memory_space<hbm>>
      tpu.enqueue_indirect_dma source(%dma_start3A_74 : memref<10240x128xf32, #tpu.memory_space<hbm>>) target(%arg11 : memref<128x128xf32, #tpu.memory_space<vmem>>) offsets(%dma_start3A_67 : memref<128xi32, #tpu.memory_space<vmem>>) semaphore(%arg13 : memref<!tpu.dma_semaphore, #tpu.memory_space<semaphore_mem>>)
      %dma_wait3A = arith.constant 0 : i32
      %dma_wait3A_75 = tpu.memref_slice %arg9[%scan3A_65, %dma_wait3A] : memref<80x128xi32, #tpu.memory_space<vmem>> -> memref<1x128xi32, #tpu.memory_space<vmem>>
      %dma_wait3A_76 = tpu.memref_squeeze %dma_wait3A_75 : memref<1x128xi32, #tpu.memory_space<vmem>> -> memref<128xi32, #tpu.memory_space<vmem>>
      %dma_wait3A_77 = arith.constant 0 : i32
      %dma_wait3A_78 = arith.constant 0 : i32
      %dma_wait3A_79 = tpu.memref_slice %arg2[%add3A_17, %dma_wait3A_77, %dma_wait3A_78] : memref<4x10240x128xf32, #tpu.memory_space<hbm>> -> memref<1x10240x128xf32, #tpu.memory_space<hbm>>
      %dma_wait3A_80 = tpu.memref_squeeze %dma_wait3A_79 : memref<1x10240x128xf32, #tpu.memory_space<hbm>> -> memref<10240x128xf32, #tpu.memory_space<hbm>>
      %dma_wait3A_81 = arith.constant 0 : i32
      %dma_wait3A_82 = arith.constant 0 : i32
      %dma_wait3A_83 = tpu.memref_slice %dma_wait3A_80[%dma_wait3A_81, %dma_wait3A_82] : memref<10240x128xf32, #tpu.memory_space<hbm>> -> memref<10240x128xf32, #tpu.memory_space<hbm>>
      tpu.wait_indirect_dma semaphore(%arg13 : memref<!tpu.dma_semaphore, #tpu.memory_space<semaphore_mem>>) src(%dma_wait3A_83 : memref<10240x128xf32, #tpu.memory_space<hbm>>) dst(%arg11 : memref<128x128xf32, #tpu.memory_space<vmem>>)
      "tpu.region"() ({
        %run_scoped3A = tpu.sem_alloc : memref<!tpu.dma_semaphore, #tpu.memory_space<semaphore_mem>>
        %dma_start3A_84 = arith.constant 0 : i32
        %dma_start3A_85 = tpu.memref_slice %arg10[%scan3A_65, %dma_start3A_84] : memref<80x128xi32, #tpu.memory_space<vmem>> -> memref<1x128xi32, #tpu.memory_space<vmem>>
        %dma_start3A_86 = tpu.memref_squeeze %dma_start3A_85 : memref<1x128xi32, #tpu.memory_space<vmem>> -> memref<128xi32, #tpu.memory_space<vmem>>
        %dma_start3A_87 = arith.constant 0 : i32
        %dma_start3A_88 = arith.constant 0 : i32
        %dma_start3A_89 = tpu.memref_slice %arg8[%dma_start3A_87, %dma_start3A_88] : memref<10240x128xf32, #tpu.memory_space<vmem_shared>> -> memref<10240x128xf32, #tpu.memory_space<vmem_shared>>
        tpu.enqueue_indirect_dma source(%arg11 : memref<128x128xf32, #tpu.memory_space<vmem>>) target(%dma_start3A_89 : memref<10240x128xf32, #tpu.memory_space<vmem_shared>>) offsets(%dma_start3A_86 : memref<128xi32, #tpu.memory_space<vmem>>) semaphore(%run_scoped3A : memref<!tpu.dma_semaphore, #tpu.memory_space<semaphore_mem>>) {add = true}
        %dma_wait3A_90 = arith.constant 0 : i32
        %dma_wait3A_91 = tpu.memref_slice %arg10[%scan3A_65, %dma_wait3A_90] : memref<80x128xi32, #tpu.memory_space<vmem>> -> memref<1x128xi32, #tpu.memory_space<vmem>>
        %dma_wait3A_92 = tpu.memref_squeeze %dma_wait3A_91 : memref<1x128xi32, #tpu.memory_space<vmem>> -> memref<128xi32, #tpu.memory_space<vmem>>
        %dma_wait3A_93 = arith.constant 0 : i32
        %dma_wait3A_94 = arith.constant 0 : i32
        %dma_wait3A_95 = tpu.memref_slice %arg8[%dma_wait3A_93, %dma_wait3A_94] : memref<10240x128xf32, #tpu.memory_space<vmem_shared>> -> memref<10240x128xf32, #tpu.memory_space<vmem_shared>>
        tpu.wait_indirect_dma semaphore(%run_scoped3A : memref<!tpu.dma_semaphore, #tpu.memory_space<semaphore_mem>>) src(%arg11 : memref<128x128xf32, #tpu.memory_space<vmem>>) dst(%dma_wait3A_95 : memref<10240x128xf32, #tpu.memory_space<vmem_shared>>)
        tpu.yield
      }) : () -> ()
    }
    %scan3A_23 = arith.constant 80 : i32
    %barrier3A_24 = arith.constant 0 : index
    tpu.barrier barrier_id(%barrier3A_24)
    "tpu.region"() ({
      %run_scoped3A = tpu.sem_alloc : memref<!tpu.dma_semaphore, #tpu.memory_space<semaphore_mem>>
      %dma_start3A = arith.constant 0 : i32
      %dma_start3A_65 = arith.constant 0 : i32
      %dma_start3A_66 = tpu.memref_slice %arg6[%add3A_17, %dma_start3A, %dma_start3A_65] : memref<4x10240x128xf32, #tpu.memory_space<hbm>> -> memref<1x10240x128xf32, #tpu.memory_space<hbm>>
      %dma_start3A_67 = tpu.memref_squeeze %dma_start3A_66 : memref<1x10240x128xf32, #tpu.memory_space<hbm>> -> memref<10240x128xf32, #tpu.memory_space<hbm>>
      %dma_start3A_68 = arith.constant 0 : i32
      %dma_start3A_69 = tpu.memref_slice %dma_start3A_67[%mul3A_8, %dma_start3A_68] : memref<10240x128xf32, #tpu.memory_space<hbm>> -> memref<640x128xf32, #tpu.memory_space<hbm>>
      %dma_start3A_70 = arith.constant 0 : i32
      %dma_start3A_71 = tpu.memref_slice %arg8[%mul3A_8, %dma_start3A_70] : memref<10240x128xf32, #tpu.memory_space<vmem_shared>> -> memref<640x128xf32, #tpu.memory_space<vmem_shared>>
      tpu.enqueue_dma source(%dma_start3A_71 : memref<640x128xf32, #tpu.memory_space<vmem_shared>>) target(%dma_start3A_69 : memref<640x128xf32, #tpu.memory_space<hbm>>) target_semaphore(%run_scoped3A : memref<!tpu.dma_semaphore, #tpu.memory_space<semaphore_mem>>)
      %dma_wait3A = arith.constant 0 : i32
      %dma_wait3A_72 = arith.constant 0 : i32
      %dma_wait3A_73 = tpu.memref_slice %arg6[%add3A_17, %dma_wait3A, %dma_wait3A_72] : memref<4x10240x128xf32, #tpu.memory_space<hbm>> -> memref<1x10240x128xf32, #tpu.memory_space<hbm>>
      %dma_wait3A_74 = tpu.memref_squeeze %dma_wait3A_73 : memref<1x10240x128xf32, #tpu.memory_space<hbm>> -> memref<10240x128xf32, #tpu.memory_space<hbm>>
      %dma_wait3A_75 = arith.constant 0 : i32
      %dma_wait3A_76 = tpu.memref_slice %dma_wait3A_74[%mul3A_8, %dma_wait3A_75] : memref<10240x128xf32, #tpu.memory_space<hbm>> -> memref<640x128xf32, #tpu.memory_space<hbm>>
      %dma_wait3A_77 = arith.constant 0 : i32
      %dma_wait3A_78 = tpu.memref_slice %arg8[%mul3A_8, %dma_wait3A_77] : memref<10240x128xf32, #tpu.memory_space<vmem_shared>> -> memref<640x128xf32, #tpu.memory_space<vmem_shared>>
      tpu.wait_dma2 semaphore(%run_scoped3A : memref<!tpu.dma_semaphore, #tpu.memory_space<semaphore_mem>>) src(%dma_wait3A_78 : memref<640x128xf32, #tpu.memory_space<vmem_shared>>) dst(%dma_wait3A_76 : memref<640x128xf32, #tpu.memory_space<hbm>>)
      tpu.yield
    }) : () -> ()
    %mul3A_25 = arith.constant 2 : i32
    %mul3A_26 = arith.muli %mul3A_25, %arg0 : i32
    %add3A_27 = arith.constant 1 : i32
    %add3A_28 = arith.addi %mul3A_26, %add3A_27 : i32
    %barrier3A_29 = arith.constant 0 : index
    tpu.barrier barrier_id(%barrier3A_29)
    %scan3A_30 = arith.constant 0 : i32
    %scan3A_31 = arith.constant 0 : i32
    %scan3A_32 = arith.constant 80 : i32
    %scan3A_33 = arith.addi %scan3A_31, %scan3A_32 : i32
    %scan3A_34 = arith.constant 1 : i32
    scf.for %scan3A_65 = %scan3A_31 to %scan3A_33 step %scan3A_34  : i32 {
      %mul3A_66 = arith.constant 8 : i32
      %mul3A_67 = arith.muli %scan3A_65, %mul3A_66 : i32
      %add3A_68 = arith.addi %mul3A_8, %mul3A_67 : i32
      "tpu.region"() ({
        %run_scoped3A = tpu.sem_alloc : memref<!tpu.dma_semaphore, #tpu.memory_space<semaphore_mem>>
        %dma_start3A = arith.constant 0 : i32
        %dma_start3A_69 = tpu.memref_slice %arg8[%add3A_68, %dma_start3A] : memref<10240x128xf32, #tpu.memory_space<vmem_shared>> -> memref<8x128xf32, #tpu.memory_space<vmem_shared>>
        %dma_start3A_70 = arith.constant 0 : i32
        %dma_start3A_71 = tpu.memref_slice %arg8[%add3A_68, %dma_start3A_70] : memref<10240x128xf32, #tpu.memory_space<vmem_shared>> -> memref<8x128xf32, #tpu.memory_space<vmem_shared>>
        tpu.enqueue_dma source(%arg12 : memref<8x128xf32, #tpu.memory_space<vmem>>) target(%dma_start3A_71 : memref<8x128xf32, #tpu.memory_space<vmem_shared>>) target_semaphore(%run_scoped3A : memref<!tpu.dma_semaphore, #tpu.memory_space<semaphore_mem>>)
        %dma_wait3A = arith.constant 0 : i32
        %dma_wait3A_72 = tpu.memref_slice %arg8[%add3A_68, %dma_wait3A] : memref<10240x128xf32, #tpu.memory_space<vmem_shared>> -> memref<8x128xf32, #tpu.memory_space<vmem_shared>>
        %dma_wait3A_73 = arith.constant 0 : i32
        %dma_wait3A_74 = tpu.memref_slice %arg8[%add3A_68, %dma_wait3A_73] : memref<10240x128xf32, #tpu.memory_space<vmem_shared>> -> memref<8x128xf32, #tpu.memory_space<vmem_shared>>
        tpu.wait_dma2 semaphore(%run_scoped3A : memref<!tpu.dma_semaphore, #tpu.memory_space<semaphore_mem>>) src(%arg12 : memref<8x128xf32, #tpu.memory_space<vmem>>) dst(%dma_wait3A_74 : memref<8x128xf32, #tpu.memory_space<vmem_shared>>)
        tpu.yield
      }) : () -> ()
    }
    %scan3A_35 = arith.constant 80 : i32
    %barrier3A_36 = arith.constant 0 : index
    tpu.barrier barrier_id(%barrier3A_36)
    %scan3A_37 = arith.constant 0 : i32
    %scan3A_38 = arith.constant 0 : i32
    %scan3A_39 = arith.constant 80 : i32
    %scan3A_40 = arith.addi %scan3A_38, %scan3A_39 : i32
    %scan3A_41 = arith.constant 1 : i32
    scf.for %scan3A_65 = %scan3A_38 to %scan3A_40 step %scan3A_41  : i32 {
      %dma_start3A = arith.constant 0 : i32
      %dma_start3A_66 = tpu.memref_slice %arg9[%scan3A_65, %dma_start3A] : memref<80x128xi32, #tpu.memory_space<vmem>> -> memref<1x128xi32, #tpu.memory_space<vmem>>
      %dma_start3A_67 = tpu.memref_squeeze %dma_start3A_66 : memref<1x128xi32, #tpu.memory_space<vmem>> -> memref<128xi32, #tpu.memory_space<vmem>>
      %dma_start3A_68 = arith.constant 0 : i32
      %dma_start3A_69 = arith.constant 0 : i32
      %dma_start3A_70 = tpu.memref_slice %arg2[%add3A_28, %dma_start3A_68, %dma_start3A_69] : memref<4x10240x128xf32, #tpu.memory_space<hbm>> -> memref<1x10240x128xf32, #tpu.memory_space<hbm>>
      %dma_start3A_71 = tpu.memref_squeeze %dma_start3A_70 : memref<1x10240x128xf32, #tpu.memory_space<hbm>> -> memref<10240x128xf32, #tpu.memory_space<hbm>>
      %dma_start3A_72 = arith.constant 0 : i32
      %dma_start3A_73 = arith.constant 0 : i32
      %dma_start3A_74 = tpu.memref_slice %dma_start3A_71[%dma_start3A_72, %dma_start3A_73] : memref<10240x128xf32, #tpu.memory_space<hbm>> -> memref<10240x128xf32, #tpu.memory_space<hbm>>
      tpu.enqueue_indirect_dma source(%dma_start3A_74 : memref<10240x128xf32, #tpu.memory_space<hbm>>) target(%arg11 : memref<128x128xf32, #tpu.memory_space<vmem>>) offsets(%dma_start3A_67 : memref<128xi32, #tpu.memory_space<vmem>>) semaphore(%arg13 : memref<!tpu.dma_semaphore, #tpu.memory_space<semaphore_mem>>)
      %dma_wait3A = arith.constant 0 : i32
      %dma_wait3A_75 = tpu.memref_slice %arg9[%scan3A_65, %dma_wait3A] : memref<80x128xi32, #tpu.memory_space<vmem>> -> memref<1x128xi32, #tpu.memory_space<vmem>>
      %dma_wait3A_76 = tpu.memref_squeeze %dma_wait3A_75 : memref<1x128xi32, #tpu.memory_space<vmem>> -> memref<128xi32, #tpu.memory_space<vmem>>
      %dma_wait3A_77 = arith.constant 0 : i32
      %dma_wait3A_78 = arith.constant 0 : i32
      %dma_wait3A_79 = tpu.memref_slice %arg2[%add3A_28, %dma_wait3A_77, %dma_wait3A_78] : memref<4x10240x128xf32, #tpu.memory_space<hbm>> -> memref<1x10240x128xf32, #tpu.memory_space<hbm>>
      %dma_wait3A_80 = tpu.memref_squeeze %dma_wait3A_79 : memref<1x10240x128xf32, #tpu.memory_space<hbm>> -> memref<10240x128xf32, #tpu.memory_space<hbm>>
      %dma_wait3A_81 = arith.constant 0 : i32
      %dma_wait3A_82 = arith.constant 0 : i32
      %dma_wait3A_83 = tpu.memref_slice %dma_wait3A_80[%dma_wait3A_81, %dma_wait3A_82] : memref<10240x128xf32, #tpu.memory_space<hbm>> -> memref<10240x128xf32, #tpu.memory_space<hbm>>
      tpu.wait_indirect_dma semaphore(%arg13 : memref<!tpu.dma_semaphore, #tpu.memory_space<semaphore_mem>>) src(%dma_wait3A_83 : memref<10240x128xf32, #tpu.memory_space<hbm>>) dst(%arg11 : memref<128x128xf32, #tpu.memory_space<vmem>>)
      "tpu.region"() ({
        %run_scoped3A = tpu.sem_alloc : memref<!tpu.dma_semaphore, #tpu.memory_space<semaphore_mem>>
        %dma_start3A_84 = arith.constant 0 : i32
        %dma_start3A_85 = tpu.memref_slice %arg10[%scan3A_65, %dma_start3A_84] : memref<80x128xi32, #tpu.memory_space<vmem>> -> memref<1x128xi32, #tpu.memory_space<vmem>>
        %dma_start3A_86 = tpu.memref_squeeze %dma_start3A_85 : memref<1x128xi32, #tpu.memory_space<vmem>> -> memref<128xi32, #tpu.memory_space<vmem>>
        %dma_start3A_87 = arith.constant 0 : i32
        %dma_start3A_88 = arith.constant 0 : i32
        %dma_start3A_89 = tpu.memref_slice %arg8[%dma_start3A_87, %dma_start3A_88] : memref<10240x128xf32, #tpu.memory_space<vmem_shared>> -> memref<10240x128xf32, #tpu.memory_space<vmem_shared>>
        tpu.enqueue_indirect_dma source(%arg11 : memref<128x128xf32, #tpu.memory_space<vmem>>) target(%dma_start3A_89 : memref<10240x128xf32, #tpu.memory_space<vmem_shared>>) offsets(%dma_start3A_86 : memref<128xi32, #tpu.memory_space<vmem>>) semaphore(%run_scoped3A : memref<!tpu.dma_semaphore, #tpu.memory_space<semaphore_mem>>) {add = true}
        %dma_wait3A_90 = arith.constant 0 : i32
        %dma_wait3A_91 = tpu.memref_slice %arg10[%scan3A_65, %dma_wait3A_90] : memref<80x128xi32, #tpu.memory_space<vmem>> -> memref<1x128xi32, #tpu.memory_space<vmem>>
        %dma_wait3A_92 = tpu.memref_squeeze %dma_wait3A_91 : memref<1x128xi32, #tpu.memory_space<vmem>> -> memref<128xi32, #tpu.memory_space<vmem>>
        %dma_wait3A_93 = arith.constant 0 : i32
        %dma_wait3A_94 = arith.constant 0 : i32
        %dma_wait3A_95 = tpu.memref_slice %arg8[%dma_wait3A_93, %dma_wait3A_94] : memref<10240x128xf32, #tpu.memory_space<vmem_shared>> -> memref<10240x128xf32, #tpu.memory_space<vmem_shared>>
        tpu.wait_indirect_dma semaphore(%run_scoped3A : memref<!tpu.dma_semaphore, #tpu.memory_space<semaphore_mem>>) src(%arg11 : memref<128x128xf32, #tpu.memory_space<vmem>>) dst(%dma_wait3A_95 : memref<10240x128xf32, #tpu.memory_space<vmem_shared>>)
        tpu.yield
      }) : () -> ()
    }
    %scan3A_42 = arith.constant 80 : i32
    %barrier3A_43 = arith.constant 0 : index
    tpu.barrier barrier_id(%barrier3A_43)
    "tpu.region"() ({
      %run_scoped3A = tpu.sem_alloc : memref<!tpu.dma_semaphore, #tpu.memory_space<semaphore_mem>>
      %dma_start3A = arith.constant 0 : i32
      %dma_start3A_65 = arith.constant 0 : i32
      %dma_start3A_66 = tpu.memref_slice %arg6[%add3A_28, %dma_start3A, %dma_start3A_65] : memref<4x10240x128xf32, #tpu.memory_space<hbm>> -> memref<1x10240x128xf32, #tpu.memory_space<hbm>>
      %dma_start3A_67 = tpu.memref_squeeze %dma_start3A_66 : memref<1x10240x128xf32, #tpu.memory_space<hbm>> -> memref<10240x128xf32, #tpu.memory_space<hbm>>
      %dma_start3A_68 = arith.constant 0 : i32
      %dma_start3A_69 = tpu.memref_slice %dma_start3A_67[%mul3A_8, %dma_start3A_68] : memref<10240x128xf32, #tpu.memory_space<hbm>> -> memref<640x128xf32, #tpu.memory_space<hbm>>
      %dma_start3A_70 = arith.constant 0 : i32
      %dma_start3A_71 = tpu.memref_slice %arg8[%mul3A_8, %dma_start3A_70] : memref<10240x128xf32, #tpu.memory_space<vmem_shared>> -> memref<640x128xf32, #tpu.memory_space<vmem_shared>>
      tpu.enqueue_dma source(%dma_start3A_71 : memref<640x128xf32, #tpu.memory_space<vmem_shared>>) target(%dma_start3A_69 : memref<640x128xf32, #tpu.memory_space<hbm>>) target_semaphore(%run_scoped3A : memref<!tpu.dma_semaphore, #tpu.memory_space<semaphore_mem>>)
      %dma_wait3A = arith.constant 0 : i32
      %dma_wait3A_72 = arith.constant 0 : i32
      %dma_wait3A_73 = tpu.memref_slice %arg6[%add3A_28, %dma_wait3A, %dma_wait3A_72] : memref<4x10240x128xf32, #tpu.memory_space<hbm>> -> memref<1x10240x128xf32, #tpu.memory_space<hbm>>
      %dma_wait3A_74 = tpu.memref_squeeze %dma_wait3A_73 : memref<1x10240x128xf32, #tpu.memory_space<hbm>> -> memref<10240x128xf32, #tpu.memory_space<hbm>>
      %dma_wait3A_75 = arith.constant 0 : i32
      %dma_wait3A_76 = tpu.memref_slice %dma_wait3A_74[%mul3A_8, %dma_wait3A_75] : memref<10240x128xf32, #tpu.memory_space<hbm>> -> memref<640x128xf32, #tpu.memory_space<hbm>>
      %dma_wait3A_77 = arith.constant 0 : i32
      %dma_wait3A_78 = tpu.memref_slice %arg8[%mul3A_8, %dma_wait3A_77] : memref<10240x128xf32, #tpu.memory_space<vmem_shared>> -> memref<640x128xf32, #tpu.memory_space<vmem_shared>>
      tpu.wait_dma2 semaphore(%run_scoped3A : memref<!tpu.dma_semaphore, #tpu.memory_space<semaphore_mem>>) src(%dma_wait3A_78 : memref<640x128xf32, #tpu.memory_space<vmem_shared>>) dst(%dma_wait3A_76 : memref<640x128xf32, #tpu.memory_space<hbm>>)
      tpu.yield
    }) : () -> ()
    %barrier3A_44 = arith.constant 0 : index
    tpu.barrier barrier_id(%barrier3A_44)
    %scan3A_45 = arith.constant 0 : i32
    %scan3A_46 = arith.constant 0 : i32
    %scan3A_47 = arith.constant 80 : i32
    %scan3A_48 = arith.addi %scan3A_46, %scan3A_47 : i32
    %scan3A_49 = arith.constant 1 : i32
    scf.for %scan3A_65 = %scan3A_46 to %scan3A_48 step %scan3A_49  : i32 {
      %mul3A_66 = arith.constant 8 : i32
      %mul3A_67 = arith.muli %scan3A_65, %mul3A_66 : i32
      %add3A_68 = arith.addi %mul3A_8, %mul3A_67 : i32
      "tpu.region"() ({
        %run_scoped3A = tpu.sem_alloc : memref<!tpu.dma_semaphore, #tpu.memory_space<semaphore_mem>>
        %dma_start3A = arith.constant 0 : i32
        %dma_start3A_69 = tpu.memref_slice %arg8[%add3A_68, %dma_start3A] : memref<10240x128xf32, #tpu.memory_space<vmem_shared>> -> memref<8x128xf32, #tpu.memory_space<vmem_shared>>
        %dma_start3A_70 = arith.constant 0 : i32
        %dma_start3A_71 = tpu.memref_slice %arg8[%add3A_68, %dma_start3A_70] : memref<10240x128xf32, #tpu.memory_space<vmem_shared>> -> memref<8x128xf32, #tpu.memory_space<vmem_shared>>
        tpu.enqueue_dma source(%arg12 : memref<8x128xf32, #tpu.memory_space<vmem>>) target(%dma_start3A_71 : memref<8x128xf32, #tpu.memory_space<vmem_shared>>) target_semaphore(%run_scoped3A : memref<!tpu.dma_semaphore, #tpu.memory_space<semaphore_mem>>)
        %dma_wait3A = arith.constant 0 : i32
        %dma_wait3A_72 = tpu.memref_slice %arg8[%add3A_68, %dma_wait3A] : memref<10240x128xf32, #tpu.memory_space<vmem_shared>> -> memref<8x128xf32, #tpu.memory_space<vmem_shared>>
        %dma_wait3A_73 = arith.constant 0 : i32
        %dma_wait3A_74 = tpu.memref_slice %arg8[%add3A_68, %dma_wait3A_73] : memref<10240x128xf32, #tpu.memory_space<vmem_shared>> -> memref<8x128xf32, #tpu.memory_space<vmem_shared>>
        tpu.wait_dma2 semaphore(%run_scoped3A : memref<!tpu.dma_semaphore, #tpu.memory_space<semaphore_mem>>) src(%arg12 : memref<8x128xf32, #tpu.memory_space<vmem>>) dst(%dma_wait3A_74 : memref<8x128xf32, #tpu.memory_space<vmem_shared>>)
        tpu.yield
      }) : () -> ()
    }
    %scan3A_50 = arith.constant 80 : i32
    %scan3A_51 = arith.constant 0 : i32
    %scan3A_52 = arith.constant 0 : i32
    %scan3A_53 = arith.constant 1024 : i32
    %scan3A_54 = arith.addi %scan3A_52, %scan3A_53 : i32
    %scan3A_55 = arith.constant 1 : i32
    scf.for %scan3A_65 = %scan3A_52 to %scan3A_54 step %scan3A_55  : i32 {
      %jit3A = arith.constant 8 : i32
      %div3A = arith.divsi %scan3A_65, %jit3A : i32
      %sign3A = arith.constant 0 : i32
      %sign3A_66 = arith.cmpi sgt, %scan3A_65, %sign3A : i32
      %sign3A_67 = arith.extui %sign3A_66 : i1 to i32
      %sign3A_68 = arith.constant 0 : i32
      %sign3A_69 = arith.cmpi slt, %scan3A_65, %sign3A_68 : i32
      %sign3A_70 = arith.extui %sign3A_69 : i1 to i32
      %sign3A_71 = arith.subi %sign3A_67, %sign3A_70 : i32
      %sign3A_72 = arith.constant 0 : i32
      %sign3A_73 = arith.cmpi sgt, %jit3A, %sign3A_72 : i32
      %sign3A_74 = arith.extui %sign3A_73 : i1 to i32
      %sign3A_75 = arith.constant 0 : i32
      %sign3A_76 = arith.cmpi slt, %jit3A, %sign3A_75 : i32
      %sign3A_77 = arith.extui %sign3A_76 : i1 to i32
      %sign3A_78 = arith.subi %sign3A_74, %sign3A_77 : i32
      %ne3A = arith.cmpi ne, %sign3A_71, %sign3A_78 : i32
      %rem3A = arith.remsi %scan3A_65, %jit3A : i32
      %ne3A_79 = arith.constant 0 : i32
      %ne3A_80 = arith.cmpi ne, %rem3A, %ne3A_79 : i32
      %and3A = arith.andi %ne3A, %ne3A_80 : i1
      %sub3A = arith.constant 1 : i32
      %sub3A_81 = arith.subi %div3A, %sub3A : i32
      %select_n3A = arith.select %and3A, %sub3A_81, %div3A : i32
      %jit3A_82 = arith.constant 8 : i32
      %eq3A = arith.constant 0 : i32
      %eq3A_83 = arith.cmpi eq, %jit3A_82, %eq3A : i32
      %jit3A_84 = arith.constant 1 : i32
      %select_n3A_85 = arith.select %eq3A_83, %jit3A_84, %jit3A_82 : i32
      %rem3A_86 = arith.remsi %scan3A_65, %select_n3A_85 : i32
      %ne3A_87 = arith.constant 0 : i32
      %ne3A_88 = arith.cmpi ne, %rem3A_86, %ne3A_87 : i32
      %lt3A = arith.constant 0 : i32
      %lt3A_89 = arith.cmpi slt, %rem3A_86, %lt3A : i32
      %lt3A_90 = arith.constant 0 : i32
      %lt3A_91 = arith.cmpi slt, %select_n3A_85, %lt3A_90 : i32
      %ne3A_92 = arith.xori %lt3A_89, %lt3A_91 : i1
      %and3A_93 = arith.andi %ne3A_92, %ne3A_88 : i1
      %add3A_94 = arith.addi %rem3A_86, %select_n3A_85 : i32
      %select_n3A_95 = arith.select %and3A_93, %add3A_94, %rem3A_86 : i32
      %mul3A_96 = arith.constant 16 : i32
      %mul3A_97 = arith.muli %select_n3A_95, %mul3A_96 : i32
      %swap3A = arith.index_cast %select_n3A : i32 to index
      %swap3A_98 = arith.index_cast %mul3A_97 : i32 to index
      %swap3A_99 = tpu.vector_load %arg11[%swap3A, %swap3A_98] {strides = array<i32>} : memref<128x128xf32, #tpu.memory_space<vmem>>, vector<1x16xf32>,
      %swap3A_100 = vector.shape_cast %swap3A_99 : vector<1x16xf32> to vector<16xf32>
      %swap3A_101 = vector.shape_cast %broadcast_in_dim3A_2 : vector<16xf32> to vector<1x16xf32>
      tpu.vector_store %arg11[%swap3A, %swap3A_98], %swap3A_101 {strides = array<i32>} : memref<128x128xf32, #tpu.memory_space<vmem>>, vector<1x16xf32>,
    }
    %scan3A_56 = arith.constant 1024 : i32
    %barrier3A_57 = arith.constant 0 : index
    tpu.barrier barrier_id(%barrier3A_57)
    %scan3A_58 = arith.constant 0 : i32
    %scan3A_59 = arith.constant 0 : i32
    %scan3A_60 = arith.constant 40 : i32
    %scan3A_61 = arith.addi %scan3A_59, %scan3A_60 : i32
    %scan3A_62 = arith.constant 1 : i32
    scf.for %scan3A_65 = %scan3A_59 to %scan3A_61 step %scan3A_62  : i32 {
      %mul3A_66 = arith.constant 40 : i32
      %mul3A_67 = arith.muli %arg0, %mul3A_66 : i32
      %add3A_68 = arith.addi %mul3A_67, %scan3A_65 : i32
      "tpu.region"() ({
        %run_scoped3A = tpu.sem_alloc : memref<!tpu.dma_semaphore, #tpu.memory_space<semaphore_mem>>
        %dma_start3A = arith.constant 0 : i32
        %dma_start3A_69 = tpu.memref_slice %arg10[%add3A_68, %dma_start3A] : memref<80x128xi32, #tpu.memory_space<vmem>> -> memref<1x128xi32, #tpu.memory_space<vmem>>
        %dma_start3A_70 = tpu.memref_squeeze %dma_start3A_69 : memref<1x128xi32, #tpu.memory_space<vmem>> -> memref<128xi32, #tpu.memory_space<vmem>>
        %dma_start3A_71 = arith.constant 0 : i32
        %dma_start3A_72 = arith.constant 0 : i32
        %dma_start3A_73 = tpu.memref_slice %arg8[%dma_start3A_71, %dma_start3A_72] : memref<10240x128xf32, #tpu.memory_space<vmem_shared>> -> memref<10240x128xf32, #tpu.memory_space<vmem_shared>>
        tpu.enqueue_indirect_dma source(%arg11 : memref<128x128xf32, #tpu.memory_space<vmem>>) target(%dma_start3A_73 : memref<10240x128xf32, #tpu.memory_space<vmem_shared>>) offsets(%dma_start3A_70 : memref<128xi32, #tpu.memory_space<vmem>>) semaphore(%run_scoped3A : memref<!tpu.dma_semaphore, #tpu.memory_space<semaphore_mem>>) {add = true}
        %dma_wait3A = arith.constant 0 : i32
        %dma_wait3A_74 = tpu.memref_slice %arg10[%add3A_68, %dma_wait3A] : memref<80x128xi32, #tpu.memory_space<vmem>> -> memref<1x128xi32, #tpu.memory_space<vmem>>
        %dma_wait3A_75 = tpu.memref_squeeze %dma_wait3A_74 : memref<1x128xi32, #tpu.memory_space<vmem>> -> memref<128xi32, #tpu.memory_space<vmem>>
        %dma_wait3A_76 = arith.constant 0 : i32
        %dma_wait3A_77 = arith.constant 0 : i32
        %dma_wait3A_78 = tpu.memref_slice %arg8[%dma_wait3A_76, %dma_wait3A_77] : memref<10240x128xf32, #tpu.memory_space<vmem_shared>> -> memref<10240x128xf32, #tpu.memory_space<vmem_shared>>
        tpu.wait_indirect_dma semaphore(%run_scoped3A : memref<!tpu.dma_semaphore, #tpu.memory_space<semaphore_mem>>) src(%arg11 : memref<128x128xf32, #tpu.memory_space<vmem>>) dst(%dma_wait3A_78 : memref<10240x128xf32, #tpu.memory_space<vmem_shared>>)
        tpu.yield
      }) : () -> ()
    }
    %scan3A_63 = arith.constant 40 : i32
    %barrier3A_64 = arith.constant 0 : index
    tpu.barrier barrier_id(%barrier3A_64)
    "tpu.region"() ({
      %run_scoped3A = tpu.sem_alloc : memref<!tpu.dma_semaphore, #tpu.memory_space<semaphore_mem>>
      %dma_start3A = arith.constant 0 : i32
      %dma_start3A_65 = arith.constant 0 : i32
      %dma_start3A_66 = tpu.memref_slice %arg7[%arg0, %dma_start3A, %dma_start3A_65] : memref<2x10240x128xf32, #tpu.memory_space<hbm>> -> memref<1x10240x128xf32, #tpu.memory_space<hbm>>
      %dma_start3A_67 = tpu.memref_squeeze %dma_start3A_66 : memref<1x10240x128xf32, #tpu.memory_space<hbm>> -> memref<10240x128xf32, #tpu.memory_space<hbm>>
      %dma_start3A_68 = arith.constant 0 : i32
      %dma_start3A_69 = tpu.memref_slice %dma_start3A_67[%mul3A_8, %dma_start3A_68] : memref<10240x128xf32, #tpu.memory_space<hbm>> -> memref<640x128xf32, #tpu.memory_space<hbm>>
      %dma_start3A_70 = arith.constant 0 : i32
      %dma_start3A_71 = tpu.memref_slice %arg8[%mul3A_8, %dma_start3A_70] : memref<10240x128xf32, #tpu.memory_space<vmem_shared>> -> memref<640x128xf32, #tpu.memory_space<vmem_shared>>
      tpu.enqueue_dma source(%dma_start3A_71 : memref<640x128xf32, #tpu.memory_space<vmem_shared>>) target(%dma_start3A_69 : memref<640x128xf32, #tpu.memory_space<hbm>>) target_semaphore(%run_scoped3A : memref<!tpu.dma_semaphore, #tpu.memory_space<semaphore_mem>>)
      %dma_wait3A = arith.constant 0 : i32
      %dma_wait3A_72 = arith.constant 0 : i32
      %dma_wait3A_73 = tpu.memref_slice %arg7[%arg0, %dma_wait3A, %dma_wait3A_72] : memref<2x10240x128xf32, #tpu.memory_space<hbm>> -> memref<1x10240x128xf32, #tpu.memory_space<hbm>>
      %dma_wait3A_74 = tpu.memref_squeeze %dma_wait3A_73 : memref<1x10240x128xf32, #tpu.memory_space<hbm>> -> memref<10240x128xf32, #tpu.memory_space<hbm>>
      %dma_wait3A_75 = arith.constant 0 : i32
      %dma_wait3A_76 = tpu.memref_slice %dma_wait3A_74[%mul3A_8, %dma_wait3A_75] : memref<10240x128xf32, #tpu.memory_space<hbm>> -> memref<640x128xf32, #tpu.memory_space<hbm>>
      %dma_wait3A_77 = arith.constant 0 : i32
      %dma_wait3A_78 = tpu.memref_slice %arg8[%mul3A_8, %dma_wait3A_77] : memref<10240x128xf32, #tpu.memory_space<vmem_shared>> -> memref<640x128xf32, #tpu.memory_space<vmem_shared>>
      tpu.wait_dma2 semaphore(%run_scoped3A : memref<!tpu.dma_semaphore, #tpu.memory_space<semaphore_mem>>) src(%dma_wait3A_78 : memref<640x128xf32, #tpu.memory_space<vmem_shared>>) dst(%dma_wait3A_76 : memref<640x128xf32, #tpu.memory_space<hbm>>)
      tpu.yield
    }) : () -> ()
    return
  }
}

#map = affine_map<(d0, d1) -> (0, 0, 0)>
module attributes {stable_mosaic.version = 14 : i64} {
  func.func @_sc_body(%arg0: i32, %arg1: i32, %arg2: memref<4x10240x128xf32, #tpu.memory_space<hbm>>, %arg3: memref<16x80x128xi32, #tpu.memory_space<hbm>>, %arg4: memref<16x80x128xi32, #tpu.memory_space<hbm>>, %arg5: memref<16x5x128xi32, #tpu.memory_space<hbm>>, %arg6: memref<4x10240x128xf32, #tpu.memory_space<hbm>>, %arg7: memref<4x10240x128xf32, #tpu.memory_space<hbm>>, %arg8: memref<10240x128xf32, #tpu.memory_space<vmem_shared>>, %arg9: memref<80x128xi32, #tpu.memory_space<vmem>>, %arg10: memref<80x128xi32, #tpu.memory_space<vmem>>, %arg11: memref<128x128xf32, #tpu.memory_space<vmem>>, %arg12: memref<8x128xf32, #tpu.memory_space<vmem>>, %arg13: memref<5x128xi32, #tpu.memory_space<vmem>>, %arg14: memref<!tpu.dma_semaphore, #tpu.memory_space<semaphore_mem>>) attributes {dimension_semantics = [#tpu.dimension_semantics<core_parallel>, #tpu.dimension_semantics<subcore_parallel>], iteration_bounds = array<i64: 2, 16>, scalar_prefetch = 0 : i64, scratch_operands = 7 : i64, tpu.core_type = #tpu.core_type<sc_vector_subcore>, window_params = [{transform_indices = #map}, {transform_indices = #map}, {transform_indices = #map}, {transform_indices = #map}, {transform_indices = #map}, {transform_indices = #map}]} {
    %broadcast_in_dim3A = arith.constant 0.000000e+00 : f32
    %broadcast_in_dim3A_0 = vector.broadcast %broadcast_in_dim3A : f32 to vector<16xf32>
    %broadcast_in_dim3A_1 = arith.constant 1.000000e+00 : f32
    %broadcast_in_dim3A_2 = vector.broadcast %broadcast_in_dim3A_1 : f32 to vector<16xf32>
    %scan3A = arith.constant 0 : i32
    %scan3A_3 = arith.constant 0 : i32
    %scan3A_4 = arith.constant 64 : i32
    %scan3A_5 = arith.addi %scan3A_3, %scan3A_4 : i32
    %scan3A_6 = arith.constant 1 : i32
    scf.for %scan3A_290 = %scan3A_3 to %scan3A_5 step %scan3A_6  : i32 {
      %jit3A = arith.constant 8 : i32
      %div3A = arith.divsi %scan3A_290, %jit3A : i32
      %sign3A = arith.constant 0 : i32
      %sign3A_291 = arith.cmpi sgt, %scan3A_290, %sign3A : i32
      %sign3A_292 = arith.extui %sign3A_291 : i1 to i32
      %sign3A_293 = arith.constant 0 : i32
      %sign3A_294 = arith.cmpi slt, %scan3A_290, %sign3A_293 : i32
      %sign3A_295 = arith.extui %sign3A_294 : i1 to i32
      %sign3A_296 = arith.subi %sign3A_292, %sign3A_295 : i32
      %sign3A_297 = arith.constant 0 : i32
      %sign3A_298 = arith.cmpi sgt, %jit3A, %sign3A_297 : i32
      %sign3A_299 = arith.extui %sign3A_298 : i1 to i32
      %sign3A_300 = arith.constant 0 : i32
      %sign3A_301 = arith.cmpi slt, %jit3A, %sign3A_300 : i32
      %sign3A_302 = arith.extui %sign3A_301 : i1 to i32
      %sign3A_303 = arith.subi %sign3A_299, %sign3A_302 : i32
      %ne3A = arith.cmpi ne, %sign3A_296, %sign3A_303 : i32
      %rem3A = arith.remsi %scan3A_290, %jit3A : i32
      %ne3A_304 = arith.constant 0 : i32
      %ne3A_305 = arith.cmpi ne, %rem3A, %ne3A_304 : i32
      %and3A = arith.andi %ne3A, %ne3A_305 : i1
      %sub3A = arith.constant 1 : i32
      %sub3A_306 = arith.subi %div3A, %sub3A : i32
      %select_n3A = arith.select %and3A, %sub3A_306, %div3A : i32
      %jit3A_307 = arith.constant 8 : i32
      %eq3A = arith.constant 0 : i32
      %eq3A_308 = arith.cmpi eq, %jit3A_307, %eq3A : i32
      %jit3A_309 = arith.constant 1 : i32
      %select_n3A_310 = arith.select %eq3A_308, %jit3A_309, %jit3A_307 : i32
      %rem3A_311 = arith.remsi %scan3A_290, %select_n3A_310 : i32
      %ne3A_312 = arith.constant 0 : i32
      %ne3A_313 = arith.cmpi ne, %rem3A_311, %ne3A_312 : i32
      %lt3A = arith.constant 0 : i32
      %lt3A_314 = arith.cmpi slt, %rem3A_311, %lt3A : i32
      %lt3A_315 = arith.constant 0 : i32
      %lt3A_316 = arith.cmpi slt, %select_n3A_310, %lt3A_315 : i32
      %ne3A_317 = arith.xori %lt3A_314, %lt3A_316 : i1
      %and3A_318 = arith.andi %ne3A_317, %ne3A_313 : i1
      %add3A_319 = arith.addi %rem3A_311, %select_n3A_310 : i32
      %select_n3A_320 = arith.select %and3A_318, %add3A_319, %rem3A_311 : i32
      %mul3A_321 = arith.constant 16 : i32
      %mul3A_322 = arith.muli %select_n3A_320, %mul3A_321 : i32
      %swap3A = arith.index_cast %select_n3A : i32 to index
      %swap3A_323 = arith.index_cast %mul3A_322 : i32 to index
      %swap3A_324 = tpu.vector_load %arg12[%swap3A, %swap3A_323] {strides = array<i32>} : memref<8x128xf32, #tpu.memory_space<vmem>>, vector<1x16xf32>,
      %swap3A_325 = vector.shape_cast %swap3A_324 : vector<1x16xf32> to vector<16xf32>
      %swap3A_326 = vector.shape_cast %broadcast_in_dim3A_0 : vector<16xf32> to vector<1x16xf32>
      tpu.vector_store %arg12[%swap3A, %swap3A_323], %swap3A_326 {strides = array<i32>} : memref<8x128xf32, #tpu.memory_space<vmem>>, vector<1x16xf32>,
    }
    %scan3A_7 = arith.constant 64 : i32
    %mul3A = arith.constant 640 : i32
    %mul3A_8 = arith.muli %arg1, %mul3A : i32
    %scan3A_9 = arith.constant 0 : i32
    %scan3A_10 = arith.constant 0 : i32
    %scan3A_11 = arith.constant 80 : i32
    %scan3A_12 = arith.addi %scan3A_10, %scan3A_11 : i32
    %scan3A_13 = arith.constant 1 : i32
    scf.for %scan3A_290 = %scan3A_10 to %scan3A_12 step %scan3A_13  : i32 {
      %mul3A_291 = arith.constant 8 : i32
      %mul3A_292 = arith.muli %scan3A_290, %mul3A_291 : i32
      %add3A_293 = arith.addi %mul3A_8, %mul3A_292 : i32
      "tpu.region"() ({
        %run_scoped3A = tpu.sem_alloc : memref<!tpu.dma_semaphore, #tpu.memory_space<semaphore_mem>>
        %dma_start3A_294 = arith.constant 0 : i32
        %dma_start3A_295 = tpu.memref_slice %arg8[%add3A_293, %dma_start3A_294] : memref<10240x128xf32, #tpu.memory_space<vmem_shared>> -> memref<8x128xf32, #tpu.memory_space<vmem_shared>>
        %dma_start3A_296 = arith.constant 0 : i32
        %dma_start3A_297 = tpu.memref_slice %arg8[%add3A_293, %dma_start3A_296] : memref<10240x128xf32, #tpu.memory_space<vmem_shared>> -> memref<8x128xf32, #tpu.memory_space<vmem_shared>>
        tpu.enqueue_dma source(%arg12 : memref<8x128xf32, #tpu.memory_space<vmem>>) target(%dma_start3A_297 : memref<8x128xf32, #tpu.memory_space<vmem_shared>>) target_semaphore(%run_scoped3A : memref<!tpu.dma_semaphore, #tpu.memory_space<semaphore_mem>>)
        %dma_wait3A_298 = arith.constant 0 : i32
        %dma_wait3A_299 = tpu.memref_slice %arg8[%add3A_293, %dma_wait3A_298] : memref<10240x128xf32, #tpu.memory_space<vmem_shared>> -> memref<8x128xf32, #tpu.memory_space<vmem_shared>>
        %dma_wait3A_300 = arith.constant 0 : i32
        %dma_wait3A_301 = tpu.memref_slice %arg8[%add3A_293, %dma_wait3A_300] : memref<10240x128xf32, #tpu.memory_space<vmem_shared>> -> memref<8x128xf32, #tpu.memory_space<vmem_shared>>
        tpu.wait_dma2 semaphore(%run_scoped3A : memref<!tpu.dma_semaphore, #tpu.memory_space<semaphore_mem>>) src(%arg12 : memref<8x128xf32, #tpu.memory_space<vmem>>) dst(%dma_wait3A_301 : memref<8x128xf32, #tpu.memory_space<vmem_shared>>)
        tpu.yield
      }) : () -> ()
    }
    %scan3A_14 = arith.constant 80 : i32
    "tpu.region"() ({
      %run_scoped3A = tpu.sem_alloc : memref<!tpu.dma_semaphore, #tpu.memory_space<semaphore_mem>>
      %dma_start3A_290 = arith.constant 0 : i32
      %dma_start3A_291 = arith.constant 0 : i32
      %dma_start3A_292 = tpu.memref_slice %arg3[%arg1, %dma_start3A_290, %dma_start3A_291] : memref<16x80x128xi32, #tpu.memory_space<hbm>> -> memref<1x80x128xi32, #tpu.memory_space<hbm>>
      %dma_start3A_293 = tpu.memref_squeeze %dma_start3A_292 : memref<1x80x128xi32, #tpu.memory_space<hbm>> -> memref<80x128xi32, #tpu.memory_space<hbm>>
      %dma_start3A_294 = arith.constant 0 : i32
      %dma_start3A_295 = arith.constant 0 : i32
      %dma_start3A_296 = tpu.memref_slice %arg3[%arg1, %dma_start3A_294, %dma_start3A_295] : memref<16x80x128xi32, #tpu.memory_space<hbm>> -> memref<1x80x128xi32, #tpu.memory_space<hbm>>
      %dma_start3A_297 = tpu.memref_squeeze %dma_start3A_296 : memref<1x80x128xi32, #tpu.memory_space<hbm>> -> memref<80x128xi32, #tpu.memory_space<hbm>>
      tpu.enqueue_dma source(%dma_start3A_297 : memref<80x128xi32, #tpu.memory_space<hbm>>) target(%arg9 : memref<80x128xi32, #tpu.memory_space<vmem>>) target_semaphore(%run_scoped3A : memref<!tpu.dma_semaphore, #tpu.memory_space<semaphore_mem>>)
      %dma_wait3A_298 = arith.constant 0 : i32
      %dma_wait3A_299 = arith.constant 0 : i32
      %dma_wait3A_300 = tpu.memref_slice %arg3[%arg1, %dma_wait3A_298, %dma_wait3A_299] : memref<16x80x128xi32, #tpu.memory_space<hbm>> -> memref<1x80x128xi32, #tpu.memory_space<hbm>>
      %dma_wait3A_301 = tpu.memref_squeeze %dma_wait3A_300 : memref<1x80x128xi32, #tpu.memory_space<hbm>> -> memref<80x128xi32, #tpu.memory_space<hbm>>
      %dma_wait3A_302 = arith.constant 0 : i32
      %dma_wait3A_303 = arith.constant 0 : i32
      %dma_wait3A_304 = tpu.memref_slice %arg3[%arg1, %dma_wait3A_302, %dma_wait3A_303] : memref<16x80x128xi32, #tpu.memory_space<hbm>> -> memref<1x80x128xi32, #tpu.memory_space<hbm>>
      %dma_wait3A_305 = tpu.memref_squeeze %dma_wait3A_304 : memref<1x80x128xi32, #tpu.memory_space<hbm>> -> memref<80x128xi32, #tpu.memory_space<hbm>>
      tpu.wait_dma2 semaphore(%run_scoped3A : memref<!tpu.dma_semaphore, #tpu.memory_space<semaphore_mem>>) src(%dma_wait3A_305 : memref<80x128xi32, #tpu.memory_space<hbm>>) dst(%arg9 : memref<80x128xi32, #tpu.memory_space<vmem>>)
      tpu.yield
    }) : () -> ()
    "tpu.region"() ({
      %run_scoped3A = tpu.sem_alloc : memref<!tpu.dma_semaphore, #tpu.memory_space<semaphore_mem>>
      %dma_start3A_290 = arith.constant 0 : i32
      %dma_start3A_291 = arith.constant 0 : i32
      %dma_start3A_292 = tpu.memref_slice %arg4[%arg1, %dma_start3A_290, %dma_start3A_291] : memref<16x80x128xi32, #tpu.memory_space<hbm>> -> memref<1x80x128xi32, #tpu.memory_space<hbm>>
      %dma_start3A_293 = tpu.memref_squeeze %dma_start3A_292 : memref<1x80x128xi32, #tpu.memory_space<hbm>> -> memref<80x128xi32, #tpu.memory_space<hbm>>
      %dma_start3A_294 = arith.constant 0 : i32
      %dma_start3A_295 = arith.constant 0 : i32
      %dma_start3A_296 = tpu.memref_slice %arg4[%arg1, %dma_start3A_294, %dma_start3A_295] : memref<16x80x128xi32, #tpu.memory_space<hbm>> -> memref<1x80x128xi32, #tpu.memory_space<hbm>>
      %dma_start3A_297 = tpu.memref_squeeze %dma_start3A_296 : memref<1x80x128xi32, #tpu.memory_space<hbm>> -> memref<80x128xi32, #tpu.memory_space<hbm>>
      tpu.enqueue_dma source(%dma_start3A_297 : memref<80x128xi32, #tpu.memory_space<hbm>>) target(%arg10 : memref<80x128xi32, #tpu.memory_space<vmem>>) target_semaphore(%run_scoped3A : memref<!tpu.dma_semaphore, #tpu.memory_space<semaphore_mem>>)
      %dma_wait3A_298 = arith.constant 0 : i32
      %dma_wait3A_299 = arith.constant 0 : i32
      %dma_wait3A_300 = tpu.memref_slice %arg4[%arg1, %dma_wait3A_298, %dma_wait3A_299] : memref<16x80x128xi32, #tpu.memory_space<hbm>> -> memref<1x80x128xi32, #tpu.memory_space<hbm>>
      %dma_wait3A_301 = tpu.memref_squeeze %dma_wait3A_300 : memref<1x80x128xi32, #tpu.memory_space<hbm>> -> memref<80x128xi32, #tpu.memory_space<hbm>>
      %dma_wait3A_302 = arith.constant 0 : i32
      %dma_wait3A_303 = arith.constant 0 : i32
      %dma_wait3A_304 = tpu.memref_slice %arg4[%arg1, %dma_wait3A_302, %dma_wait3A_303] : memref<16x80x128xi32, #tpu.memory_space<hbm>> -> memref<1x80x128xi32, #tpu.memory_space<hbm>>
      %dma_wait3A_305 = tpu.memref_squeeze %dma_wait3A_304 : memref<1x80x128xi32, #tpu.memory_space<hbm>> -> memref<80x128xi32, #tpu.memory_space<hbm>>
      tpu.wait_dma2 semaphore(%run_scoped3A : memref<!tpu.dma_semaphore, #tpu.memory_space<semaphore_mem>>) src(%dma_wait3A_305 : memref<80x128xi32, #tpu.memory_space<hbm>>) dst(%arg10 : memref<80x128xi32, #tpu.memory_space<vmem>>)
      tpu.yield
    }) : () -> ()
    "tpu.region"() ({
      %run_scoped3A = tpu.sem_alloc : memref<!tpu.dma_semaphore, #tpu.memory_space<semaphore_mem>>
      %dma_start3A_290 = arith.constant 0 : i32
      %dma_start3A_291 = arith.constant 0 : i32
      %dma_start3A_292 = tpu.memref_slice %arg5[%arg1, %dma_start3A_290, %dma_start3A_291] : memref<16x5x128xi32, #tpu.memory_space<hbm>> -> memref<1x5x128xi32, #tpu.memory_space<hbm>>
      %dma_start3A_293 = tpu.memref_squeeze %dma_start3A_292 : memref<1x5x128xi32, #tpu.memory_space<hbm>> -> memref<5x128xi32, #tpu.memory_space<hbm>>
      %dma_start3A_294 = arith.constant 0 : i32
      %dma_start3A_295 = arith.constant 0 : i32
      %dma_start3A_296 = tpu.memref_slice %arg5[%arg1, %dma_start3A_294, %dma_start3A_295] : memref<16x5x128xi32, #tpu.memory_space<hbm>> -> memref<1x5x128xi32, #tpu.memory_space<hbm>>
      %dma_start3A_297 = tpu.memref_squeeze %dma_start3A_296 : memref<1x5x128xi32, #tpu.memory_space<hbm>> -> memref<5x128xi32, #tpu.memory_space<hbm>>
      tpu.enqueue_dma source(%dma_start3A_297 : memref<5x128xi32, #tpu.memory_space<hbm>>) target(%arg13 : memref<5x128xi32, #tpu.memory_space<vmem>>) target_semaphore(%run_scoped3A : memref<!tpu.dma_semaphore, #tpu.memory_space<semaphore_mem>>)
      %dma_wait3A_298 = arith.constant 0 : i32
      %dma_wait3A_299 = arith.constant 0 : i32
      %dma_wait3A_300 = tpu.memref_slice %arg5[%arg1, %dma_wait3A_298, %dma_wait3A_299] : memref<16x5x128xi32, #tpu.memory_space<hbm>> -> memref<1x5x128xi32, #tpu.memory_space<hbm>>
      %dma_wait3A_301 = tpu.memref_squeeze %dma_wait3A_300 : memref<1x5x128xi32, #tpu.memory_space<hbm>> -> memref<5x128xi32, #tpu.memory_space<hbm>>
      %dma_wait3A_302 = arith.constant 0 : i32
      %dma_wait3A_303 = arith.constant 0 : i32
      %dma_wait3A_304 = tpu.memref_slice %arg5[%arg1, %dma_wait3A_302, %dma_wait3A_303] : memref<16x5x128xi32, #tpu.memory_space<hbm>> -> memref<1x5x128xi32, #tpu.memory_space<hbm>>
      %dma_wait3A_305 = tpu.memref_squeeze %dma_wait3A_304 : memref<1x5x128xi32, #tpu.memory_space<hbm>> -> memref<5x128xi32, #tpu.memory_space<hbm>>
      tpu.wait_dma2 semaphore(%run_scoped3A : memref<!tpu.dma_semaphore, #tpu.memory_space<semaphore_mem>>) src(%dma_wait3A_305 : memref<5x128xi32, #tpu.memory_space<hbm>>) dst(%arg13 : memref<5x128xi32, #tpu.memory_space<vmem>>)
      tpu.yield
    }) : () -> ()
    %mul3A_15 = arith.constant 2 : i32
    %mul3A_16 = arith.muli %mul3A_15, %arg0 : i32
    %add3A = arith.constant 0 : i32
    %add3A_17 = arith.addi %mul3A_16, %add3A : i32
    %dma_start3A = arith.constant 0 : i32
    %dma_start3A_18 = arith.constant 0 : i32
    %dma_start3A_19 = tpu.memref_slice %arg13[%dma_start3A, %dma_start3A_18] : memref<5x128xi32, #tpu.memory_space<vmem>> -> memref<1x128xi32, #tpu.memory_space<vmem>>
    %dma_start3A_20 = tpu.memref_squeeze %dma_start3A_19 : memref<1x128xi32, #tpu.memory_space<vmem>> -> memref<128xi32, #tpu.memory_space<vmem>>
    %dma_start3A_21 = arith.constant 0 : i32
    %dma_start3A_22 = arith.constant 0 : i32
    %dma_start3A_23 = tpu.memref_slice %arg2[%add3A_17, %dma_start3A_21, %dma_start3A_22] : memref<4x10240x128xf32, #tpu.memory_space<hbm>> -> memref<1x10240x128xf32, #tpu.memory_space<hbm>>
    %dma_start3A_24 = tpu.memref_squeeze %dma_start3A_23 : memref<1x10240x128xf32, #tpu.memory_space<hbm>> -> memref<10240x128xf32, #tpu.memory_space<hbm>>
    %dma_start3A_25 = arith.constant 0 : i32
    %dma_start3A_26 = arith.constant 0 : i32
    %dma_start3A_27 = tpu.memref_slice %dma_start3A_24[%dma_start3A_25, %dma_start3A_26] : memref<10240x128xf32, #tpu.memory_space<hbm>> -> memref<10240x128xf32, #tpu.memory_space<hbm>>
    tpu.enqueue_indirect_dma source(%dma_start3A_27 : memref<10240x128xf32, #tpu.memory_space<hbm>>) target(%arg11 : memref<128x128xf32, #tpu.memory_space<vmem>>) offsets(%dma_start3A_20 : memref<128xi32, #tpu.memory_space<vmem>>) semaphore(%arg14 : memref<!tpu.dma_semaphore, #tpu.memory_space<semaphore_mem>>)
    %dma_wait3A = arith.constant 0 : i32
    %dma_wait3A_28 = arith.constant 0 : i32
    %dma_wait3A_29 = tpu.memref_slice %arg13[%dma_wait3A, %dma_wait3A_28] : memref<5x128xi32, #tpu.memory_space<vmem>> -> memref<1x128xi32, #tpu.memory_space<vmem>>
    %dma_wait3A_30 = tpu.memref_squeeze %dma_wait3A_29 : memref<1x128xi32, #tpu.memory_space<vmem>> -> memref<128xi32, #tpu.memory_space<vmem>>
    %dma_wait3A_31 = arith.constant 0 : i32
    %dma_wait3A_32 = arith.constant 0 : i32
    %dma_wait3A_33 = tpu.memref_slice %arg2[%add3A_17, %dma_wait3A_31, %dma_wait3A_32] : memref<4x10240x128xf32, #tpu.memory_space<hbm>> -> memref<1x10240x128xf32, #tpu.memory_space<hbm>>
    %dma_wait3A_34 = tpu.memref_squeeze %dma_wait3A_33 : memref<1x10240x128xf32, #tpu.memory_space<hbm>> -> memref<10240x128xf32, #tpu.memory_space<hbm>>
    %dma_wait3A_35 = arith.constant 0 : i32
    %dma_wait3A_36 = arith.constant 0 : i32
    %dma_wait3A_37 = tpu.memref_slice %dma_wait3A_34[%dma_wait3A_35, %dma_wait3A_36] : memref<10240x128xf32, #tpu.memory_space<hbm>> -> memref<10240x128xf32, #tpu.memory_space<hbm>>
    tpu.wait_indirect_dma semaphore(%arg14 : memref<!tpu.dma_semaphore, #tpu.memory_space<semaphore_mem>>) src(%dma_wait3A_37 : memref<10240x128xf32, #tpu.memory_space<hbm>>) dst(%arg11 : memref<128x128xf32, #tpu.memory_space<vmem>>)
    %add3A_38 = arith.constant 0 : i32
    %add3A_39 = arith.addi %mul3A_8, %add3A_38 : i32
    "tpu.region"() ({
      %run_scoped3A = tpu.sem_alloc : memref<!tpu.dma_semaphore, #tpu.memory_space<semaphore_mem>>
      %dma_start3A_290 = arith.constant 0 : i32
      %dma_start3A_291 = arith.constant 0 : i32
      %dma_start3A_292 = tpu.memref_slice %arg7[%add3A_17, %dma_start3A_290, %dma_start3A_291] : memref<4x10240x128xf32, #tpu.memory_space<hbm>> -> memref<1x10240x128xf32, #tpu.memory_space<hbm>>
      %dma_start3A_293 = tpu.memref_squeeze %dma_start3A_292 : memref<1x10240x128xf32, #tpu.memory_space<hbm>> -> memref<10240x128xf32, #tpu.memory_space<hbm>>
      %dma_start3A_294 = arith.constant 0 : i32
      %dma_start3A_295 = tpu.memref_slice %dma_start3A_293[%add3A_39, %dma_start3A_294] : memref<10240x128xf32, #tpu.memory_space<hbm>> -> memref<128x128xf32, #tpu.memory_space<hbm>>
      %dma_start3A_296 = arith.constant 0 : i32
      %dma_start3A_297 = arith.constant 0 : i32
      %dma_start3A_298 = tpu.memref_slice %arg7[%add3A_17, %dma_start3A_296, %dma_start3A_297] : memref<4x10240x128xf32, #tpu.memory_space<hbm>> -> memref<1x10240x128xf32, #tpu.memory_space<hbm>>
      %dma_start3A_299 = tpu.memref_squeeze %dma_start3A_298 : memref<1x10240x128xf32, #tpu.memory_space<hbm>> -> memref<10240x128xf32, #tpu.memory_space<hbm>>
      %dma_start3A_300 = arith.constant 0 : i32
      %dma_start3A_301 = tpu.memref_slice %dma_start3A_299[%add3A_39, %dma_start3A_300] : memref<10240x128xf32, #tpu.memory_space<hbm>> -> memref<128x128xf32, #tpu.memory_space<hbm>>
      tpu.enqueue_dma source(%arg11 : memref<128x128xf32, #tpu.memory_space<vmem>>) target(%dma_start3A_301 : memref<128x128xf32, #tpu.memory_space<hbm>>) target_semaphore(%run_scoped3A : memref<!tpu.dma_semaphore, #tpu.memory_space<semaphore_mem>>)
      %dma_wait3A_302 = arith.constant 0 : i32
      %dma_wait3A_303 = arith.constant 0 : i32
      %dma_wait3A_304 = tpu.memref_slice %arg7[%add3A_17, %dma_wait3A_302, %dma_wait3A_303] : memref<4x10240x128xf32, #tpu.memory_space<hbm>> -> memref<1x10240x128xf32, #tpu.memory_space<hbm>>
      %dma_wait3A_305 = tpu.memref_squeeze %dma_wait3A_304 : memref<1x10240x128xf32, #tpu.memory_space<hbm>> -> memref<10240x128xf32, #tpu.memory_space<hbm>>
      %dma_wait3A_306 = arith.constant 0 : i32
      %dma_wait3A_307 = tpu.memref_slice %dma_wait3A_305[%add3A_39, %dma_wait3A_306] : memref<10240x128xf32, #tpu.memory_space<hbm>> -> memref<128x128xf32, #tpu.memory_space<hbm>>
      %dma_wait3A_308 = arith.constant 0 : i32
      %dma_wait3A_309 = arith.constant 0 : i32
      %dma_wait3A_310 = tpu.memref_slice %arg7[%add3A_17, %dma_wait3A_308, %dma_wait3A_309] : memref<4x10240x128xf32, #tpu.memory_space<hbm>> -> memref<1x10240x128xf32, #tpu.memory_space<hbm>>
      %dma_wait3A_311 = tpu.memref_squeeze %dma_wait3A_310 : memref<1x10240x128xf32, #tpu.memory_space<hbm>> -> memref<10240x128xf32, #tpu.memory_space<hbm>>
      %dma_wait3A_312 = arith.constant 0 : i32
      %dma_wait3A_313 = tpu.memref_slice %dma_wait3A_311[%add3A_39, %dma_wait3A_312] : memref<10240x128xf32, #tpu.memory_space<hbm>> -> memref<128x128xf32, #tpu.memory_space<hbm>>
      tpu.wait_dma2 semaphore(%run_scoped3A : memref<!tpu.dma_semaphore, #tpu.memory_space<semaphore_mem>>) src(%arg11 : memref<128x128xf32, #tpu.memory_space<vmem>>) dst(%dma_wait3A_313 : memref<128x128xf32, #tpu.memory_space<hbm>>)
      tpu.yield
    }) : () -> ()
    %dma_start3A_40 = arith.constant 1 : i32
    %dma_start3A_41 = arith.constant 0 : i32
    %dma_start3A_42 = tpu.memref_slice %arg13[%dma_start3A_40, %dma_start3A_41] : memref<5x128xi32, #tpu.memory_space<vmem>> -> memref<1x128xi32, #tpu.memory_space<vmem>>
    %dma_start3A_43 = tpu.memref_squeeze %dma_start3A_42 : memref<1x128xi32, #tpu.memory_space<vmem>> -> memref<128xi32, #tpu.memory_space<vmem>>
    %dma_start3A_44 = arith.constant 0 : i32
    %dma_start3A_45 = arith.constant 0 : i32
    %dma_start3A_46 = tpu.memref_slice %arg2[%add3A_17, %dma_start3A_44, %dma_start3A_45] : memref<4x10240x128xf32, #tpu.memory_space<hbm>> -> memref<1x10240x128xf32, #tpu.memory_space<hbm>>
    %dma_start3A_47 = tpu.memref_squeeze %dma_start3A_46 : memref<1x10240x128xf32, #tpu.memory_space<hbm>> -> memref<10240x128xf32, #tpu.memory_space<hbm>>
    %dma_start3A_48 = arith.constant 0 : i32
    %dma_start3A_49 = arith.constant 0 : i32
    %dma_start3A_50 = tpu.memref_slice %dma_start3A_47[%dma_start3A_48, %dma_start3A_49] : memref<10240x128xf32, #tpu.memory_space<hbm>> -> memref<10240x128xf32, #tpu.memory_space<hbm>>
    tpu.enqueue_indirect_dma source(%dma_start3A_50 : memref<10240x128xf32, #tpu.memory_space<hbm>>) target(%arg11 : memref<128x128xf32, #tpu.memory_space<vmem>>) offsets(%dma_start3A_43 : memref<128xi32, #tpu.memory_space<vmem>>) semaphore(%arg14 : memref<!tpu.dma_semaphore, #tpu.memory_space<semaphore_mem>>)
    %dma_wait3A_51 = arith.constant 1 : i32
    %dma_wait3A_52 = arith.constant 0 : i32
    %dma_wait3A_53 = tpu.memref_slice %arg13[%dma_wait3A_51, %dma_wait3A_52] : memref<5x128xi32, #tpu.memory_space<vmem>> -> memref<1x128xi32, #tpu.memory_space<vmem>>
    %dma_wait3A_54 = tpu.memref_squeeze %dma_wait3A_53 : memref<1x128xi32, #tpu.memory_space<vmem>> -> memref<128xi32, #tpu.memory_space<vmem>>
    %dma_wait3A_55 = arith.constant 0 : i32
    %dma_wait3A_56 = arith.constant 0 : i32
    %dma_wait3A_57 = tpu.memref_slice %arg2[%add3A_17, %dma_wait3A_55, %dma_wait3A_56] : memref<4x10240x128xf32, #tpu.memory_space<hbm>> -> memref<1x10240x128xf32, #tpu.memory_space<hbm>>
    %dma_wait3A_58 = tpu.memref_squeeze %dma_wait3A_57 : memref<1x10240x128xf32, #tpu.memory_space<hbm>> -> memref<10240x128xf32, #tpu.memory_space<hbm>>
    %dma_wait3A_59 = arith.constant 0 : i32
    %dma_wait3A_60 = arith.constant 0 : i32
    %dma_wait3A_61 = tpu.memref_slice %dma_wait3A_58[%dma_wait3A_59, %dma_wait3A_60] : memref<10240x128xf32, #tpu.memory_space<hbm>> -> memref<10240x128xf32, #tpu.memory_space<hbm>>
    tpu.wait_indirect_dma semaphore(%arg14 : memref<!tpu.dma_semaphore, #tpu.memory_space<semaphore_mem>>) src(%dma_wait3A_61 : memref<10240x128xf32, #tpu.memory_space<hbm>>) dst(%arg11 : memref<128x128xf32, #tpu.memory_space<vmem>>)
    %add3A_62 = arith.constant 128 : i32
    %add3A_63 = arith.addi %mul3A_8, %add3A_62 : i32
    "tpu.region"() ({
      %run_scoped3A = tpu.sem_alloc : memref<!tpu.dma_semaphore, #tpu.memory_space<semaphore_mem>>
      %dma_start3A_290 = arith.constant 0 : i32
      %dma_start3A_291 = arith.constant 0 : i32
      %dma_start3A_292 = tpu.memref_slice %arg7[%add3A_17, %dma_start3A_290, %dma_start3A_291] : memref<4x10240x128xf32, #tpu.memory_space<hbm>> -> memref<1x10240x128xf32, #tpu.memory_space<hbm>>
      %dma_start3A_293 = tpu.memref_squeeze %dma_start3A_292 : memref<1x10240x128xf32, #tpu.memory_space<hbm>> -> memref<10240x128xf32, #tpu.memory_space<hbm>>
      %dma_start3A_294 = arith.constant 0 : i32
      %dma_start3A_295 = tpu.memref_slice %dma_start3A_293[%add3A_63, %dma_start3A_294] : memref<10240x128xf32, #tpu.memory_space<hbm>> -> memref<128x128xf32, #tpu.memory_space<hbm>>
      %dma_start3A_296 = arith.constant 0 : i32
      %dma_start3A_297 = arith.constant 0 : i32
      %dma_start3A_298 = tpu.memref_slice %arg7[%add3A_17, %dma_start3A_296, %dma_start3A_297] : memref<4x10240x128xf32, #tpu.memory_space<hbm>> -> memref<1x10240x128xf32, #tpu.memory_space<hbm>>
      %dma_start3A_299 = tpu.memref_squeeze %dma_start3A_298 : memref<1x10240x128xf32, #tpu.memory_space<hbm>> -> memref<10240x128xf32, #tpu.memory_space<hbm>>
      %dma_start3A_300 = arith.constant 0 : i32
      %dma_start3A_301 = tpu.memref_slice %dma_start3A_299[%add3A_63, %dma_start3A_300] : memref<10240x128xf32, #tpu.memory_space<hbm>> -> memref<128x128xf32, #tpu.memory_space<hbm>>
      tpu.enqueue_dma source(%arg11 : memref<128x128xf32, #tpu.memory_space<vmem>>) target(%dma_start3A_301 : memref<128x128xf32, #tpu.memory_space<hbm>>) target_semaphore(%run_scoped3A : memref<!tpu.dma_semaphore, #tpu.memory_space<semaphore_mem>>)
      %dma_wait3A_302 = arith.constant 0 : i32
      %dma_wait3A_303 = arith.constant 0 : i32
      %dma_wait3A_304 = tpu.memref_slice %arg7[%add3A_17, %dma_wait3A_302, %dma_wait3A_303] : memref<4x10240x128xf32, #tpu.memory_space<hbm>> -> memref<1x10240x128xf32, #tpu.memory_space<hbm>>
      %dma_wait3A_305 = tpu.memref_squeeze %dma_wait3A_304 : memref<1x10240x128xf32, #tpu.memory_space<hbm>> -> memref<10240x128xf32, #tpu.memory_space<hbm>>
      %dma_wait3A_306 = arith.constant 0 : i32
      %dma_wait3A_307 = tpu.memref_slice %dma_wait3A_305[%add3A_63, %dma_wait3A_306] : memref<10240x128xf32, #tpu.memory_space<hbm>> -> memref<128x128xf32, #tpu.memory_space<hbm>>
      %dma_wait3A_308 = arith.constant 0 : i32
      %dma_wait3A_309 = arith.constant 0 : i32
      %dma_wait3A_310 = tpu.memref_slice %arg7[%add3A_17, %dma_wait3A_308, %dma_wait3A_309] : memref<4x10240x128xf32, #tpu.memory_space<hbm>> -> memref<1x10240x128xf32, #tpu.memory_space<hbm>>
      %dma_wait3A_311 = tpu.memref_squeeze %dma_wait3A_310 : memref<1x10240x128xf32, #tpu.memory_space<hbm>> -> memref<10240x128xf32, #tpu.memory_space<hbm>>
      %dma_wait3A_312 = arith.constant 0 : i32
      %dma_wait3A_313 = tpu.memref_slice %dma_wait3A_311[%add3A_63, %dma_wait3A_312] : memref<10240x128xf32, #tpu.memory_space<hbm>> -> memref<128x128xf32, #tpu.memory_space<hbm>>
      tpu.wait_dma2 semaphore(%run_scoped3A : memref<!tpu.dma_semaphore, #tpu.memory_space<semaphore_mem>>) src(%arg11 : memref<128x128xf32, #tpu.memory_space<vmem>>) dst(%dma_wait3A_313 : memref<128x128xf32, #tpu.memory_space<hbm>>)
      tpu.yield
    }) : () -> ()
    %dma_start3A_64 = arith.constant 2 : i32
    %dma_start3A_65 = arith.constant 0 : i32
    %dma_start3A_66 = tpu.memref_slice %arg13[%dma_start3A_64, %dma_start3A_65] : memref<5x128xi32, #tpu.memory_space<vmem>> -> memref<1x128xi32, #tpu.memory_space<vmem>>
    %dma_start3A_67 = tpu.memref_squeeze %dma_start3A_66 : memref<1x128xi32, #tpu.memory_space<vmem>> -> memref<128xi32, #tpu.memory_space<vmem>>
    %dma_start3A_68 = arith.constant 0 : i32
    %dma_start3A_69 = arith.constant 0 : i32
    %dma_start3A_70 = tpu.memref_slice %arg2[%add3A_17, %dma_start3A_68, %dma_start3A_69] : memref<4x10240x128xf32, #tpu.memory_space<hbm>> -> memref<1x10240x128xf32, #tpu.memory_space<hbm>>
    %dma_start3A_71 = tpu.memref_squeeze %dma_start3A_70 : memref<1x10240x128xf32, #tpu.memory_space<hbm>> -> memref<10240x128xf32, #tpu.memory_space<hbm>>
    %dma_start3A_72 = arith.constant 0 : i32
    %dma_start3A_73 = arith.constant 0 : i32
    %dma_start3A_74 = tpu.memref_slice %dma_start3A_71[%dma_start3A_72, %dma_start3A_73] : memref<10240x128xf32, #tpu.memory_space<hbm>> -> memref<10240x128xf32, #tpu.memory_space<hbm>>
    tpu.enqueue_indirect_dma source(%dma_start3A_74 : memref<10240x128xf32, #tpu.memory_space<hbm>>) target(%arg11 : memref<128x128xf32, #tpu.memory_space<vmem>>) offsets(%dma_start3A_67 : memref<128xi32, #tpu.memory_space<vmem>>) semaphore(%arg14 : memref<!tpu.dma_semaphore, #tpu.memory_space<semaphore_mem>>)
    %dma_wait3A_75 = arith.constant 2 : i32
    %dma_wait3A_76 = arith.constant 0 : i32
    %dma_wait3A_77 = tpu.memref_slice %arg13[%dma_wait3A_75, %dma_wait3A_76] : memref<5x128xi32, #tpu.memory_space<vmem>> -> memref<1x128xi32, #tpu.memory_space<vmem>>
    %dma_wait3A_78 = tpu.memref_squeeze %dma_wait3A_77 : memref<1x128xi32, #tpu.memory_space<vmem>> -> memref<128xi32, #tpu.memory_space<vmem>>
    %dma_wait3A_79 = arith.constant 0 : i32
    %dma_wait3A_80 = arith.constant 0 : i32
    %dma_wait3A_81 = tpu.memref_slice %arg2[%add3A_17, %dma_wait3A_79, %dma_wait3A_80] : memref<4x10240x128xf32, #tpu.memory_space<hbm>> -> memref<1x10240x128xf32, #tpu.memory_space<hbm>>
    %dma_wait3A_82 = tpu.memref_squeeze %dma_wait3A_81 : memref<1x10240x128xf32, #tpu.memory_space<hbm>> -> memref<10240x128xf32, #tpu.memory_space<hbm>>
    %dma_wait3A_83 = arith.constant 0 : i32
    %dma_wait3A_84 = arith.constant 0 : i32
    %dma_wait3A_85 = tpu.memref_slice %dma_wait3A_82[%dma_wait3A_83, %dma_wait3A_84] : memref<10240x128xf32, #tpu.memory_space<hbm>> -> memref<10240x128xf32, #tpu.memory_space<hbm>>
    tpu.wait_indirect_dma semaphore(%arg14 : memref<!tpu.dma_semaphore, #tpu.memory_space<semaphore_mem>>) src(%dma_wait3A_85 : memref<10240x128xf32, #tpu.memory_space<hbm>>) dst(%arg11 : memref<128x128xf32, #tpu.memory_space<vmem>>)
    %add3A_86 = arith.constant 256 : i32
    %add3A_87 = arith.addi %mul3A_8, %add3A_86 : i32
    "tpu.region"() ({
      %run_scoped3A = tpu.sem_alloc : memref<!tpu.dma_semaphore, #tpu.memory_space<semaphore_mem>>
      %dma_start3A_290 = arith.constant 0 : i32
      %dma_start3A_291 = arith.constant 0 : i32
      %dma_start3A_292 = tpu.memref_slice %arg7[%add3A_17, %dma_start3A_290, %dma_start3A_291] : memref<4x10240x128xf32, #tpu.memory_space<hbm>> -> memref<1x10240x128xf32, #tpu.memory_space<hbm>>
      %dma_start3A_293 = tpu.memref_squeeze %dma_start3A_292 : memref<1x10240x128xf32, #tpu.memory_space<hbm>> -> memref<10240x128xf32, #tpu.memory_space<hbm>>
      %dma_start3A_294 = arith.constant 0 : i32
      %dma_start3A_295 = tpu.memref_slice %dma_start3A_293[%add3A_87, %dma_start3A_294] : memref<10240x128xf32, #tpu.memory_space<hbm>> -> memref<128x128xf32, #tpu.memory_space<hbm>>
      %dma_start3A_296 = arith.constant 0 : i32
      %dma_start3A_297 = arith.constant 0 : i32
      %dma_start3A_298 = tpu.memref_slice %arg7[%add3A_17, %dma_start3A_296, %dma_start3A_297] : memref<4x10240x128xf32, #tpu.memory_space<hbm>> -> memref<1x10240x128xf32, #tpu.memory_space<hbm>>
      %dma_start3A_299 = tpu.memref_squeeze %dma_start3A_298 : memref<1x10240x128xf32, #tpu.memory_space<hbm>> -> memref<10240x128xf32, #tpu.memory_space<hbm>>
      %dma_start3A_300 = arith.constant 0 : i32
      %dma_start3A_301 = tpu.memref_slice %dma_start3A_299[%add3A_87, %dma_start3A_300] : memref<10240x128xf32, #tpu.memory_space<hbm>> -> memref<128x128xf32, #tpu.memory_space<hbm>>
      tpu.enqueue_dma source(%arg11 : memref<128x128xf32, #tpu.memory_space<vmem>>) target(%dma_start3A_301 : memref<128x128xf32, #tpu.memory_space<hbm>>) target_semaphore(%run_scoped3A : memref<!tpu.dma_semaphore, #tpu.memory_space<semaphore_mem>>)
      %dma_wait3A_302 = arith.constant 0 : i32
      %dma_wait3A_303 = arith.constant 0 : i32
      %dma_wait3A_304 = tpu.memref_slice %arg7[%add3A_17, %dma_wait3A_302, %dma_wait3A_303] : memref<4x10240x128xf32, #tpu.memory_space<hbm>> -> memref<1x10240x128xf32, #tpu.memory_space<hbm>>
      %dma_wait3A_305 = tpu.memref_squeeze %dma_wait3A_304 : memref<1x10240x128xf32, #tpu.memory_space<hbm>> -> memref<10240x128xf32, #tpu.memory_space<hbm>>
      %dma_wait3A_306 = arith.constant 0 : i32
      %dma_wait3A_307 = tpu.memref_slice %dma_wait3A_305[%add3A_87, %dma_wait3A_306] : memref<10240x128xf32, #tpu.memory_space<hbm>> -> memref<128x128xf32, #tpu.memory_space<hbm>>
      %dma_wait3A_308 = arith.constant 0 : i32
      %dma_wait3A_309 = arith.constant 0 : i32
      %dma_wait3A_310 = tpu.memref_slice %arg7[%add3A_17, %dma_wait3A_308, %dma_wait3A_309] : memref<4x10240x128xf32, #tpu.memory_space<hbm>> -> memref<1x10240x128xf32, #tpu.memory_space<hbm>>
      %dma_wait3A_311 = tpu.memref_squeeze %dma_wait3A_310 : memref<1x10240x128xf32, #tpu.memory_space<hbm>> -> memref<10240x128xf32, #tpu.memory_space<hbm>>
      %dma_wait3A_312 = arith.constant 0 : i32
      %dma_wait3A_313 = tpu.memref_slice %dma_wait3A_311[%add3A_87, %dma_wait3A_312] : memref<10240x128xf32, #tpu.memory_space<hbm>> -> memref<128x128xf32, #tpu.memory_space<hbm>>
      tpu.wait_dma2 semaphore(%run_scoped3A : memref<!tpu.dma_semaphore, #tpu.memory_space<semaphore_mem>>) src(%arg11 : memref<128x128xf32, #tpu.memory_space<vmem>>) dst(%dma_wait3A_313 : memref<128x128xf32, #tpu.memory_space<hbm>>)
      tpu.yield
    }) : () -> ()
    %dma_start3A_88 = arith.constant 3 : i32
    %dma_start3A_89 = arith.constant 0 : i32
    %dma_start3A_90 = tpu.memref_slice %arg13[%dma_start3A_88, %dma_start3A_89] : memref<5x128xi32, #tpu.memory_space<vmem>> -> memref<1x128xi32, #tpu.memory_space<vmem>>
    %dma_start3A_91 = tpu.memref_squeeze %dma_start3A_90 : memref<1x128xi32, #tpu.memory_space<vmem>> -> memref<128xi32, #tpu.memory_space<vmem>>
    %dma_start3A_92 = arith.constant 0 : i32
    %dma_start3A_93 = arith.constant 0 : i32
    %dma_start3A_94 = tpu.memref_slice %arg2[%add3A_17, %dma_start3A_92, %dma_start3A_93] : memref<4x10240x128xf32, #tpu.memory_space<hbm>> -> memref<1x10240x128xf32, #tpu.memory_space<hbm>>
    %dma_start3A_95 = tpu.memref_squeeze %dma_start3A_94 : memref<1x10240x128xf32, #tpu.memory_space<hbm>> -> memref<10240x128xf32, #tpu.memory_space<hbm>>
    %dma_start3A_96 = arith.constant 0 : i32
    %dma_start3A_97 = arith.constant 0 : i32
    %dma_start3A_98 = tpu.memref_slice %dma_start3A_95[%dma_start3A_96, %dma_start3A_97] : memref<10240x128xf32, #tpu.memory_space<hbm>> -> memref<10240x128xf32, #tpu.memory_space<hbm>>
    tpu.enqueue_indirect_dma source(%dma_start3A_98 : memref<10240x128xf32, #tpu.memory_space<hbm>>) target(%arg11 : memref<128x128xf32, #tpu.memory_space<vmem>>) offsets(%dma_start3A_91 : memref<128xi32, #tpu.memory_space<vmem>>) semaphore(%arg14 : memref<!tpu.dma_semaphore, #tpu.memory_space<semaphore_mem>>)
    %dma_wait3A_99 = arith.constant 3 : i32
    %dma_wait3A_100 = arith.constant 0 : i32
    %dma_wait3A_101 = tpu.memref_slice %arg13[%dma_wait3A_99, %dma_wait3A_100] : memref<5x128xi32, #tpu.memory_space<vmem>> -> memref<1x128xi32, #tpu.memory_space<vmem>>
    %dma_wait3A_102 = tpu.memref_squeeze %dma_wait3A_101 : memref<1x128xi32, #tpu.memory_space<vmem>> -> memref<128xi32, #tpu.memory_space<vmem>>
    %dma_wait3A_103 = arith.constant 0 : i32
    %dma_wait3A_104 = arith.constant 0 : i32
    %dma_wait3A_105 = tpu.memref_slice %arg2[%add3A_17, %dma_wait3A_103, %dma_wait3A_104] : memref<4x10240x128xf32, #tpu.memory_space<hbm>> -> memref<1x10240x128xf32, #tpu.memory_space<hbm>>
    %dma_wait3A_106 = tpu.memref_squeeze %dma_wait3A_105 : memref<1x10240x128xf32, #tpu.memory_space<hbm>> -> memref<10240x128xf32, #tpu.memory_space<hbm>>
    %dma_wait3A_107 = arith.constant 0 : i32
    %dma_wait3A_108 = arith.constant 0 : i32
    %dma_wait3A_109 = tpu.memref_slice %dma_wait3A_106[%dma_wait3A_107, %dma_wait3A_108] : memref<10240x128xf32, #tpu.memory_space<hbm>> -> memref<10240x128xf32, #tpu.memory_space<hbm>>
    tpu.wait_indirect_dma semaphore(%arg14 : memref<!tpu.dma_semaphore, #tpu.memory_space<semaphore_mem>>) src(%dma_wait3A_109 : memref<10240x128xf32, #tpu.memory_space<hbm>>) dst(%arg11 : memref<128x128xf32, #tpu.memory_space<vmem>>)
    %add3A_110 = arith.constant 384 : i32
    %add3A_111 = arith.addi %mul3A_8, %add3A_110 : i32
    "tpu.region"() ({
      %run_scoped3A = tpu.sem_alloc : memref<!tpu.dma_semaphore, #tpu.memory_space<semaphore_mem>>
      %dma_start3A_290 = arith.constant 0 : i32
      %dma_start3A_291 = arith.constant 0 : i32
      %dma_start3A_292 = tpu.memref_slice %arg7[%add3A_17, %dma_start3A_290, %dma_start3A_291] : memref<4x10240x128xf32, #tpu.memory_space<hbm>> -> memref<1x10240x128xf32, #tpu.memory_space<hbm>>
      %dma_start3A_293 = tpu.memref_squeeze %dma_start3A_292 : memref<1x10240x128xf32, #tpu.memory_space<hbm>> -> memref<10240x128xf32, #tpu.memory_space<hbm>>
      %dma_start3A_294 = arith.constant 0 : i32
      %dma_start3A_295 = tpu.memref_slice %dma_start3A_293[%add3A_111, %dma_start3A_294] : memref<10240x128xf32, #tpu.memory_space<hbm>> -> memref<128x128xf32, #tpu.memory_space<hbm>>
      %dma_start3A_296 = arith.constant 0 : i32
      %dma_start3A_297 = arith.constant 0 : i32
      %dma_start3A_298 = tpu.memref_slice %arg7[%add3A_17, %dma_start3A_296, %dma_start3A_297] : memref<4x10240x128xf32, #tpu.memory_space<hbm>> -> memref<1x10240x128xf32, #tpu.memory_space<hbm>>
      %dma_start3A_299 = tpu.memref_squeeze %dma_start3A_298 : memref<1x10240x128xf32, #tpu.memory_space<hbm>> -> memref<10240x128xf32, #tpu.memory_space<hbm>>
      %dma_start3A_300 = arith.constant 0 : i32
      %dma_start3A_301 = tpu.memref_slice %dma_start3A_299[%add3A_111, %dma_start3A_300] : memref<10240x128xf32, #tpu.memory_space<hbm>> -> memref<128x128xf32, #tpu.memory_space<hbm>>
      tpu.enqueue_dma source(%arg11 : memref<128x128xf32, #tpu.memory_space<vmem>>) target(%dma_start3A_301 : memref<128x128xf32, #tpu.memory_space<hbm>>) target_semaphore(%run_scoped3A : memref<!tpu.dma_semaphore, #tpu.memory_space<semaphore_mem>>)
      %dma_wait3A_302 = arith.constant 0 : i32
      %dma_wait3A_303 = arith.constant 0 : i32
      %dma_wait3A_304 = tpu.memref_slice %arg7[%add3A_17, %dma_wait3A_302, %dma_wait3A_303] : memref<4x10240x128xf32, #tpu.memory_space<hbm>> -> memref<1x10240x128xf32, #tpu.memory_space<hbm>>
      %dma_wait3A_305 = tpu.memref_squeeze %dma_wait3A_304 : memref<1x10240x128xf32, #tpu.memory_space<hbm>> -> memref<10240x128xf32, #tpu.memory_space<hbm>>
      %dma_wait3A_306 = arith.constant 0 : i32
      %dma_wait3A_307 = tpu.memref_slice %dma_wait3A_305[%add3A_111, %dma_wait3A_306] : memref<10240x128xf32, #tpu.memory_space<hbm>> -> memref<128x128xf32, #tpu.memory_space<hbm>>
      %dma_wait3A_308 = arith.constant 0 : i32
      %dma_wait3A_309 = arith.constant 0 : i32
      %dma_wait3A_310 = tpu.memref_slice %arg7[%add3A_17, %dma_wait3A_308, %dma_wait3A_309] : memref<4x10240x128xf32, #tpu.memory_space<hbm>> -> memref<1x10240x128xf32, #tpu.memory_space<hbm>>
      %dma_wait3A_311 = tpu.memref_squeeze %dma_wait3A_310 : memref<1x10240x128xf32, #tpu.memory_space<hbm>> -> memref<10240x128xf32, #tpu.memory_space<hbm>>
      %dma_wait3A_312 = arith.constant 0 : i32
      %dma_wait3A_313 = tpu.memref_slice %dma_wait3A_311[%add3A_111, %dma_wait3A_312] : memref<10240x128xf32, #tpu.memory_space<hbm>> -> memref<128x128xf32, #tpu.memory_space<hbm>>
      tpu.wait_dma2 semaphore(%run_scoped3A : memref<!tpu.dma_semaphore, #tpu.memory_space<semaphore_mem>>) src(%arg11 : memref<128x128xf32, #tpu.memory_space<vmem>>) dst(%dma_wait3A_313 : memref<128x128xf32, #tpu.memory_space<hbm>>)
      tpu.yield
    }) : () -> ()
    %dma_start3A_112 = arith.constant 4 : i32
    %dma_start3A_113 = arith.constant 0 : i32
    %dma_start3A_114 = tpu.memref_slice %arg13[%dma_start3A_112, %dma_start3A_113] : memref<5x128xi32, #tpu.memory_space<vmem>> -> memref<1x128xi32, #tpu.memory_space<vmem>>
    %dma_start3A_115 = tpu.memref_squeeze %dma_start3A_114 : memref<1x128xi32, #tpu.memory_space<vmem>> -> memref<128xi32, #tpu.memory_space<vmem>>
    %dma_start3A_116 = arith.constant 0 : i32
    %dma_start3A_117 = arith.constant 0 : i32
    %dma_start3A_118 = tpu.memref_slice %arg2[%add3A_17, %dma_start3A_116, %dma_start3A_117] : memref<4x10240x128xf32, #tpu.memory_space<hbm>> -> memref<1x10240x128xf32, #tpu.memory_space<hbm>>
    %dma_start3A_119 = tpu.memref_squeeze %dma_start3A_118 : memref<1x10240x128xf32, #tpu.memory_space<hbm>> -> memref<10240x128xf32, #tpu.memory_space<hbm>>
    %dma_start3A_120 = arith.constant 0 : i32
    %dma_start3A_121 = arith.constant 0 : i32
    %dma_start3A_122 = tpu.memref_slice %dma_start3A_119[%dma_start3A_120, %dma_start3A_121] : memref<10240x128xf32, #tpu.memory_space<hbm>> -> memref<10240x128xf32, #tpu.memory_space<hbm>>
    tpu.enqueue_indirect_dma source(%dma_start3A_122 : memref<10240x128xf32, #tpu.memory_space<hbm>>) target(%arg11 : memref<128x128xf32, #tpu.memory_space<vmem>>) offsets(%dma_start3A_115 : memref<128xi32, #tpu.memory_space<vmem>>) semaphore(%arg14 : memref<!tpu.dma_semaphore, #tpu.memory_space<semaphore_mem>>)
    %dma_wait3A_123 = arith.constant 4 : i32
    %dma_wait3A_124 = arith.constant 0 : i32
    %dma_wait3A_125 = tpu.memref_slice %arg13[%dma_wait3A_123, %dma_wait3A_124] : memref<5x128xi32, #tpu.memory_space<vmem>> -> memref<1x128xi32, #tpu.memory_space<vmem>>
    %dma_wait3A_126 = tpu.memref_squeeze %dma_wait3A_125 : memref<1x128xi32, #tpu.memory_space<vmem>> -> memref<128xi32, #tpu.memory_space<vmem>>
    %dma_wait3A_127 = arith.constant 0 : i32
    %dma_wait3A_128 = arith.constant 0 : i32
    %dma_wait3A_129 = tpu.memref_slice %arg2[%add3A_17, %dma_wait3A_127, %dma_wait3A_128] : memref<4x10240x128xf32, #tpu.memory_space<hbm>> -> memref<1x10240x128xf32, #tpu.memory_space<hbm>>
    %dma_wait3A_130 = tpu.memref_squeeze %dma_wait3A_129 : memref<1x10240x128xf32, #tpu.memory_space<hbm>> -> memref<10240x128xf32, #tpu.memory_space<hbm>>
    %dma_wait3A_131 = arith.constant 0 : i32
    %dma_wait3A_132 = arith.constant 0 : i32
    %dma_wait3A_133 = tpu.memref_slice %dma_wait3A_130[%dma_wait3A_131, %dma_wait3A_132] : memref<10240x128xf32, #tpu.memory_space<hbm>> -> memref<10240x128xf32, #tpu.memory_space<hbm>>
    tpu.wait_indirect_dma semaphore(%arg14 : memref<!tpu.dma_semaphore, #tpu.memory_space<semaphore_mem>>) src(%dma_wait3A_133 : memref<10240x128xf32, #tpu.memory_space<hbm>>) dst(%arg11 : memref<128x128xf32, #tpu.memory_space<vmem>>)
    %add3A_134 = arith.constant 512 : i32
    %add3A_135 = arith.addi %mul3A_8, %add3A_134 : i32
    "tpu.region"() ({
      %run_scoped3A = tpu.sem_alloc : memref<!tpu.dma_semaphore, #tpu.memory_space<semaphore_mem>>
      %dma_start3A_290 = arith.constant 0 : i32
      %dma_start3A_291 = arith.constant 0 : i32
      %dma_start3A_292 = tpu.memref_slice %arg7[%add3A_17, %dma_start3A_290, %dma_start3A_291] : memref<4x10240x128xf32, #tpu.memory_space<hbm>> -> memref<1x10240x128xf32, #tpu.memory_space<hbm>>
      %dma_start3A_293 = tpu.memref_squeeze %dma_start3A_292 : memref<1x10240x128xf32, #tpu.memory_space<hbm>> -> memref<10240x128xf32, #tpu.memory_space<hbm>>
      %dma_start3A_294 = arith.constant 0 : i32
      %dma_start3A_295 = tpu.memref_slice %dma_start3A_293[%add3A_135, %dma_start3A_294] : memref<10240x128xf32, #tpu.memory_space<hbm>> -> memref<128x128xf32, #tpu.memory_space<hbm>>
      %dma_start3A_296 = arith.constant 0 : i32
      %dma_start3A_297 = arith.constant 0 : i32
      %dma_start3A_298 = tpu.memref_slice %arg7[%add3A_17, %dma_start3A_296, %dma_start3A_297] : memref<4x10240x128xf32, #tpu.memory_space<hbm>> -> memref<1x10240x128xf32, #tpu.memory_space<hbm>>
      %dma_start3A_299 = tpu.memref_squeeze %dma_start3A_298 : memref<1x10240x128xf32, #tpu.memory_space<hbm>> -> memref<10240x128xf32, #tpu.memory_space<hbm>>
      %dma_start3A_300 = arith.constant 0 : i32
      %dma_start3A_301 = tpu.memref_slice %dma_start3A_299[%add3A_135, %dma_start3A_300] : memref<10240x128xf32, #tpu.memory_space<hbm>> -> memref<128x128xf32, #tpu.memory_space<hbm>>
      tpu.enqueue_dma source(%arg11 : memref<128x128xf32, #tpu.memory_space<vmem>>) target(%dma_start3A_301 : memref<128x128xf32, #tpu.memory_space<hbm>>) target_semaphore(%run_scoped3A : memref<!tpu.dma_semaphore, #tpu.memory_space<semaphore_mem>>)
      %dma_wait3A_302 = arith.constant 0 : i32
      %dma_wait3A_303 = arith.constant 0 : i32
      %dma_wait3A_304 = tpu.memref_slice %arg7[%add3A_17, %dma_wait3A_302, %dma_wait3A_303] : memref<4x10240x128xf32, #tpu.memory_space<hbm>> -> memref<1x10240x128xf32, #tpu.memory_space<hbm>>
      %dma_wait3A_305 = tpu.memref_squeeze %dma_wait3A_304 : memref<1x10240x128xf32, #tpu.memory_space<hbm>> -> memref<10240x128xf32, #tpu.memory_space<hbm>>
      %dma_wait3A_306 = arith.constant 0 : i32
      %dma_wait3A_307 = tpu.memref_slice %dma_wait3A_305[%add3A_135, %dma_wait3A_306] : memref<10240x128xf32, #tpu.memory_space<hbm>> -> memref<128x128xf32, #tpu.memory_space<hbm>>
      %dma_wait3A_308 = arith.constant 0 : i32
      %dma_wait3A_309 = arith.constant 0 : i32
      %dma_wait3A_310 = tpu.memref_slice %arg7[%add3A_17, %dma_wait3A_308, %dma_wait3A_309] : memref<4x10240x128xf32, #tpu.memory_space<hbm>> -> memref<1x10240x128xf32, #tpu.memory_space<hbm>>
      %dma_wait3A_311 = tpu.memref_squeeze %dma_wait3A_310 : memref<1x10240x128xf32, #tpu.memory_space<hbm>> -> memref<10240x128xf32, #tpu.memory_space<hbm>>
      %dma_wait3A_312 = arith.constant 0 : i32
      %dma_wait3A_313 = tpu.memref_slice %dma_wait3A_311[%add3A_135, %dma_wait3A_312] : memref<10240x128xf32, #tpu.memory_space<hbm>> -> memref<128x128xf32, #tpu.memory_space<hbm>>
      tpu.wait_dma2 semaphore(%run_scoped3A : memref<!tpu.dma_semaphore, #tpu.memory_space<semaphore_mem>>) src(%arg11 : memref<128x128xf32, #tpu.memory_space<vmem>>) dst(%dma_wait3A_313 : memref<128x128xf32, #tpu.memory_space<hbm>>)
      tpu.yield
    }) : () -> ()
    %mul3A_136 = arith.constant 2 : i32
    %mul3A_137 = arith.muli %mul3A_136, %arg0 : i32
    %add3A_138 = arith.constant 1 : i32
    %add3A_139 = arith.addi %mul3A_137, %add3A_138 : i32
    %dma_start3A_140 = arith.constant 0 : i32
    %dma_start3A_141 = arith.constant 0 : i32
    %dma_start3A_142 = tpu.memref_slice %arg13[%dma_start3A_140, %dma_start3A_141] : memref<5x128xi32, #tpu.memory_space<vmem>> -> memref<1x128xi32, #tpu.memory_space<vmem>>
    %dma_start3A_143 = tpu.memref_squeeze %dma_start3A_142 : memref<1x128xi32, #tpu.memory_space<vmem>> -> memref<128xi32, #tpu.memory_space<vmem>>
    %dma_start3A_144 = arith.constant 0 : i32
    %dma_start3A_145 = arith.constant 0 : i32
    %dma_start3A_146 = tpu.memref_slice %arg2[%add3A_139, %dma_start3A_144, %dma_start3A_145] : memref<4x10240x128xf32, #tpu.memory_space<hbm>> -> memref<1x10240x128xf32, #tpu.memory_space<hbm>>
    %dma_start3A_147 = tpu.memref_squeeze %dma_start3A_146 : memref<1x10240x128xf32, #tpu.memory_space<hbm>> -> memref<10240x128xf32, #tpu.memory_space<hbm>>
    %dma_start3A_148 = arith.constant 0 : i32
    %dma_start3A_149 = arith.constant 0 : i32
    %dma_start3A_150 = tpu.memref_slice %dma_start3A_147[%dma_start3A_148, %dma_start3A_149] : memref<10240x128xf32, #tpu.memory_space<hbm>> -> memref<10240x128xf32, #tpu.memory_space<hbm>>
    tpu.enqueue_indirect_dma source(%dma_start3A_150 : memref<10240x128xf32, #tpu.memory_space<hbm>>) target(%arg11 : memref<128x128xf32, #tpu.memory_space<vmem>>) offsets(%dma_start3A_143 : memref<128xi32, #tpu.memory_space<vmem>>) semaphore(%arg14 : memref<!tpu.dma_semaphore, #tpu.memory_space<semaphore_mem>>)
    %dma_wait3A_151 = arith.constant 0 : i32
    %dma_wait3A_152 = arith.constant 0 : i32
    %dma_wait3A_153 = tpu.memref_slice %arg13[%dma_wait3A_151, %dma_wait3A_152] : memref<5x128xi32, #tpu.memory_space<vmem>> -> memref<1x128xi32, #tpu.memory_space<vmem>>
    %dma_wait3A_154 = tpu.memref_squeeze %dma_wait3A_153 : memref<1x128xi32, #tpu.memory_space<vmem>> -> memref<128xi32, #tpu.memory_space<vmem>>
    %dma_wait3A_155 = arith.constant 0 : i32
    %dma_wait3A_156 = arith.constant 0 : i32
    %dma_wait3A_157 = tpu.memref_slice %arg2[%add3A_139, %dma_wait3A_155, %dma_wait3A_156] : memref<4x10240x128xf32, #tpu.memory_space<hbm>> -> memref<1x10240x128xf32, #tpu.memory_space<hbm>>
    %dma_wait3A_158 = tpu.memref_squeeze %dma_wait3A_157 : memref<1x10240x128xf32, #tpu.memory_space<hbm>> -> memref<10240x128xf32, #tpu.memory_space<hbm>>
    %dma_wait3A_159 = arith.constant 0 : i32
    %dma_wait3A_160 = arith.constant 0 : i32
    %dma_wait3A_161 = tpu.memref_slice %dma_wait3A_158[%dma_wait3A_159, %dma_wait3A_160] : memref<10240x128xf32, #tpu.memory_space<hbm>> -> memref<10240x128xf32, #tpu.memory_space<hbm>>
    tpu.wait_indirect_dma semaphore(%arg14 : memref<!tpu.dma_semaphore, #tpu.memory_space<semaphore_mem>>) src(%dma_wait3A_161 : memref<10240x128xf32, #tpu.memory_space<hbm>>) dst(%arg11 : memref<128x128xf32, #tpu.memory_space<vmem>>)
    %add3A_162 = arith.constant 0 : i32
    %add3A_163 = arith.addi %mul3A_8, %add3A_162 : i32
    "tpu.region"() ({
      %run_scoped3A = tpu.sem_alloc : memref<!tpu.dma_semaphore, #tpu.memory_space<semaphore_mem>>
      %dma_start3A_290 = arith.constant 0 : i32
      %dma_start3A_291 = arith.constant 0 : i32
      %dma_start3A_292 = tpu.memref_slice %arg7[%add3A_139, %dma_start3A_290, %dma_start3A_291] : memref<4x10240x128xf32, #tpu.memory_space<hbm>> -> memref<1x10240x128xf32, #tpu.memory_space<hbm>>
      %dma_start3A_293 = tpu.memref_squeeze %dma_start3A_292 : memref<1x10240x128xf32, #tpu.memory_space<hbm>> -> memref<10240x128xf32, #tpu.memory_space<hbm>>
      %dma_start3A_294 = arith.constant 0 : i32
      %dma_start3A_295 = tpu.memref_slice %dma_start3A_293[%add3A_163, %dma_start3A_294] : memref<10240x128xf32, #tpu.memory_space<hbm>> -> memref<128x128xf32, #tpu.memory_space<hbm>>
      %dma_start3A_296 = arith.constant 0 : i32
      %dma_start3A_297 = arith.constant 0 : i32
      %dma_start3A_298 = tpu.memref_slice %arg7[%add3A_139, %dma_start3A_296, %dma_start3A_297] : memref<4x10240x128xf32, #tpu.memory_space<hbm>> -> memref<1x10240x128xf32, #tpu.memory_space<hbm>>
      %dma_start3A_299 = tpu.memref_squeeze %dma_start3A_298 : memref<1x10240x128xf32, #tpu.memory_space<hbm>> -> memref<10240x128xf32, #tpu.memory_space<hbm>>
      %dma_start3A_300 = arith.constant 0 : i32
      %dma_start3A_301 = tpu.memref_slice %dma_start3A_299[%add3A_163, %dma_start3A_300] : memref<10240x128xf32, #tpu.memory_space<hbm>> -> memref<128x128xf32, #tpu.memory_space<hbm>>
      tpu.enqueue_dma source(%arg11 : memref<128x128xf32, #tpu.memory_space<vmem>>) target(%dma_start3A_301 : memref<128x128xf32, #tpu.memory_space<hbm>>) target_semaphore(%run_scoped3A : memref<!tpu.dma_semaphore, #tpu.memory_space<semaphore_mem>>)
      %dma_wait3A_302 = arith.constant 0 : i32
      %dma_wait3A_303 = arith.constant 0 : i32
      %dma_wait3A_304 = tpu.memref_slice %arg7[%add3A_139, %dma_wait3A_302, %dma_wait3A_303] : memref<4x10240x128xf32, #tpu.memory_space<hbm>> -> memref<1x10240x128xf32, #tpu.memory_space<hbm>>
      %dma_wait3A_305 = tpu.memref_squeeze %dma_wait3A_304 : memref<1x10240x128xf32, #tpu.memory_space<hbm>> -> memref<10240x128xf32, #tpu.memory_space<hbm>>
      %dma_wait3A_306 = arith.constant 0 : i32
      %dma_wait3A_307 = tpu.memref_slice %dma_wait3A_305[%add3A_163, %dma_wait3A_306] : memref<10240x128xf32, #tpu.memory_space<hbm>> -> memref<128x128xf32, #tpu.memory_space<hbm>>
      %dma_wait3A_308 = arith.constant 0 : i32
      %dma_wait3A_309 = arith.constant 0 : i32
      %dma_wait3A_310 = tpu.memref_slice %arg7[%add3A_139, %dma_wait3A_308, %dma_wait3A_309] : memref<4x10240x128xf32, #tpu.memory_space<hbm>> -> memref<1x10240x128xf32, #tpu.memory_space<hbm>>
      %dma_wait3A_311 = tpu.memref_squeeze %dma_wait3A_310 : memref<1x10240x128xf32, #tpu.memory_space<hbm>> -> memref<10240x128xf32, #tpu.memory_space<hbm>>
      %dma_wait3A_312 = arith.constant 0 : i32
      %dma_wait3A_313 = tpu.memref_slice %dma_wait3A_311[%add3A_163, %dma_wait3A_312] : memref<10240x128xf32, #tpu.memory_space<hbm>> -> memref<128x128xf32, #tpu.memory_space<hbm>>
      tpu.wait_dma2 semaphore(%run_scoped3A : memref<!tpu.dma_semaphore, #tpu.memory_space<semaphore_mem>>) src(%arg11 : memref<128x128xf32, #tpu.memory_space<vmem>>) dst(%dma_wait3A_313 : memref<128x128xf32, #tpu.memory_space<hbm>>)
      tpu.yield
    }) : () -> ()
    %dma_start3A_164 = arith.constant 1 : i32
    %dma_start3A_165 = arith.constant 0 : i32
    %dma_start3A_166 = tpu.memref_slice %arg13[%dma_start3A_164, %dma_start3A_165] : memref<5x128xi32, #tpu.memory_space<vmem>> -> memref<1x128xi32, #tpu.memory_space<vmem>>
    %dma_start3A_167 = tpu.memref_squeeze %dma_start3A_166 : memref<1x128xi32, #tpu.memory_space<vmem>> -> memref<128xi32, #tpu.memory_space<vmem>>
    %dma_start3A_168 = arith.constant 0 : i32
    %dma_start3A_169 = arith.constant 0 : i32
    %dma_start3A_170 = tpu.memref_slice %arg2[%add3A_139, %dma_start3A_168, %dma_start3A_169] : memref<4x10240x128xf32, #tpu.memory_space<hbm>> -> memref<1x10240x128xf32, #tpu.memory_space<hbm>>
    %dma_start3A_171 = tpu.memref_squeeze %dma_start3A_170 : memref<1x10240x128xf32, #tpu.memory_space<hbm>> -> memref<10240x128xf32, #tpu.memory_space<hbm>>
    %dma_start3A_172 = arith.constant 0 : i32
    %dma_start3A_173 = arith.constant 0 : i32
    %dma_start3A_174 = tpu.memref_slice %dma_start3A_171[%dma_start3A_172, %dma_start3A_173] : memref<10240x128xf32, #tpu.memory_space<hbm>> -> memref<10240x128xf32, #tpu.memory_space<hbm>>
    tpu.enqueue_indirect_dma source(%dma_start3A_174 : memref<10240x128xf32, #tpu.memory_space<hbm>>) target(%arg11 : memref<128x128xf32, #tpu.memory_space<vmem>>) offsets(%dma_start3A_167 : memref<128xi32, #tpu.memory_space<vmem>>) semaphore(%arg14 : memref<!tpu.dma_semaphore, #tpu.memory_space<semaphore_mem>>)
    %dma_wait3A_175 = arith.constant 1 : i32
    %dma_wait3A_176 = arith.constant 0 : i32
    %dma_wait3A_177 = tpu.memref_slice %arg13[%dma_wait3A_175, %dma_wait3A_176] : memref<5x128xi32, #tpu.memory_space<vmem>> -> memref<1x128xi32, #tpu.memory_space<vmem>>
    %dma_wait3A_178 = tpu.memref_squeeze %dma_wait3A_177 : memref<1x128xi32, #tpu.memory_space<vmem>> -> memref<128xi32, #tpu.memory_space<vmem>>
    %dma_wait3A_179 = arith.constant 0 : i32
    %dma_wait3A_180 = arith.constant 0 : i32
    %dma_wait3A_181 = tpu.memref_slice %arg2[%add3A_139, %dma_wait3A_179, %dma_wait3A_180] : memref<4x10240x128xf32, #tpu.memory_space<hbm>> -> memref<1x10240x128xf32, #tpu.memory_space<hbm>>
    %dma_wait3A_182 = tpu.memref_squeeze %dma_wait3A_181 : memref<1x10240x128xf32, #tpu.memory_space<hbm>> -> memref<10240x128xf32, #tpu.memory_space<hbm>>
    %dma_wait3A_183 = arith.constant 0 : i32
    %dma_wait3A_184 = arith.constant 0 : i32
    %dma_wait3A_185 = tpu.memref_slice %dma_wait3A_182[%dma_wait3A_183, %dma_wait3A_184] : memref<10240x128xf32, #tpu.memory_space<hbm>> -> memref<10240x128xf32, #tpu.memory_space<hbm>>
    tpu.wait_indirect_dma semaphore(%arg14 : memref<!tpu.dma_semaphore, #tpu.memory_space<semaphore_mem>>) src(%dma_wait3A_185 : memref<10240x128xf32, #tpu.memory_space<hbm>>) dst(%arg11 : memref<128x128xf32, #tpu.memory_space<vmem>>)
    %add3A_186 = arith.constant 128 : i32
    %add3A_187 = arith.addi %mul3A_8, %add3A_186 : i32
    "tpu.region"() ({
      %run_scoped3A = tpu.sem_alloc : memref<!tpu.dma_semaphore, #tpu.memory_space<semaphore_mem>>
      %dma_start3A_290 = arith.constant 0 : i32
      %dma_start3A_291 = arith.constant 0 : i32
      %dma_start3A_292 = tpu.memref_slice %arg7[%add3A_139, %dma_start3A_290, %dma_start3A_291] : memref<4x10240x128xf32, #tpu.memory_space<hbm>> -> memref<1x10240x128xf32, #tpu.memory_space<hbm>>
      %dma_start3A_293 = tpu.memref_squeeze %dma_start3A_292 : memref<1x10240x128xf32, #tpu.memory_space<hbm>> -> memref<10240x128xf32, #tpu.memory_space<hbm>>
      %dma_start3A_294 = arith.constant 0 : i32
      %dma_start3A_295 = tpu.memref_slice %dma_start3A_293[%add3A_187, %dma_start3A_294] : memref<10240x128xf32, #tpu.memory_space<hbm>> -> memref<128x128xf32, #tpu.memory_space<hbm>>
      %dma_start3A_296 = arith.constant 0 : i32
      %dma_start3A_297 = arith.constant 0 : i32
      %dma_start3A_298 = tpu.memref_slice %arg7[%add3A_139, %dma_start3A_296, %dma_start3A_297] : memref<4x10240x128xf32, #tpu.memory_space<hbm>> -> memref<1x10240x128xf32, #tpu.memory_space<hbm>>
      %dma_start3A_299 = tpu.memref_squeeze %dma_start3A_298 : memref<1x10240x128xf32, #tpu.memory_space<hbm>> -> memref<10240x128xf32, #tpu.memory_space<hbm>>
      %dma_start3A_300 = arith.constant 0 : i32
      %dma_start3A_301 = tpu.memref_slice %dma_start3A_299[%add3A_187, %dma_start3A_300] : memref<10240x128xf32, #tpu.memory_space<hbm>> -> memref<128x128xf32, #tpu.memory_space<hbm>>
      tpu.enqueue_dma source(%arg11 : memref<128x128xf32, #tpu.memory_space<vmem>>) target(%dma_start3A_301 : memref<128x128xf32, #tpu.memory_space<hbm>>) target_semaphore(%run_scoped3A : memref<!tpu.dma_semaphore, #tpu.memory_space<semaphore_mem>>)
      %dma_wait3A_302 = arith.constant 0 : i32
      %dma_wait3A_303 = arith.constant 0 : i32
      %dma_wait3A_304 = tpu.memref_slice %arg7[%add3A_139, %dma_wait3A_302, %dma_wait3A_303] : memref<4x10240x128xf32, #tpu.memory_space<hbm>> -> memref<1x10240x128xf32, #tpu.memory_space<hbm>>
      %dma_wait3A_305 = tpu.memref_squeeze %dma_wait3A_304 : memref<1x10240x128xf32, #tpu.memory_space<hbm>> -> memref<10240x128xf32, #tpu.memory_space<hbm>>
      %dma_wait3A_306 = arith.constant 0 : i32
      %dma_wait3A_307 = tpu.memref_slice %dma_wait3A_305[%add3A_187, %dma_wait3A_306] : memref<10240x128xf32, #tpu.memory_space<hbm>> -> memref<128x128xf32, #tpu.memory_space<hbm>>
      %dma_wait3A_308 = arith.constant 0 : i32
      %dma_wait3A_309 = arith.constant 0 : i32
      %dma_wait3A_310 = tpu.memref_slice %arg7[%add3A_139, %dma_wait3A_308, %dma_wait3A_309] : memref<4x10240x128xf32, #tpu.memory_space<hbm>> -> memref<1x10240x128xf32, #tpu.memory_space<hbm>>
      %dma_wait3A_311 = tpu.memref_squeeze %dma_wait3A_310 : memref<1x10240x128xf32, #tpu.memory_space<hbm>> -> memref<10240x128xf32, #tpu.memory_space<hbm>>
      %dma_wait3A_312 = arith.constant 0 : i32
      %dma_wait3A_313 = tpu.memref_slice %dma_wait3A_311[%add3A_187, %dma_wait3A_312] : memref<10240x128xf32, #tpu.memory_space<hbm>> -> memref<128x128xf32, #tpu.memory_space<hbm>>
      tpu.wait_dma2 semaphore(%run_scoped3A : memref<!tpu.dma_semaphore, #tpu.memory_space<semaphore_mem>>) src(%arg11 : memref<128x128xf32, #tpu.memory_space<vmem>>) dst(%dma_wait3A_313 : memref<128x128xf32, #tpu.memory_space<hbm>>)
      tpu.yield
    }) : () -> ()
    %dma_start3A_188 = arith.constant 2 : i32
    %dma_start3A_189 = arith.constant 0 : i32
    %dma_start3A_190 = tpu.memref_slice %arg13[%dma_start3A_188, %dma_start3A_189] : memref<5x128xi32, #tpu.memory_space<vmem>> -> memref<1x128xi32, #tpu.memory_space<vmem>>
    %dma_start3A_191 = tpu.memref_squeeze %dma_start3A_190 : memref<1x128xi32, #tpu.memory_space<vmem>> -> memref<128xi32, #tpu.memory_space<vmem>>
    %dma_start3A_192 = arith.constant 0 : i32
    %dma_start3A_193 = arith.constant 0 : i32
    %dma_start3A_194 = tpu.memref_slice %arg2[%add3A_139, %dma_start3A_192, %dma_start3A_193] : memref<4x10240x128xf32, #tpu.memory_space<hbm>> -> memref<1x10240x128xf32, #tpu.memory_space<hbm>>
    %dma_start3A_195 = tpu.memref_squeeze %dma_start3A_194 : memref<1x10240x128xf32, #tpu.memory_space<hbm>> -> memref<10240x128xf32, #tpu.memory_space<hbm>>
    %dma_start3A_196 = arith.constant 0 : i32
    %dma_start3A_197 = arith.constant 0 : i32
    %dma_start3A_198 = tpu.memref_slice %dma_start3A_195[%dma_start3A_196, %dma_start3A_197] : memref<10240x128xf32, #tpu.memory_space<hbm>> -> memref<10240x128xf32, #tpu.memory_space<hbm>>
    tpu.enqueue_indirect_dma source(%dma_start3A_198 : memref<10240x128xf32, #tpu.memory_space<hbm>>) target(%arg11 : memref<128x128xf32, #tpu.memory_space<vmem>>) offsets(%dma_start3A_191 : memref<128xi32, #tpu.memory_space<vmem>>) semaphore(%arg14 : memref<!tpu.dma_semaphore, #tpu.memory_space<semaphore_mem>>)
    %dma_wait3A_199 = arith.constant 2 : i32
    %dma_wait3A_200 = arith.constant 0 : i32
    %dma_wait3A_201 = tpu.memref_slice %arg13[%dma_wait3A_199, %dma_wait3A_200] : memref<5x128xi32, #tpu.memory_space<vmem>> -> memref<1x128xi32, #tpu.memory_space<vmem>>
    %dma_wait3A_202 = tpu.memref_squeeze %dma_wait3A_201 : memref<1x128xi32, #tpu.memory_space<vmem>> -> memref<128xi32, #tpu.memory_space<vmem>>
    %dma_wait3A_203 = arith.constant 0 : i32
    %dma_wait3A_204 = arith.constant 0 : i32
    %dma_wait3A_205 = tpu.memref_slice %arg2[%add3A_139, %dma_wait3A_203, %dma_wait3A_204] : memref<4x10240x128xf32, #tpu.memory_space<hbm>> -> memref<1x10240x128xf32, #tpu.memory_space<hbm>>
    %dma_wait3A_206 = tpu.memref_squeeze %dma_wait3A_205 : memref<1x10240x128xf32, #tpu.memory_space<hbm>> -> memref<10240x128xf32, #tpu.memory_space<hbm>>
    %dma_wait3A_207 = arith.constant 0 : i32
    %dma_wait3A_208 = arith.constant 0 : i32
    %dma_wait3A_209 = tpu.memref_slice %dma_wait3A_206[%dma_wait3A_207, %dma_wait3A_208] : memref<10240x128xf32, #tpu.memory_space<hbm>> -> memref<10240x128xf32, #tpu.memory_space<hbm>>
    tpu.wait_indirect_dma semaphore(%arg14 : memref<!tpu.dma_semaphore, #tpu.memory_space<semaphore_mem>>) src(%dma_wait3A_209 : memref<10240x128xf32, #tpu.memory_space<hbm>>) dst(%arg11 : memref<128x128xf32, #tpu.memory_space<vmem>>)
    %add3A_210 = arith.constant 256 : i32
    %add3A_211 = arith.addi %mul3A_8, %add3A_210 : i32
    "tpu.region"() ({
      %run_scoped3A = tpu.sem_alloc : memref<!tpu.dma_semaphore, #tpu.memory_space<semaphore_mem>>
      %dma_start3A_290 = arith.constant 0 : i32
      %dma_start3A_291 = arith.constant 0 : i32
      %dma_start3A_292 = tpu.memref_slice %arg7[%add3A_139, %dma_start3A_290, %dma_start3A_291] : memref<4x10240x128xf32, #tpu.memory_space<hbm>> -> memref<1x10240x128xf32, #tpu.memory_space<hbm>>
      %dma_start3A_293 = tpu.memref_squeeze %dma_start3A_292 : memref<1x10240x128xf32, #tpu.memory_space<hbm>> -> memref<10240x128xf32, #tpu.memory_space<hbm>>
      %dma_start3A_294 = arith.constant 0 : i32
      %dma_start3A_295 = tpu.memref_slice %dma_start3A_293[%add3A_211, %dma_start3A_294] : memref<10240x128xf32, #tpu.memory_space<hbm>> -> memref<128x128xf32, #tpu.memory_space<hbm>>
      %dma_start3A_296 = arith.constant 0 : i32
      %dma_start3A_297 = arith.constant 0 : i32
      %dma_start3A_298 = tpu.memref_slice %arg7[%add3A_139, %dma_start3A_296, %dma_start3A_297] : memref<4x10240x128xf32, #tpu.memory_space<hbm>> -> memref<1x10240x128xf32, #tpu.memory_space<hbm>>
      %dma_start3A_299 = tpu.memref_squeeze %dma_start3A_298 : memref<1x10240x128xf32, #tpu.memory_space<hbm>> -> memref<10240x128xf32, #tpu.memory_space<hbm>>
      %dma_start3A_300 = arith.constant 0 : i32
      %dma_start3A_301 = tpu.memref_slice %dma_start3A_299[%add3A_211, %dma_start3A_300] : memref<10240x128xf32, #tpu.memory_space<hbm>> -> memref<128x128xf32, #tpu.memory_space<hbm>>
      tpu.enqueue_dma source(%arg11 : memref<128x128xf32, #tpu.memory_space<vmem>>) target(%dma_start3A_301 : memref<128x128xf32, #tpu.memory_space<hbm>>) target_semaphore(%run_scoped3A : memref<!tpu.dma_semaphore, #tpu.memory_space<semaphore_mem>>)
      %dma_wait3A_302 = arith.constant 0 : i32
      %dma_wait3A_303 = arith.constant 0 : i32
      %dma_wait3A_304 = tpu.memref_slice %arg7[%add3A_139, %dma_wait3A_302, %dma_wait3A_303] : memref<4x10240x128xf32, #tpu.memory_space<hbm>> -> memref<1x10240x128xf32, #tpu.memory_space<hbm>>
      %dma_wait3A_305 = tpu.memref_squeeze %dma_wait3A_304 : memref<1x10240x128xf32, #tpu.memory_space<hbm>> -> memref<10240x128xf32, #tpu.memory_space<hbm>>
      %dma_wait3A_306 = arith.constant 0 : i32
      %dma_wait3A_307 = tpu.memref_slice %dma_wait3A_305[%add3A_211, %dma_wait3A_306] : memref<10240x128xf32, #tpu.memory_space<hbm>> -> memref<128x128xf32, #tpu.memory_space<hbm>>
      %dma_wait3A_308 = arith.constant 0 : i32
      %dma_wait3A_309 = arith.constant 0 : i32
      %dma_wait3A_310 = tpu.memref_slice %arg7[%add3A_139, %dma_wait3A_308, %dma_wait3A_309] : memref<4x10240x128xf32, #tpu.memory_space<hbm>> -> memref<1x10240x128xf32, #tpu.memory_space<hbm>>
      %dma_wait3A_311 = tpu.memref_squeeze %dma_wait3A_310 : memref<1x10240x128xf32, #tpu.memory_space<hbm>> -> memref<10240x128xf32, #tpu.memory_space<hbm>>
      %dma_wait3A_312 = arith.constant 0 : i32
      %dma_wait3A_313 = tpu.memref_slice %dma_wait3A_311[%add3A_211, %dma_wait3A_312] : memref<10240x128xf32, #tpu.memory_space<hbm>> -> memref<128x128xf32, #tpu.memory_space<hbm>>
      tpu.wait_dma2 semaphore(%run_scoped3A : memref<!tpu.dma_semaphore, #tpu.memory_space<semaphore_mem>>) src(%arg11 : memref<128x128xf32, #tpu.memory_space<vmem>>) dst(%dma_wait3A_313 : memref<128x128xf32, #tpu.memory_space<hbm>>)
      tpu.yield
    }) : () -> ()
    %dma_start3A_212 = arith.constant 3 : i32
    %dma_start3A_213 = arith.constant 0 : i32
    %dma_start3A_214 = tpu.memref_slice %arg13[%dma_start3A_212, %dma_start3A_213] : memref<5x128xi32, #tpu.memory_space<vmem>> -> memref<1x128xi32, #tpu.memory_space<vmem>>
    %dma_start3A_215 = tpu.memref_squeeze %dma_start3A_214 : memref<1x128xi32, #tpu.memory_space<vmem>> -> memref<128xi32, #tpu.memory_space<vmem>>
    %dma_start3A_216 = arith.constant 0 : i32
    %dma_start3A_217 = arith.constant 0 : i32
    %dma_start3A_218 = tpu.memref_slice %arg2[%add3A_139, %dma_start3A_216, %dma_start3A_217] : memref<4x10240x128xf32, #tpu.memory_space<hbm>> -> memref<1x10240x128xf32, #tpu.memory_space<hbm>>
    %dma_start3A_219 = tpu.memref_squeeze %dma_start3A_218 : memref<1x10240x128xf32, #tpu.memory_space<hbm>> -> memref<10240x128xf32, #tpu.memory_space<hbm>>
    %dma_start3A_220 = arith.constant 0 : i32
    %dma_start3A_221 = arith.constant 0 : i32
    %dma_start3A_222 = tpu.memref_slice %dma_start3A_219[%dma_start3A_220, %dma_start3A_221] : memref<10240x128xf32, #tpu.memory_space<hbm>> -> memref<10240x128xf32, #tpu.memory_space<hbm>>
    tpu.enqueue_indirect_dma source(%dma_start3A_222 : memref<10240x128xf32, #tpu.memory_space<hbm>>) target(%arg11 : memref<128x128xf32, #tpu.memory_space<vmem>>) offsets(%dma_start3A_215 : memref<128xi32, #tpu.memory_space<vmem>>) semaphore(%arg14 : memref<!tpu.dma_semaphore, #tpu.memory_space<semaphore_mem>>)
    %dma_wait3A_223 = arith.constant 3 : i32
    %dma_wait3A_224 = arith.constant 0 : i32
    %dma_wait3A_225 = tpu.memref_slice %arg13[%dma_wait3A_223, %dma_wait3A_224] : memref<5x128xi32, #tpu.memory_space<vmem>> -> memref<1x128xi32, #tpu.memory_space<vmem>>
    %dma_wait3A_226 = tpu.memref_squeeze %dma_wait3A_225 : memref<1x128xi32, #tpu.memory_space<vmem>> -> memref<128xi32, #tpu.memory_space<vmem>>
    %dma_wait3A_227 = arith.constant 0 : i32
    %dma_wait3A_228 = arith.constant 0 : i32
    %dma_wait3A_229 = tpu.memref_slice %arg2[%add3A_139, %dma_wait3A_227, %dma_wait3A_228] : memref<4x10240x128xf32, #tpu.memory_space<hbm>> -> memref<1x10240x128xf32, #tpu.memory_space<hbm>>
    %dma_wait3A_230 = tpu.memref_squeeze %dma_wait3A_229 : memref<1x10240x128xf32, #tpu.memory_space<hbm>> -> memref<10240x128xf32, #tpu.memory_space<hbm>>
    %dma_wait3A_231 = arith.constant 0 : i32
    %dma_wait3A_232 = arith.constant 0 : i32
    %dma_wait3A_233 = tpu.memref_slice %dma_wait3A_230[%dma_wait3A_231, %dma_wait3A_232] : memref<10240x128xf32, #tpu.memory_space<hbm>> -> memref<10240x128xf32, #tpu.memory_space<hbm>>
    tpu.wait_indirect_dma semaphore(%arg14 : memref<!tpu.dma_semaphore, #tpu.memory_space<semaphore_mem>>) src(%dma_wait3A_233 : memref<10240x128xf32, #tpu.memory_space<hbm>>) dst(%arg11 : memref<128x128xf32, #tpu.memory_space<vmem>>)
    %add3A_234 = arith.constant 384 : i32
    %add3A_235 = arith.addi %mul3A_8, %add3A_234 : i32
    "tpu.region"() ({
      %run_scoped3A = tpu.sem_alloc : memref<!tpu.dma_semaphore, #tpu.memory_space<semaphore_mem>>
      %dma_start3A_290 = arith.constant 0 : i32
      %dma_start3A_291 = arith.constant 0 : i32
      %dma_start3A_292 = tpu.memref_slice %arg7[%add3A_139, %dma_start3A_290, %dma_start3A_291] : memref<4x10240x128xf32, #tpu.memory_space<hbm>> -> memref<1x10240x128xf32, #tpu.memory_space<hbm>>
      %dma_start3A_293 = tpu.memref_squeeze %dma_start3A_292 : memref<1x10240x128xf32, #tpu.memory_space<hbm>> -> memref<10240x128xf32, #tpu.memory_space<hbm>>
      %dma_start3A_294 = arith.constant 0 : i32
      %dma_start3A_295 = tpu.memref_slice %dma_start3A_293[%add3A_235, %dma_start3A_294] : memref<10240x128xf32, #tpu.memory_space<hbm>> -> memref<128x128xf32, #tpu.memory_space<hbm>>
      %dma_start3A_296 = arith.constant 0 : i32
      %dma_start3A_297 = arith.constant 0 : i32
      %dma_start3A_298 = tpu.memref_slice %arg7[%add3A_139, %dma_start3A_296, %dma_start3A_297] : memref<4x10240x128xf32, #tpu.memory_space<hbm>> -> memref<1x10240x128xf32, #tpu.memory_space<hbm>>
      %dma_start3A_299 = tpu.memref_squeeze %dma_start3A_298 : memref<1x10240x128xf32, #tpu.memory_space<hbm>> -> memref<10240x128xf32, #tpu.memory_space<hbm>>
      %dma_start3A_300 = arith.constant 0 : i32
      %dma_start3A_301 = tpu.memref_slice %dma_start3A_299[%add3A_235, %dma_start3A_300] : memref<10240x128xf32, #tpu.memory_space<hbm>> -> memref<128x128xf32, #tpu.memory_space<hbm>>
      tpu.enqueue_dma source(%arg11 : memref<128x128xf32, #tpu.memory_space<vmem>>) target(%dma_start3A_301 : memref<128x128xf32, #tpu.memory_space<hbm>>) target_semaphore(%run_scoped3A : memref<!tpu.dma_semaphore, #tpu.memory_space<semaphore_mem>>)
      %dma_wait3A_302 = arith.constant 0 : i32
      %dma_wait3A_303 = arith.constant 0 : i32
      %dma_wait3A_304 = tpu.memref_slice %arg7[%add3A_139, %dma_wait3A_302, %dma_wait3A_303] : memref<4x10240x128xf32, #tpu.memory_space<hbm>> -> memref<1x10240x128xf32, #tpu.memory_space<hbm>>
      %dma_wait3A_305 = tpu.memref_squeeze %dma_wait3A_304 : memref<1x10240x128xf32, #tpu.memory_space<hbm>> -> memref<10240x128xf32, #tpu.memory_space<hbm>>
      %dma_wait3A_306 = arith.constant 0 : i32
      %dma_wait3A_307 = tpu.memref_slice %dma_wait3A_305[%add3A_235, %dma_wait3A_306] : memref<10240x128xf32, #tpu.memory_space<hbm>> -> memref<128x128xf32, #tpu.memory_space<hbm>>
      %dma_wait3A_308 = arith.constant 0 : i32
      %dma_wait3A_309 = arith.constant 0 : i32
      %dma_wait3A_310 = tpu.memref_slice %arg7[%add3A_139, %dma_wait3A_308, %dma_wait3A_309] : memref<4x10240x128xf32, #tpu.memory_space<hbm>> -> memref<1x10240x128xf32, #tpu.memory_space<hbm>>
      %dma_wait3A_311 = tpu.memref_squeeze %dma_wait3A_310 : memref<1x10240x128xf32, #tpu.memory_space<hbm>> -> memref<10240x128xf32, #tpu.memory_space<hbm>>
      %dma_wait3A_312 = arith.constant 0 : i32
      %dma_wait3A_313 = tpu.memref_slice %dma_wait3A_311[%add3A_235, %dma_wait3A_312] : memref<10240x128xf32, #tpu.memory_space<hbm>> -> memref<128x128xf32, #tpu.memory_space<hbm>>
      tpu.wait_dma2 semaphore(%run_scoped3A : memref<!tpu.dma_semaphore, #tpu.memory_space<semaphore_mem>>) src(%arg11 : memref<128x128xf32, #tpu.memory_space<vmem>>) dst(%dma_wait3A_313 : memref<128x128xf32, #tpu.memory_space<hbm>>)
      tpu.yield
    }) : () -> ()
    %dma_start3A_236 = arith.constant 4 : i32
    %dma_start3A_237 = arith.constant 0 : i32
    %dma_start3A_238 = tpu.memref_slice %arg13[%dma_start3A_236, %dma_start3A_237] : memref<5x128xi32, #tpu.memory_space<vmem>> -> memref<1x128xi32, #tpu.memory_space<vmem>>
    %dma_start3A_239 = tpu.memref_squeeze %dma_start3A_238 : memref<1x128xi32, #tpu.memory_space<vmem>> -> memref<128xi32, #tpu.memory_space<vmem>>
    %dma_start3A_240 = arith.constant 0 : i32
    %dma_start3A_241 = arith.constant 0 : i32
    %dma_start3A_242 = tpu.memref_slice %arg2[%add3A_139, %dma_start3A_240, %dma_start3A_241] : memref<4x10240x128xf32, #tpu.memory_space<hbm>> -> memref<1x10240x128xf32, #tpu.memory_space<hbm>>
    %dma_start3A_243 = tpu.memref_squeeze %dma_start3A_242 : memref<1x10240x128xf32, #tpu.memory_space<hbm>> -> memref<10240x128xf32, #tpu.memory_space<hbm>>
    %dma_start3A_244 = arith.constant 0 : i32
    %dma_start3A_245 = arith.constant 0 : i32
    %dma_start3A_246 = tpu.memref_slice %dma_start3A_243[%dma_start3A_244, %dma_start3A_245] : memref<10240x128xf32, #tpu.memory_space<hbm>> -> memref<10240x128xf32, #tpu.memory_space<hbm>>
    tpu.enqueue_indirect_dma source(%dma_start3A_246 : memref<10240x128xf32, #tpu.memory_space<hbm>>) target(%arg11 : memref<128x128xf32, #tpu.memory_space<vmem>>) offsets(%dma_start3A_239 : memref<128xi32, #tpu.memory_space<vmem>>) semaphore(%arg14 : memref<!tpu.dma_semaphore, #tpu.memory_space<semaphore_mem>>)
    %dma_wait3A_247 = arith.constant 4 : i32
    %dma_wait3A_248 = arith.constant 0 : i32
    %dma_wait3A_249 = tpu.memref_slice %arg13[%dma_wait3A_247, %dma_wait3A_248] : memref<5x128xi32, #tpu.memory_space<vmem>> -> memref<1x128xi32, #tpu.memory_space<vmem>>
    %dma_wait3A_250 = tpu.memref_squeeze %dma_wait3A_249 : memref<1x128xi32, #tpu.memory_space<vmem>> -> memref<128xi32, #tpu.memory_space<vmem>>
    %dma_wait3A_251 = arith.constant 0 : i32
    %dma_wait3A_252 = arith.constant 0 : i32
    %dma_wait3A_253 = tpu.memref_slice %arg2[%add3A_139, %dma_wait3A_251, %dma_wait3A_252] : memref<4x10240x128xf32, #tpu.memory_space<hbm>> -> memref<1x10240x128xf32, #tpu.memory_space<hbm>>
    %dma_wait3A_254 = tpu.memref_squeeze %dma_wait3A_253 : memref<1x10240x128xf32, #tpu.memory_space<hbm>> -> memref<10240x128xf32, #tpu.memory_space<hbm>>
    %dma_wait3A_255 = arith.constant 0 : i32
    %dma_wait3A_256 = arith.constant 0 : i32
    %dma_wait3A_257 = tpu.memref_slice %dma_wait3A_254[%dma_wait3A_255, %dma_wait3A_256] : memref<10240x128xf32, #tpu.memory_space<hbm>> -> memref<10240x128xf32, #tpu.memory_space<hbm>>
    tpu.wait_indirect_dma semaphore(%arg14 : memref<!tpu.dma_semaphore, #tpu.memory_space<semaphore_mem>>) src(%dma_wait3A_257 : memref<10240x128xf32, #tpu.memory_space<hbm>>) dst(%arg11 : memref<128x128xf32, #tpu.memory_space<vmem>>)
    %add3A_258 = arith.constant 512 : i32
    %add3A_259 = arith.addi %mul3A_8, %add3A_258 : i32
    "tpu.region"() ({
      %run_scoped3A = tpu.sem_alloc : memref<!tpu.dma_semaphore, #tpu.memory_space<semaphore_mem>>
      %dma_start3A_290 = arith.constant 0 : i32
      %dma_start3A_291 = arith.constant 0 : i32
      %dma_start3A_292 = tpu.memref_slice %arg7[%add3A_139, %dma_start3A_290, %dma_start3A_291] : memref<4x10240x128xf32, #tpu.memory_space<hbm>> -> memref<1x10240x128xf32, #tpu.memory_space<hbm>>
      %dma_start3A_293 = tpu.memref_squeeze %dma_start3A_292 : memref<1x10240x128xf32, #tpu.memory_space<hbm>> -> memref<10240x128xf32, #tpu.memory_space<hbm>>
      %dma_start3A_294 = arith.constant 0 : i32
      %dma_start3A_295 = tpu.memref_slice %dma_start3A_293[%add3A_259, %dma_start3A_294] : memref<10240x128xf32, #tpu.memory_space<hbm>> -> memref<128x128xf32, #tpu.memory_space<hbm>>
      %dma_start3A_296 = arith.constant 0 : i32
      %dma_start3A_297 = arith.constant 0 : i32
      %dma_start3A_298 = tpu.memref_slice %arg7[%add3A_139, %dma_start3A_296, %dma_start3A_297] : memref<4x10240x128xf32, #tpu.memory_space<hbm>> -> memref<1x10240x128xf32, #tpu.memory_space<hbm>>
      %dma_start3A_299 = tpu.memref_squeeze %dma_start3A_298 : memref<1x10240x128xf32, #tpu.memory_space<hbm>> -> memref<10240x128xf32, #tpu.memory_space<hbm>>
      %dma_start3A_300 = arith.constant 0 : i32
      %dma_start3A_301 = tpu.memref_slice %dma_start3A_299[%add3A_259, %dma_start3A_300] : memref<10240x128xf32, #tpu.memory_space<hbm>> -> memref<128x128xf32, #tpu.memory_space<hbm>>
      tpu.enqueue_dma source(%arg11 : memref<128x128xf32, #tpu.memory_space<vmem>>) target(%dma_start3A_301 : memref<128x128xf32, #tpu.memory_space<hbm>>) target_semaphore(%run_scoped3A : memref<!tpu.dma_semaphore, #tpu.memory_space<semaphore_mem>>)
      %dma_wait3A_302 = arith.constant 0 : i32
      %dma_wait3A_303 = arith.constant 0 : i32
      %dma_wait3A_304 = tpu.memref_slice %arg7[%add3A_139, %dma_wait3A_302, %dma_wait3A_303] : memref<4x10240x128xf32, #tpu.memory_space<hbm>> -> memref<1x10240x128xf32, #tpu.memory_space<hbm>>
      %dma_wait3A_305 = tpu.memref_squeeze %dma_wait3A_304 : memref<1x10240x128xf32, #tpu.memory_space<hbm>> -> memref<10240x128xf32, #tpu.memory_space<hbm>>
      %dma_wait3A_306 = arith.constant 0 : i32
      %dma_wait3A_307 = tpu.memref_slice %dma_wait3A_305[%add3A_259, %dma_wait3A_306] : memref<10240x128xf32, #tpu.memory_space<hbm>> -> memref<128x128xf32, #tpu.memory_space<hbm>>
      %dma_wait3A_308 = arith.constant 0 : i32
      %dma_wait3A_309 = arith.constant 0 : i32
      %dma_wait3A_310 = tpu.memref_slice %arg7[%add3A_139, %dma_wait3A_308, %dma_wait3A_309] : memref<4x10240x128xf32, #tpu.memory_space<hbm>> -> memref<1x10240x128xf32, #tpu.memory_space<hbm>>
      %dma_wait3A_311 = tpu.memref_squeeze %dma_wait3A_310 : memref<1x10240x128xf32, #tpu.memory_space<hbm>> -> memref<10240x128xf32, #tpu.memory_space<hbm>>
      %dma_wait3A_312 = arith.constant 0 : i32
      %dma_wait3A_313 = tpu.memref_slice %dma_wait3A_311[%add3A_259, %dma_wait3A_312] : memref<10240x128xf32, #tpu.memory_space<hbm>> -> memref<128x128xf32, #tpu.memory_space<hbm>>
      tpu.wait_dma2 semaphore(%run_scoped3A : memref<!tpu.dma_semaphore, #tpu.memory_space<semaphore_mem>>) src(%arg11 : memref<128x128xf32, #tpu.memory_space<vmem>>) dst(%dma_wait3A_313 : memref<128x128xf32, #tpu.memory_space<hbm>>)
      tpu.yield
    }) : () -> ()
    %barrier3A = arith.constant 0 : index
    tpu.barrier barrier_id(%barrier3A)
    %mul3A_260 = arith.constant 2 : i32
    %mul3A_261 = arith.muli %mul3A_260, %arg0 : i32
    %add3A_262 = arith.constant 0 : i32
    %add3A_263 = arith.addi %mul3A_261, %add3A_262 : i32
    %scan3A_264 = arith.constant 0 : i32
    %scan3A_265 = arith.constant 0 : i32
    %scan3A_266 = arith.constant 80 : i32
    %scan3A_267 = arith.addi %scan3A_265, %scan3A_266 : i32
    %scan3A_268 = arith.constant 1 : i32
    scf.for %scan3A_290 = %scan3A_265 to %scan3A_267 step %scan3A_268  : i32 {
      %dma_start3A_291 = arith.constant 0 : i32
      %dma_start3A_292 = tpu.memref_slice %arg9[%scan3A_290, %dma_start3A_291] : memref<80x128xi32, #tpu.memory_space<vmem>> -> memref<1x128xi32, #tpu.memory_space<vmem>>
      %dma_start3A_293 = tpu.memref_squeeze %dma_start3A_292 : memref<1x128xi32, #tpu.memory_space<vmem>> -> memref<128xi32, #tpu.memory_space<vmem>>
      %dma_start3A_294 = arith.constant 0 : i32
      %dma_start3A_295 = arith.constant 0 : i32
      %dma_start3A_296 = tpu.memref_slice %arg7[%add3A_263, %dma_start3A_294, %dma_start3A_295] : memref<4x10240x128xf32, #tpu.memory_space<hbm>> -> memref<1x10240x128xf32, #tpu.memory_space<hbm>>
      %dma_start3A_297 = tpu.memref_squeeze %dma_start3A_296 : memref<1x10240x128xf32, #tpu.memory_space<hbm>> -> memref<10240x128xf32, #tpu.memory_space<hbm>>
      %dma_start3A_298 = arith.constant 0 : i32
      %dma_start3A_299 = arith.constant 0 : i32
      %dma_start3A_300 = tpu.memref_slice %dma_start3A_297[%dma_start3A_298, %dma_start3A_299] : memref<10240x128xf32, #tpu.memory_space<hbm>> -> memref<10240x128xf32, #tpu.memory_space<hbm>>
      tpu.enqueue_indirect_dma source(%dma_start3A_300 : memref<10240x128xf32, #tpu.memory_space<hbm>>) target(%arg11 : memref<128x128xf32, #tpu.memory_space<vmem>>) offsets(%dma_start3A_293 : memref<128xi32, #tpu.memory_space<vmem>>) semaphore(%arg14 : memref<!tpu.dma_semaphore, #tpu.memory_space<semaphore_mem>>)
      %dma_wait3A_301 = arith.constant 0 : i32
      %dma_wait3A_302 = tpu.memref_slice %arg9[%scan3A_290, %dma_wait3A_301] : memref<80x128xi32, #tpu.memory_space<vmem>> -> memref<1x128xi32, #tpu.memory_space<vmem>>
      %dma_wait3A_303 = tpu.memref_squeeze %dma_wait3A_302 : memref<1x128xi32, #tpu.memory_space<vmem>> -> memref<128xi32, #tpu.memory_space<vmem>>
      %dma_wait3A_304 = arith.constant 0 : i32
      %dma_wait3A_305 = arith.constant 0 : i32
      %dma_wait3A_306 = tpu.memref_slice %arg7[%add3A_263, %dma_wait3A_304, %dma_wait3A_305] : memref<4x10240x128xf32, #tpu.memory_space<hbm>> -> memref<1x10240x128xf32, #tpu.memory_space<hbm>>
      %dma_wait3A_307 = tpu.memref_squeeze %dma_wait3A_306 : memref<1x10240x128xf32, #tpu.memory_space<hbm>> -> memref<10240x128xf32, #tpu.memory_space<hbm>>
      %dma_wait3A_308 = arith.constant 0 : i32
      %dma_wait3A_309 = arith.constant 0 : i32
      %dma_wait3A_310 = tpu.memref_slice %dma_wait3A_307[%dma_wait3A_308, %dma_wait3A_309] : memref<10240x128xf32, #tpu.memory_space<hbm>> -> memref<10240x128xf32, #tpu.memory_space<hbm>>
      tpu.wait_indirect_dma semaphore(%arg14 : memref<!tpu.dma_semaphore, #tpu.memory_space<semaphore_mem>>) src(%dma_wait3A_310 : memref<10240x128xf32, #tpu.memory_space<hbm>>) dst(%arg11 : memref<128x128xf32, #tpu.memory_space<vmem>>)
      "tpu.region"() ({
        %run_scoped3A = tpu.sem_alloc : memref<!tpu.dma_semaphore, #tpu.memory_space<semaphore_mem>>
        %dma_start3A_311 = arith.constant 0 : i32
        %dma_start3A_312 = tpu.memref_slice %arg10[%scan3A_290, %dma_start3A_311] : memref<80x128xi32, #tpu.memory_space<vmem>> -> memref<1x128xi32, #tpu.memory_space<vmem>>
        %dma_start3A_313 = tpu.memref_squeeze %dma_start3A_312 : memref<1x128xi32, #tpu.memory_space<vmem>> -> memref<128xi32, #tpu.memory_space<vmem>>
        %dma_start3A_314 = arith.constant 0 : i32
        %dma_start3A_315 = arith.constant 0 : i32
        %dma_start3A_316 = tpu.memref_slice %arg8[%dma_start3A_314, %dma_start3A_315] : memref<10240x128xf32, #tpu.memory_space<vmem_shared>> -> memref<10240x128xf32, #tpu.memory_space<vmem_shared>>
        tpu.enqueue_indirect_dma source(%arg11 : memref<128x128xf32, #tpu.memory_space<vmem>>) target(%dma_start3A_316 : memref<10240x128xf32, #tpu.memory_space<vmem_shared>>) offsets(%dma_start3A_313 : memref<128xi32, #tpu.memory_space<vmem>>) semaphore(%run_scoped3A : memref<!tpu.dma_semaphore, #tpu.memory_space<semaphore_mem>>) {add = true}
        %dma_wait3A_317 = arith.constant 0 : i32
        %dma_wait3A_318 = tpu.memref_slice %arg10[%scan3A_290, %dma_wait3A_317] : memref<80x128xi32, #tpu.memory_space<vmem>> -> memref<1x128xi32, #tpu.memory_space<vmem>>
        %dma_wait3A_319 = tpu.memref_squeeze %dma_wait3A_318 : memref<1x128xi32, #tpu.memory_space<vmem>> -> memref<128xi32, #tpu.memory_space<vmem>>
        %dma_wait3A_320 = arith.constant 0 : i32
        %dma_wait3A_321 = arith.constant 0 : i32
        %dma_wait3A_322 = tpu.memref_slice %arg8[%dma_wait3A_320, %dma_wait3A_321] : memref<10240x128xf32, #tpu.memory_space<vmem_shared>> -> memref<10240x128xf32, #tpu.memory_space<vmem_shared>>
        tpu.wait_indirect_dma semaphore(%run_scoped3A : memref<!tpu.dma_semaphore, #tpu.memory_space<semaphore_mem>>) src(%arg11 : memref<128x128xf32, #tpu.memory_space<vmem>>) dst(%dma_wait3A_322 : memref<10240x128xf32, #tpu.memory_space<vmem_shared>>)
        tpu.yield
      }) : () -> ()
    }
    %scan3A_269 = arith.constant 80 : i32
    %barrier3A_270 = arith.constant 0 : index
    tpu.barrier barrier_id(%barrier3A_270)
    "tpu.region"() ({
      %run_scoped3A = tpu.sem_alloc : memref<!tpu.dma_semaphore, #tpu.memory_space<semaphore_mem>>
      %dma_start3A_290 = arith.constant 0 : i32
      %dma_start3A_291 = arith.constant 0 : i32
      %dma_start3A_292 = tpu.memref_slice %arg6[%add3A_263, %dma_start3A_290, %dma_start3A_291] : memref<4x10240x128xf32, #tpu.memory_space<hbm>> -> memref<1x10240x128xf32, #tpu.memory_space<hbm>>
      %dma_start3A_293 = tpu.memref_squeeze %dma_start3A_292 : memref<1x10240x128xf32, #tpu.memory_space<hbm>> -> memref<10240x128xf32, #tpu.memory_space<hbm>>
      %dma_start3A_294 = arith.constant 0 : i32
      %dma_start3A_295 = tpu.memref_slice %dma_start3A_293[%mul3A_8, %dma_start3A_294] : memref<10240x128xf32, #tpu.memory_space<hbm>> -> memref<640x128xf32, #tpu.memory_space<hbm>>
      %dma_start3A_296 = arith.constant 0 : i32
      %dma_start3A_297 = tpu.memref_slice %arg8[%mul3A_8, %dma_start3A_296] : memref<10240x128xf32, #tpu.memory_space<vmem_shared>> -> memref<640x128xf32, #tpu.memory_space<vmem_shared>>
      tpu.enqueue_dma source(%dma_start3A_297 : memref<640x128xf32, #tpu.memory_space<vmem_shared>>) target(%dma_start3A_295 : memref<640x128xf32, #tpu.memory_space<hbm>>) target_semaphore(%run_scoped3A : memref<!tpu.dma_semaphore, #tpu.memory_space<semaphore_mem>>)
      %dma_wait3A_298 = arith.constant 0 : i32
      %dma_wait3A_299 = arith.constant 0 : i32
      %dma_wait3A_300 = tpu.memref_slice %arg6[%add3A_263, %dma_wait3A_298, %dma_wait3A_299] : memref<4x10240x128xf32, #tpu.memory_space<hbm>> -> memref<1x10240x128xf32, #tpu.memory_space<hbm>>
      %dma_wait3A_301 = tpu.memref_squeeze %dma_wait3A_300 : memref<1x10240x128xf32, #tpu.memory_space<hbm>> -> memref<10240x128xf32, #tpu.memory_space<hbm>>
      %dma_wait3A_302 = arith.constant 0 : i32
      %dma_wait3A_303 = tpu.memref_slice %dma_wait3A_301[%mul3A_8, %dma_wait3A_302] : memref<10240x128xf32, #tpu.memory_space<hbm>> -> memref<640x128xf32, #tpu.memory_space<hbm>>
      %dma_wait3A_304 = arith.constant 0 : i32
      %dma_wait3A_305 = tpu.memref_slice %arg8[%mul3A_8, %dma_wait3A_304] : memref<10240x128xf32, #tpu.memory_space<vmem_shared>> -> memref<640x128xf32, #tpu.memory_space<vmem_shared>>
      tpu.wait_dma2 semaphore(%run_scoped3A : memref<!tpu.dma_semaphore, #tpu.memory_space<semaphore_mem>>) src(%dma_wait3A_305 : memref<640x128xf32, #tpu.memory_space<vmem_shared>>) dst(%dma_wait3A_303 : memref<640x128xf32, #tpu.memory_space<hbm>>)
      tpu.yield
    }) : () -> ()
    %mul3A_271 = arith.constant 2 : i32
    %mul3A_272 = arith.muli %mul3A_271, %arg0 : i32
    %add3A_273 = arith.constant 1 : i32
    %add3A_274 = arith.addi %mul3A_272, %add3A_273 : i32
    %barrier3A_275 = arith.constant 0 : index
    tpu.barrier barrier_id(%barrier3A_275)
    %scan3A_276 = arith.constant 0 : i32
    %scan3A_277 = arith.constant 0 : i32
    %scan3A_278 = arith.constant 80 : i32
    %scan3A_279 = arith.addi %scan3A_277, %scan3A_278 : i32
    %scan3A_280 = arith.constant 1 : i32
    scf.for %scan3A_290 = %scan3A_277 to %scan3A_279 step %scan3A_280  : i32 {
      %mul3A_291 = arith.constant 8 : i32
      %mul3A_292 = arith.muli %scan3A_290, %mul3A_291 : i32
      %add3A_293 = arith.addi %mul3A_8, %mul3A_292 : i32
      "tpu.region"() ({
        %run_scoped3A = tpu.sem_alloc : memref<!tpu.dma_semaphore, #tpu.memory_space<semaphore_mem>>
        %dma_start3A_294 = arith.constant 0 : i32
        %dma_start3A_295 = tpu.memref_slice %arg8[%add3A_293, %dma_start3A_294] : memref<10240x128xf32, #tpu.memory_space<vmem_shared>> -> memref<8x128xf32, #tpu.memory_space<vmem_shared>>
        %dma_start3A_296 = arith.constant 0 : i32
        %dma_start3A_297 = tpu.memref_slice %arg8[%add3A_293, %dma_start3A_296] : memref<10240x128xf32, #tpu.memory_space<vmem_shared>> -> memref<8x128xf32, #tpu.memory_space<vmem_shared>>
        tpu.enqueue_dma source(%arg12 : memref<8x128xf32, #tpu.memory_space<vmem>>) target(%dma_start3A_297 : memref<8x128xf32, #tpu.memory_space<vmem_shared>>) target_semaphore(%run_scoped3A : memref<!tpu.dma_semaphore, #tpu.memory_space<semaphore_mem>>)
        %dma_wait3A_298 = arith.constant 0 : i32
        %dma_wait3A_299 = tpu.memref_slice %arg8[%add3A_293, %dma_wait3A_298] : memref<10240x128xf32, #tpu.memory_space<vmem_shared>> -> memref<8x128xf32, #tpu.memory_space<vmem_shared>>
        %dma_wait3A_300 = arith.constant 0 : i32
        %dma_wait3A_301 = tpu.memref_slice %arg8[%add3A_293, %dma_wait3A_300] : memref<10240x128xf32, #tpu.memory_space<vmem_shared>> -> memref<8x128xf32, #tpu.memory_space<vmem_shared>>
        tpu.wait_dma2 semaphore(%run_scoped3A : memref<!tpu.dma_semaphore, #tpu.memory_space<semaphore_mem>>) src(%arg12 : memref<8x128xf32, #tpu.memory_space<vmem>>) dst(%dma_wait3A_301 : memref<8x128xf32, #tpu.memory_space<vmem_shared>>)
        tpu.yield
      }) : () -> ()
    }
    %scan3A_281 = arith.constant 80 : i32
    %barrier3A_282 = arith.constant 0 : index
    tpu.barrier barrier_id(%barrier3A_282)
    %scan3A_283 = arith.constant 0 : i32
    %scan3A_284 = arith.constant 0 : i32
    %scan3A_285 = arith.constant 80 : i32
    %scan3A_286 = arith.addi %scan3A_284, %scan3A_285 : i32
    %scan3A_287 = arith.constant 1 : i32
    scf.for %scan3A_290 = %scan3A_284 to %scan3A_286 step %scan3A_287  : i32 {
      %dma_start3A_291 = arith.constant 0 : i32
      %dma_start3A_292 = tpu.memref_slice %arg9[%scan3A_290, %dma_start3A_291] : memref<80x128xi32, #tpu.memory_space<vmem>> -> memref<1x128xi32, #tpu.memory_space<vmem>>
      %dma_start3A_293 = tpu.memref_squeeze %dma_start3A_292 : memref<1x128xi32, #tpu.memory_space<vmem>> -> memref<128xi32, #tpu.memory_space<vmem>>
      %dma_start3A_294 = arith.constant 0 : i32
      %dma_start3A_295 = arith.constant 0 : i32
      %dma_start3A_296 = tpu.memref_slice %arg7[%add3A_274, %dma_start3A_294, %dma_start3A_295] : memref<4x10240x128xf32, #tpu.memory_space<hbm>> -> memref<1x10240x128xf32, #tpu.memory_space<hbm>>
      %dma_start3A_297 = tpu.memref_squeeze %dma_start3A_296 : memref<1x10240x128xf32, #tpu.memory_space<hbm>> -> memref<10240x128xf32, #tpu.memory_space<hbm>>
      %dma_start3A_298 = arith.constant 0 : i32
      %dma_start3A_299 = arith.constant 0 : i32
      %dma_start3A_300 = tpu.memref_slice %dma_start3A_297[%dma_start3A_298, %dma_start3A_299] : memref<10240x128xf32, #tpu.memory_space<hbm>> -> memref<10240x128xf32, #tpu.memory_space<hbm>>
      tpu.enqueue_indirect_dma source(%dma_start3A_300 : memref<10240x128xf32, #tpu.memory_space<hbm>>) target(%arg11 : memref<128x128xf32, #tpu.memory_space<vmem>>) offsets(%dma_start3A_293 : memref<128xi32, #tpu.memory_space<vmem>>) semaphore(%arg14 : memref<!tpu.dma_semaphore, #tpu.memory_space<semaphore_mem>>)
      %dma_wait3A_301 = arith.constant 0 : i32
      %dma_wait3A_302 = tpu.memref_slice %arg9[%scan3A_290, %dma_wait3A_301] : memref<80x128xi32, #tpu.memory_space<vmem>> -> memref<1x128xi32, #tpu.memory_space<vmem>>
      %dma_wait3A_303 = tpu.memref_squeeze %dma_wait3A_302 : memref<1x128xi32, #tpu.memory_space<vmem>> -> memref<128xi32, #tpu.memory_space<vmem>>
      %dma_wait3A_304 = arith.constant 0 : i32
      %dma_wait3A_305 = arith.constant 0 : i32
      %dma_wait3A_306 = tpu.memref_slice %arg7[%add3A_274, %dma_wait3A_304, %dma_wait3A_305] : memref<4x10240x128xf32, #tpu.memory_space<hbm>> -> memref<1x10240x128xf32, #tpu.memory_space<hbm>>
      %dma_wait3A_307 = tpu.memref_squeeze %dma_wait3A_306 : memref<1x10240x128xf32, #tpu.memory_space<hbm>> -> memref<10240x128xf32, #tpu.memory_space<hbm>>
      %dma_wait3A_308 = arith.constant 0 : i32
      %dma_wait3A_309 = arith.constant 0 : i32
      %dma_wait3A_310 = tpu.memref_slice %dma_wait3A_307[%dma_wait3A_308, %dma_wait3A_309] : memref<10240x128xf32, #tpu.memory_space<hbm>> -> memref<10240x128xf32, #tpu.memory_space<hbm>>
      tpu.wait_indirect_dma semaphore(%arg14 : memref<!tpu.dma_semaphore, #tpu.memory_space<semaphore_mem>>) src(%dma_wait3A_310 : memref<10240x128xf32, #tpu.memory_space<hbm>>) dst(%arg11 : memref<128x128xf32, #tpu.memory_space<vmem>>)
      "tpu.region"() ({
        %run_scoped3A = tpu.sem_alloc : memref<!tpu.dma_semaphore, #tpu.memory_space<semaphore_mem>>
        %dma_start3A_311 = arith.constant 0 : i32
        %dma_start3A_312 = tpu.memref_slice %arg10[%scan3A_290, %dma_start3A_311] : memref<80x128xi32, #tpu.memory_space<vmem>> -> memref<1x128xi32, #tpu.memory_space<vmem>>
        %dma_start3A_313 = tpu.memref_squeeze %dma_start3A_312 : memref<1x128xi32, #tpu.memory_space<vmem>> -> memref<128xi32, #tpu.memory_space<vmem>>
        %dma_start3A_314 = arith.constant 0 : i32
        %dma_start3A_315 = arith.constant 0 : i32
        %dma_start3A_316 = tpu.memref_slice %arg8[%dma_start3A_314, %dma_start3A_315] : memref<10240x128xf32, #tpu.memory_space<vmem_shared>> -> memref<10240x128xf32, #tpu.memory_space<vmem_shared>>
        tpu.enqueue_indirect_dma source(%arg11 : memref<128x128xf32, #tpu.memory_space<vmem>>) target(%dma_start3A_316 : memref<10240x128xf32, #tpu.memory_space<vmem_shared>>) offsets(%dma_start3A_313 : memref<128xi32, #tpu.memory_space<vmem>>) semaphore(%run_scoped3A : memref<!tpu.dma_semaphore, #tpu.memory_space<semaphore_mem>>) {add = true}
        %dma_wait3A_317 = arith.constant 0 : i32
        %dma_wait3A_318 = tpu.memref_slice %arg10[%scan3A_290, %dma_wait3A_317] : memref<80x128xi32, #tpu.memory_space<vmem>> -> memref<1x128xi32, #tpu.memory_space<vmem>>
        %dma_wait3A_319 = tpu.memref_squeeze %dma_wait3A_318 : memref<1x128xi32, #tpu.memory_space<vmem>> -> memref<128xi32, #tpu.memory_space<vmem>>
        %dma_wait3A_320 = arith.constant 0 : i32
        %dma_wait3A_321 = arith.constant 0 : i32
        %dma_wait3A_322 = tpu.memref_slice %arg8[%dma_wait3A_320, %dma_wait3A_321] : memref<10240x128xf32, #tpu.memory_space<vmem_shared>> -> memref<10240x128xf32, #tpu.memory_space<vmem_shared>>
        tpu.wait_indirect_dma semaphore(%run_scoped3A : memref<!tpu.dma_semaphore, #tpu.memory_space<semaphore_mem>>) src(%arg11 : memref<128x128xf32, #tpu.memory_space<vmem>>) dst(%dma_wait3A_322 : memref<10240x128xf32, #tpu.memory_space<vmem_shared>>)
        tpu.yield
      }) : () -> ()
    }
    %scan3A_288 = arith.constant 80 : i32
    %barrier3A_289 = arith.constant 0 : index
    tpu.barrier barrier_id(%barrier3A_289)
    "tpu.region"() ({
      %run_scoped3A = tpu.sem_alloc : memref<!tpu.dma_semaphore, #tpu.memory_space<semaphore_mem>>
      %dma_start3A_290 = arith.constant 0 : i32
      %dma_start3A_291 = arith.constant 0 : i32
      %dma_start3A_292 = tpu.memref_slice %arg6[%add3A_274, %dma_start3A_290, %dma_start3A_291] : memref<4x10240x128xf32, #tpu.memory_space<hbm>> -> memref<1x10240x128xf32, #tpu.memory_space<hbm>>
      %dma_start3A_293 = tpu.memref_squeeze %dma_start3A_292 : memref<1x10240x128xf32, #tpu.memory_space<hbm>> -> memref<10240x128xf32, #tpu.memory_space<hbm>>
      %dma_start3A_294 = arith.constant 0 : i32
      %dma_start3A_295 = tpu.memref_slice %dma_start3A_293[%mul3A_8, %dma_start3A_294] : memref<10240x128xf32, #tpu.memory_space<hbm>> -> memref<640x128xf32, #tpu.memory_space<hbm>>
      %dma_start3A_296 = arith.constant 0 : i32
      %dma_start3A_297 = tpu.memref_slice %arg8[%mul3A_8, %dma_start3A_296] : memref<10240x128xf32, #tpu.memory_space<vmem_shared>> -> memref<640x128xf32, #tpu.memory_space<vmem_shared>>
      tpu.enqueue_dma source(%dma_start3A_297 : memref<640x128xf32, #tpu.memory_space<vmem_shared>>) target(%dma_start3A_295 : memref<640x128xf32, #tpu.memory_space<hbm>>) target_semaphore(%run_scoped3A : memref<!tpu.dma_semaphore, #tpu.memory_space<semaphore_mem>>)
      %dma_wait3A_298 = arith.constant 0 : i32
      %dma_wait3A_299 = arith.constant 0 : i32
      %dma_wait3A_300 = tpu.memref_slice %arg6[%add3A_274, %dma_wait3A_298, %dma_wait3A_299] : memref<4x10240x128xf32, #tpu.memory_space<hbm>> -> memref<1x10240x128xf32, #tpu.memory_space<hbm>>
      %dma_wait3A_301 = tpu.memref_squeeze %dma_wait3A_300 : memref<1x10240x128xf32, #tpu.memory_space<hbm>> -> memref<10240x128xf32, #tpu.memory_space<hbm>>
      %dma_wait3A_302 = arith.constant 0 : i32
      %dma_wait3A_303 = tpu.memref_slice %dma_wait3A_301[%mul3A_8, %dma_wait3A_302] : memref<10240x128xf32, #tpu.memory_space<hbm>> -> memref<640x128xf32, #tpu.memory_space<hbm>>
      %dma_wait3A_304 = arith.constant 0 : i32
      %dma_wait3A_305 = tpu.memref_slice %arg8[%mul3A_8, %dma_wait3A_304] : memref<10240x128xf32, #tpu.memory_space<vmem_shared>> -> memref<640x128xf32, #tpu.memory_space<vmem_shared>>
      tpu.wait_dma2 semaphore(%run_scoped3A : memref<!tpu.dma_semaphore, #tpu.memory_space<semaphore_mem>>) src(%dma_wait3A_305 : memref<640x128xf32, #tpu.memory_space<vmem_shared>>) dst(%dma_wait3A_303 : memref<640x128xf32, #tpu.memory_space<hbm>>)
      tpu.yield
    }) : () -> ()
    return
  }
}

module attributes {stable_mosaic.version = 14 : i64} {
  func.func @_mat_body(%arg0: i32, %arg1: memref<512x256xf32, #tpu.memory_space<vmem>>, %arg2: memref<256x512xf32, #tpu.memory_space<vmem>>, %arg3: memref<4x512x128xf32, #tpu.memory_space<vmem>>) attributes {dimension_semantics = [#tpu.dimension_semantics<arbitrary>], iteration_bounds = array<i64: 20>, scalar_prefetch = 0 : i64, scratch_operands = 0 : i64, tpu.core_type = #tpu.core_type<tc>, window_params = [{transform_indices = @transform_0, window_bounds = array<i64: 512, 256>}, {pipeline_mode = #tpu.pipeline_mode<synchronous>, transform_indices = @transform_1, window_bounds = array<i64: 256, 512>}, {transform_indices = @transform_2, window_bounds = array<i64: 4, 512, 128>}]} {
    %get3A = arith.constant 0 : index
    %get3A_0 = arith.constant 0 : index
    %get3A_1 = vector.load %arg1[%get3A, %get3A_0] : memref<512x256xf32, #tpu.memory_space<vmem>>, vector<512x256xf32>
    %get3A_2 = arith.constant 0 : index
    %get3A_3 = arith.constant 0 : index
    %get3A_4 = vector.load %arg2[%get3A_2, %get3A_3] : memref<256x512xf32, #tpu.memory_space<vmem>>, vector<256x512xf32>
    %dot_general3A = arith.constant dense<0.000000e+00> : vector<512x512xf32>
    %dot_general3A_5 = tpu.matmul %get3A_1, %get3A_4, %dot_general3A {dimension_numbers = #tpu.dot_dimension_numbers<[1], [0], [0], [1], [0, 0, 1, 1], [], []>, transpose_lhs_hint = false} : vector<512x256xf32>, vector<256x512xf32>, vector<512x512xf32> -> vector<512x512xf32>
    %slice3A = vector.extract_strided_slice %dot_general3A_5 {offsets = [0, 0], sizes = [512, 128], strides = [1, 1]} : vector<512x512xf32> to vector<512x128xf32>
    %swap3A = arith.constant 0 : index
    %swap3A_6 = arith.constant 0 : index
    %swap3A_7 = arith.constant 0 : index
    %swap3A_8 = vector.load %arg3[%swap3A, %swap3A_6, %swap3A_7] : memref<4x512x128xf32, #tpu.memory_space<vmem>>, vector<1x512x128xf32>
    %swap3A_9 = vector.shape_cast %swap3A_8 : vector<1x512x128xf32> to vector<512x128xf32>
    %swap3A_10 = vector.shape_cast %slice3A : vector<512x128xf32> to vector<1x512x128xf32>
    tpu.vector_store %arg3[%swap3A, %swap3A_6, %swap3A_7], %swap3A_10 {strides = array<i32>} : memref<4x512x128xf32, #tpu.memory_space<vmem>>, vector<1x512x128xf32>,
    %slice3A_11 = vector.extract_strided_slice %dot_general3A_5 {offsets = [0, 128], sizes = [512, 128], strides = [1, 1]} : vector<512x512xf32> to vector<512x128xf32>
    %swap3A_12 = arith.constant 1 : index
    %swap3A_13 = arith.constant 0 : index
    %swap3A_14 = arith.constant 0 : index
    %swap3A_15 = vector.load %arg3[%swap3A_12, %swap3A_13, %swap3A_14] : memref<4x512x128xf32, #tpu.memory_space<vmem>>, vector<1x512x128xf32>
    %swap3A_16 = vector.shape_cast %swap3A_15 : vector<1x512x128xf32> to vector<512x128xf32>
    %swap3A_17 = vector.shape_cast %slice3A_11 : vector<512x128xf32> to vector<1x512x128xf32>
    tpu.vector_store %arg3[%swap3A_12, %swap3A_13, %swap3A_14], %swap3A_17 {strides = array<i32>} : memref<4x512x128xf32, #tpu.memory_space<vmem>>, vector<1x512x128xf32>,
    %slice3A_18 = vector.extract_strided_slice %dot_general3A_5 {offsets = [0, 256], sizes = [512, 128], strides = [1, 1]} : vector<512x512xf32> to vector<512x128xf32>
    %swap3A_19 = arith.constant 2 : index
    %swap3A_20 = arith.constant 0 : index
    %swap3A_21 = arith.constant 0 : index
    %swap3A_22 = vector.load %arg3[%swap3A_19, %swap3A_20, %swap3A_21] : memref<4x512x128xf32, #tpu.memory_space<vmem>>, vector<1x512x128xf32>
    %swap3A_23 = vector.shape_cast %swap3A_22 : vector<1x512x128xf32> to vector<512x128xf32>
    %swap3A_24 = vector.shape_cast %slice3A_18 : vector<512x128xf32> to vector<1x512x128xf32>
    tpu.vector_store %arg3[%swap3A_19, %swap3A_20, %swap3A_21], %swap3A_24 {strides = array<i32>} : memref<4x512x128xf32, #tpu.memory_space<vmem>>, vector<1x512x128xf32>,
    %slice3A_25 = vector.extract_strided_slice %dot_general3A_5 {offsets = [0, 384], sizes = [512, 128], strides = [1, 1]} : vector<512x512xf32> to vector<512x128xf32>
    %swap3A_26 = arith.constant 3 : index
    %swap3A_27 = arith.constant 0 : index
    %swap3A_28 = arith.constant 0 : index
    %swap3A_29 = vector.load %arg3[%swap3A_26, %swap3A_27, %swap3A_28] : memref<4x512x128xf32, #tpu.memory_space<vmem>>, vector<1x512x128xf32>
    %swap3A_30 = vector.shape_cast %swap3A_29 : vector<1x512x128xf32> to vector<512x128xf32>
    %swap3A_31 = vector.shape_cast %slice3A_25 : vector<512x128xf32> to vector<1x512x128xf32>
    tpu.vector_store %arg3[%swap3A_26, %swap3A_27, %swap3A_28], %swap3A_31 {strides = array<i32>} : memref<4x512x128xf32, #tpu.memory_space<vmem>>, vector<1x512x128xf32>,
    return
  }
  func.func @transform_0(%arg0: i32) -> (i32, i32) {
    %c0_i32 = arith.constant 0 : i32
    %c0_i32_0 = arith.constant 0 : i32
    return %arg0, %c0_i32 : i32, i32
  }
  func.func @transform_1(%arg0: i32) -> (i32, i32) {
    %c0_i32 = arith.constant 0 : i32
    %c0_i32_0 = arith.constant 0 : i32
    %c0_i32_1 = arith.constant 0 : i32
    return %c0_i32, %c0_i32_0 : i32, i32
  }
  func.func @transform_2(%arg0: i32) -> (i32, i32, i32) {
    %c0_i32 = arith.constant 0 : i32
    %c0_i32_0 = arith.constant 0 : i32
    %c0_i32_1 = arith.constant 0 : i32
    return %c0_i32, %arg0, %c0_i32_0 : i32, i32, i32
  }
}

module attributes {stable_mosaic.version = 14 : i64} {
  func.func @_cn_body(%arg0: i32, %arg1: memref<1x1024x512xf32, #tpu.memory_space<vmem>>, %arg2: memref<1x1024x512xf32, #tpu.memory_space<vmem>>) attributes {dimension_semantics = [#tpu.dimension_semantics<arbitrary>], iteration_bounds = array<i64: 4>, scalar_prefetch = 0 : i64, scratch_operands = 0 : i64, tpu.core_type = #tpu.core_type<tc>, window_params = [{transform_indices = @transform_0, window_bounds = array<i64: 1, 1024, 512>}, {transform_indices = @transform_1, window_bounds = array<i64: 1, 1024, 512>}]} {
    %get3A = arith.constant 0 : index
    %get3A_0 = arith.constant 0 : index
    %get3A_1 = arith.constant 0 : index
    %get3A_2 = vector.load %arg1[%get3A, %get3A_0, %get3A_1] : memref<1x1024x512xf32, #tpu.memory_space<vmem>>, vector<1x1024x512xf32>
    %get3A_3 = vector.shape_cast %get3A_2 : vector<1x1024x512xf32> to vector<1024x512xf32>
    %mul3A = arith.mulf %get3A_3, %get3A_3 : vector<1024x512xf32>
    %reduce_sum3A = arith.constant dense<0.000000e+00> : vector<1024xf32>
    %reduce_sum3A_4 = vector.multi_reduction <add>, %mul3A, %reduce_sum3A [1] : vector<1024x512xf32> to vector<1024xf32>
    %broadcast_in_dim3A = vector.shape_cast %reduce_sum3A_4 : vector<1024xf32> to vector<1024x1xf32>
    %sqrt3A = math.sqrt %broadcast_in_dim3A : vector<1024x1xf32>
    %add3A = arith.constant 9.99999993E-9 : f32
    %add3A_5 = vector.broadcast %add3A : f32 to vector<1024x1xf32>
    %add3A_6 = arith.addf %sqrt3A, %add3A_5 : vector<1024x1xf32>
    %div3A = vector.broadcast %add3A_6 : vector<1024x1xf32> to vector<1024x512xf32>
    %div3A_7 = arith.divf %get3A_3, %div3A : vector<1024x512xf32>
    %swap3A = arith.constant 0 : index
    %swap3A_8 = arith.constant 0 : index
    %swap3A_9 = arith.constant 0 : index
    %swap3A_10 = vector.load %arg2[%swap3A, %swap3A_8, %swap3A_9] : memref<1x1024x512xf32, #tpu.memory_space<vmem>>, vector<1x1024x512xf32>
    %swap3A_11 = vector.shape_cast %swap3A_10 : vector<1x1024x512xf32> to vector<1024x512xf32>
    %swap3A_12 = vector.shape_cast %div3A_7 : vector<1024x512xf32> to vector<1x1024x512xf32>
    tpu.vector_store %arg2[%swap3A, %swap3A_8, %swap3A_9], %swap3A_12 {strides = array<i32>} : memref<1x1024x512xf32, #tpu.memory_space<vmem>>, vector<1x1024x512xf32>,
    return
  }
  func.func @transform_0(%arg0: i32) -> (i32, i32, i32) {
    %c0_i32 = arith.constant 0 : i32
    %c0_i32_0 = arith.constant 0 : i32
    %c0_i32_1 = arith.constant 0 : i32
    return %arg0, %c0_i32, %c0_i32_0 : i32, i32, i32
  }
  func.func @transform_1(%arg0: i32) -> (i32, i32, i32) {
    %c0_i32 = arith.constant 0 : i32
    %c0_i32_0 = arith.constant 0 : i32
    %c0_i32_1 = arith.constant 0 : i32
    return %arg0, %c0_i32, %c0_i32_0 : i32, i32, i32
  }
}

module attributes {stable_mosaic.version = 14 : i64} {
  func.func @_tc_body(%arg0: i32, %arg1: memref<512x128xf32, #tpu.memory_space<vmem>>, %arg2: memref<512x128xf32, #tpu.memory_space<vmem>>, %arg3: memref<512x128xf32, #tpu.memory_space<vmem>>, %arg4: memref<512x128xf32, #tpu.memory_space<vmem>>, %arg5: memref<512x128xf32, #tpu.memory_space<vmem>>, %arg6: memref<512x128xf32, #tpu.memory_space<vmem>>, %arg7: memref<1x512xf32, #tpu.memory_space<vmem>>, %arg8: memref<4x1024x512xf32, #tpu.memory_space<vmem>>, %arg9: memref<512x512xf32, #tpu.memory_space<vmem>>, %arg10: memref<512x512xf32, #tpu.memory_space<vmem>>, %arg11: memref<512x4xi32, #tpu.memory_space<vmem>>, %arg12: memref<1x512xf32, #tpu.memory_space<vmem>>, %arg13: memref<1x512xf32, #tpu.memory_space<vmem>>, %arg14: memref<1x1xf32, #tpu.memory_space<vmem>>, %arg15: memref<1x512xf32, #tpu.memory_space<vmem>>, %arg16: memref<1x512xf32, #tpu.memory_space<vmem>>, %arg17: memref<4xf32, #tpu.memory_space<smem>>) attributes {dimension_semantics = [#tpu.dimension_semantics<arbitrary>], iteration_bounds = array<i64: 20>, scalar_prefetch = 0 : i64, scratch_operands = 3 : i64, tpu.core_type = #tpu.core_type<tc>, window_params = [{transform_indices = @transform_0, window_bounds = array<i64: 512, 128>}, {transform_indices = @transform_1, window_bounds = array<i64: 512, 128>}, {transform_indices = @transform_2, window_bounds = array<i64: 512, 128>}, {transform_indices = @transform_3, window_bounds = array<i64: 512, 128>}, {transform_indices = @transform_4, window_bounds = array<i64: 512, 128>}, {transform_indices = @transform_5, window_bounds = array<i64: 512, 128>}, {pipeline_mode = #tpu.pipeline_mode<synchronous>, transform_indices = @transform_6, window_bounds = array<i64: 1, 512>}, {pipeline_mode = #tpu.pipeline_mode<synchronous>, transform_indices = @transform_7, window_bounds = array<i64: 4, 1024, 512>}, {transform_indices = @transform_8, window_bounds = array<i64: 512, 512>}, {transform_indices = @transform_9, window_bounds = array<i64: 512, 512>}, {transform_indices = @transform_10, window_bounds = array<i64: 512, 4>}, {pipeline_mode = #tpu.pipeline_mode<synchronous>, transform_indices = @transform_11, window_bounds = array<i64: 1, 512>}, {pipeline_mode = #tpu.pipeline_mode<synchronous>, transform_indices = @transform_12, window_bounds = array<i64: 1, 512>}, {pipeline_mode = #tpu.pipeline_mode<synchronous>, transform_indices = @transform_13, window_bounds = array<i64: 1, 1>}]} {
    %eq3A = arith.constant 0 : i32
    %eq3A_0 = arith.cmpi eq, %arg0, %eq3A : i32
    %convert_element_type3A = arith.extui %eq3A_0 : i1 to i32
    %cond3A = arith.constant 0 : i32
    %cond3A_1 = arith.cmpi ne, %convert_element_type3A, %cond3A : i32
    scf.if %cond3A_1 {
      %broadcast_in_dim3A_274 = arith.constant 0.000000e+00 : f32
      %broadcast_in_dim3A_275 = vector.broadcast %broadcast_in_dim3A_274 : f32 to vector<1x512xf32>
      %swap3A_276 = arith.constant 0 : index
      %swap3A_277 = arith.constant 0 : index
      %swap3A_278 = vector.load %arg15[%swap3A_276, %swap3A_277] : memref<1x512xf32, #tpu.memory_space<vmem>>, vector<1x512xf32>
      tpu.vector_store %arg15[%swap3A_276, %swap3A_277], %broadcast_in_dim3A_275 {strides = array<i32>} : memref<1x512xf32, #tpu.memory_space<vmem>>, vector<1x512xf32>,
      %broadcast_in_dim3A_279 = arith.constant 0.000000e+00 : f32
      %broadcast_in_dim3A_280 = vector.broadcast %broadcast_in_dim3A_279 : f32 to vector<1x512xf32>
      %swap3A_281 = arith.constant 0 : index
      %swap3A_282 = arith.constant 0 : index
      %swap3A_283 = vector.load %arg16[%swap3A_281, %swap3A_282] : memref<1x512xf32, #tpu.memory_space<vmem>>, vector<1x512xf32>
      tpu.vector_store %arg16[%swap3A_281, %swap3A_282], %broadcast_in_dim3A_280 {strides = array<i32>} : memref<1x512xf32, #tpu.memory_space<vmem>>, vector<1x512xf32>,
      %swap3A_284 = arith.constant 0.000000e+00 : f32
      %swap3A_285 = arith.constant 0 : index
      %swap3A_286 = memref.load %arg17[%swap3A_285] : memref<4xf32, #tpu.memory_space<smem>>
      memref.store %swap3A_284, %arg17[%swap3A_285] : memref<4xf32, #tpu.memory_space<smem>>
      %swap3A_287 = arith.constant 0.000000e+00 : f32
      %swap3A_288 = arith.constant 1 : index
      %swap3A_289 = memref.load %arg17[%swap3A_288] : memref<4xf32, #tpu.memory_space<smem>>
      memref.store %swap3A_287, %arg17[%swap3A_288] : memref<4xf32, #tpu.memory_space<smem>>
      %swap3A_290 = arith.constant 0.000000e+00 : f32
      %swap3A_291 = arith.constant 2 : index
      %swap3A_292 = memref.load %arg17[%swap3A_291] : memref<4xf32, #tpu.memory_space<smem>>
      memref.store %swap3A_290, %arg17[%swap3A_291] : memref<4xf32, #tpu.memory_space<smem>>
      %swap3A_293 = arith.constant 0.000000e+00 : f32
      %swap3A_294 = arith.constant 3 : index
      %swap3A_295 = memref.load %arg17[%swap3A_294] : memref<4xf32, #tpu.memory_space<smem>>
      memref.store %swap3A_293, %arg17[%swap3A_294] : memref<4xf32, #tpu.memory_space<smem>>
    } else {
    }
    %get3A = arith.constant 0 : index
    %get3A_2 = arith.constant 0 : index
    %get3A_3 = vector.load %arg1[%get3A, %get3A_2] : memref<512x128xf32, #tpu.memory_space<vmem>>, vector<512x128xf32>
    %get3A_4 = arith.constant 0 : index
    %get3A_5 = arith.constant 0 : index
    %get3A_6 = vector.load %arg2[%get3A_4, %get3A_5] : memref<512x128xf32, #tpu.memory_space<vmem>>, vector<512x128xf32>
    %get3A_7 = arith.constant 0 : index
    %get3A_8 = arith.constant 0 : index
    %get3A_9 = vector.load %arg3[%get3A_7, %get3A_8] : memref<512x128xf32, #tpu.memory_space<vmem>>, vector<512x128xf32>
    %get3A_10 = arith.constant 0 : index
    %get3A_11 = arith.constant 0 : index
    %get3A_12 = vector.load %arg4[%get3A_10, %get3A_11] : memref<512x128xf32, #tpu.memory_space<vmem>>, vector<512x128xf32>
    %concatenate3A = tpu.concatenate %get3A_3, %get3A_6, %get3A_9, %get3A_12 in 1 : vector<512x128xf32>, vector<512x128xf32>, vector<512x128xf32>, vector<512x128xf32> -> vector<512x512xf32>
    %get3A_13 = arith.constant 0 : index
    %get3A_14 = arith.constant 0 : index
    %get3A_15 = vector.load %arg5[%get3A_13, %get3A_14] : memref<512x128xf32, #tpu.memory_space<vmem>>, vector<512x1xf32>
    %get3A_16 = arith.constant 0 : index
    %get3A_17 = arith.constant 0 : index
    %get3A_18 = vector.load %arg6[%get3A_16, %get3A_17] : memref<512x128xf32, #tpu.memory_space<vmem>>, vector<512x1xf32>
    %add3A = arith.addf %get3A_15, %get3A_18 : vector<512x1xf32>
    %max3A = arith.constant 1.000000e+00 : f32
    %max3A_19 = vector.broadcast %max3A : f32 to vector<512x1xf32>
    %max3A_20 = arith.maximumf %add3A, %max3A_19 : vector<512x1xf32>
    %div3A = vector.broadcast %max3A_20 : vector<512x1xf32> to vector<512x512xf32>
    %div3A_21 = arith.divf %concatenate3A, %div3A : vector<512x512xf32>
    %get3A_22 = arith.constant 0 : index
    %get3A_23 = arith.constant 0 : index
    %get3A_24 = vector.load %arg7[%get3A_22, %get3A_23] : memref<1x512xf32, #tpu.memory_space<vmem>>, vector<1x512xf32>
    %add3A_25 = vector.broadcast %get3A_24 : vector<1x512xf32> to vector<512x512xf32>
    %add3A_26 = arith.addf %div3A_21, %add3A_25 : vector<512x512xf32>
    %max3A_27 = arith.constant 0.000000e+00 : f32
    %max3A_28 = vector.broadcast %max3A_27 : f32 to vector<512x512xf32>
    %max3A_29 = arith.maximumf %add3A_26, %max3A_28 : vector<512x512xf32>
    %swap3A = arith.constant 0 : index
    %swap3A_30 = arith.constant 0 : index
    %swap3A_31 = vector.load %arg9[%swap3A, %swap3A_30] : memref<512x512xf32, #tpu.memory_space<vmem>>, vector<512x512xf32>
    tpu.vector_store %arg9[%swap3A, %swap3A_30], %max3A_29 {strides = array<i32>} : memref<512x512xf32, #tpu.memory_space<vmem>>, vector<512x512xf32>,
    %mul3A = arith.constant 512 : i32
    %mul3A_32 = arith.muli %arg0, %mul3A : i32
    %iota3A = tpu.iota {dimensions = array<i32: 0>} : vector<512x1xi32>
    %add3A_33 = vector.broadcast %mul3A_32 : i32 to vector<512x1xi32>
    %add3A_34 = arith.addi %add3A_33, %iota3A : vector<512x1xi32>
    %lt3A = arith.constant 10000 : i32
    %lt3A_35 = vector.broadcast %lt3A : i32 to vector<512x1xi32>
    %lt3A_36 = arith.cmpi slt, %add3A_34, %lt3A_35 : vector<512x1xi32>
    %convert_element_type3A_37 = arith.extui %lt3A_36 : vector<512x1xi1> to vector<512x1xi32>
    %convert_element_type3A_38 = arith.sitofp %convert_element_type3A_37 : vector<512x1xi32> to vector<512x1xf32>
    %broadcast_in_dim3A = arith.constant 0.000000e+00 : f32
    %broadcast_in_dim3A_39 = vector.broadcast %broadcast_in_dim3A : f32 to vector<512x512xf32>
    %get3A_40 = arith.constant 0 : index
    %get3A_41 = arith.constant 0 : index
    %get3A_42 = arith.constant 0 : index
    %get3A_43 = vector.load %arg8[%get3A_40, %get3A_41, %get3A_42] : memref<4x1024x512xf32, #tpu.memory_space<vmem>>, vector<1x1024x512xf32>
    %get3A_44 = vector.shape_cast %get3A_43 : vector<1x1024x512xf32> to vector<1024x512xf32>
    %mul3A_45 = arith.mulf %max3A_29, %max3A_29 : vector<512x512xf32>
    %reduce_sum3A = arith.constant dense<0.000000e+00> : vector<512xf32>
    %reduce_sum3A_46 = vector.multi_reduction <add>, %mul3A_45, %reduce_sum3A [1] : vector<512x512xf32> to vector<512xf32>
    %broadcast_in_dim3A_47 = vector.shape_cast %reduce_sum3A_46 : vector<512xf32> to vector<512x1xf32>
    %sqrt3A = math.sqrt %broadcast_in_dim3A_47 : vector<512x1xf32>
    %add3A_48 = arith.constant 9.99999993E-9 : f32
    %add3A_49 = vector.broadcast %add3A_48 : f32 to vector<512x1xf32>
    %add3A_50 = arith.addf %sqrt3A, %add3A_49 : vector<512x1xf32>
    %div3A_51 = vector.broadcast %add3A_50 : vector<512x1xf32> to vector<512x512xf32>
    %div3A_52 = arith.divf %max3A_29, %div3A_51 : vector<512x512xf32>
    %dot_general3A = arith.constant dense<0.000000e+00> : vector<512x1024xf32>
    %dot_general3A_53 = tpu.matmul %div3A_52, %get3A_44, %dot_general3A {dimension_numbers = #tpu.dot_dimension_numbers<[1], [1], [0], [0], [0, 0, 1, 0], [], []>, transpose_lhs_hint = false} : vector<512x512xf32>, vector<1024x512xf32>, vector<512x1024xf32> -> vector<512x1024xf32>
    %reduce_max3A = arith.constant dense<0xFF800000> : vector<512xf32>
    %reduce_max3A_54 = vector.multi_reduction <maximumf>, %dot_general3A_53, %reduce_max3A [1] : vector<512x1024xf32> to vector<512xf32>
    %broadcast_in_dim3A_55 = vector.shape_cast %reduce_max3A_54 : vector<512xf32> to vector<512x1xf32>
    %iota3A_56 = tpu.iota {dimensions = array<i32: 1>} : vector<512x1024xi32>
    %ge3A = vector.broadcast %broadcast_in_dim3A_55 : vector<512x1xf32> to vector<512x1024xf32>
    %ge3A_57 = arith.cmpf oge, %dot_general3A_53, %ge3A : vector<512x1024xf32>
    %jit3A = arith.constant 1024 : i32
    %broadcast_in_dim3A_58 = vector.broadcast %jit3A : i32 to vector<512x1024xi32>
    %select_n3A = arith.select %ge3A_57, %iota3A_56, %broadcast_in_dim3A_58 : vector<512x1024xi1>, vector<512x1024xi32>
    %reduce_min3A = arith.constant dense<2147483647> : vector<512xi32>
    %reduce_min3A_59 = vector.multi_reduction <minsi>, %select_n3A, %reduce_min3A [1] : vector<512x1024xi32> to vector<512xi32>
    %broadcast_in_dim3A_60 = vector.shape_cast %reduce_min3A_59 : vector<512xi32> to vector<512x1xi32>
    %eq3A_61 = vector.broadcast %broadcast_in_dim3A_60 : vector<512x1xi32> to vector<512x1024xi32>
    %eq3A_62 = arith.cmpi eq, %iota3A_56, %eq3A_61 : vector<512x1024xi32>
    %convert_element_type3A_63 = arith.extui %eq3A_62 : vector<512x1024xi1> to vector<512x1024xi32>
    %convert_element_type3A_64 = arith.sitofp %convert_element_type3A_63 : vector<512x1024xi32> to vector<512x1024xf32>
    %dot_general3A_65 = arith.constant dense<0.000000e+00> : vector<512x512xf32>
    %dot_general3A_66 = tpu.matmul %convert_element_type3A_64, %get3A_44, %dot_general3A_65 {dimension_numbers = #tpu.dot_dimension_numbers<[1], [0], [0], [1], [0, 0, 1, 1], [], []>, precision = #tpu.contract_precision<fp32>, transpose_lhs_hint = false} : vector<512x1024xf32>, vector<1024x512xf32>, vector<512x512xf32> -> vector<512x512xf32>
    %sub3A = arith.subf %dot_general3A_66, %max3A_29 : vector<512x512xf32>
    %get3A_67 = arith.constant 0 : index
    %get3A_68 = memref.load %arg17[%get3A_67] : memref<4xf32, #tpu.memory_space<smem>>
    %mul3A_69 = arith.mulf %sub3A, %sub3A : vector<512x512xf32>
    %mul3A_70 = vector.broadcast %convert_element_type3A_38 : vector<512x1xf32> to vector<512x512xf32>
    %mul3A_71 = arith.mulf %mul3A_69, %mul3A_70 : vector<512x512xf32>
    %reduce_sum3A_72 = vector.shape_cast %mul3A_71 : vector<512x512xf32> to vector<1x512x512xf32>
    %reduce_sum3A_73 = arith.constant dense<0.000000e+00> : vector<1xf32>
    %reduce_sum3A_74 = vector.multi_reduction <add>, %reduce_sum3A_72, %reduce_sum3A_73 [1, 2] : vector<1x512x512xf32> to vector<1xf32>
    %reduce_sum3A_75 = vector.shape_cast %reduce_sum3A_74 : vector<1xf32> to vector<1x1x1xf32>
    %reduce_sum3A_76 = vector.extract %reduce_sum3A_75[0, 0, 0] : f32 from vector<1x1x1xf32>
    %add3A_77 = arith.addf %get3A_68, %reduce_sum3A_76 : f32
    %swap3A_78 = arith.constant 0 : index
    %swap3A_79 = memref.load %arg17[%swap3A_78] : memref<4xf32, #tpu.memory_space<smem>>
    memref.store %add3A_77, %arg17[%swap3A_78] : memref<4xf32, #tpu.memory_space<smem>>
    %broadcast_in_dim3A_80 = vector.shape_cast %reduce_min3A_59 : vector<512xi32> to vector<512x1xi32>
    %sub3A_81 = arith.subf %max3A_29, %dot_general3A_66 : vector<512x512xf32>
    %add3A_82 = arith.addf %broadcast_in_dim3A_39, %dot_general3A_66 : vector<512x512xf32>
    %get3A_83 = arith.constant 1 : index
    %get3A_84 = arith.constant 0 : index
    %get3A_85 = arith.constant 0 : index
    %get3A_86 = vector.load %arg8[%get3A_83, %get3A_84, %get3A_85] : memref<4x1024x512xf32, #tpu.memory_space<vmem>>, vector<1x1024x512xf32>
    %get3A_87 = vector.shape_cast %get3A_86 : vector<1x1024x512xf32> to vector<1024x512xf32>
    %mul3A_88 = arith.mulf %sub3A_81, %sub3A_81 : vector<512x512xf32>
    %reduce_sum3A_89 = arith.constant dense<0.000000e+00> : vector<512xf32>
    %reduce_sum3A_90 = vector.multi_reduction <add>, %mul3A_88, %reduce_sum3A_89 [1] : vector<512x512xf32> to vector<512xf32>
    %broadcast_in_dim3A_91 = vector.shape_cast %reduce_sum3A_90 : vector<512xf32> to vector<512x1xf32>
    %sqrt3A_92 = math.sqrt %broadcast_in_dim3A_91 : vector<512x1xf32>
    %add3A_93 = arith.constant 9.99999993E-9 : f32
    %add3A_94 = vector.broadcast %add3A_93 : f32 to vector<512x1xf32>
    %add3A_95 = arith.addf %sqrt3A_92, %add3A_94 : vector<512x1xf32>
    %div3A_96 = vector.broadcast %add3A_95 : vector<512x1xf32> to vector<512x512xf32>
    %div3A_97 = arith.divf %sub3A_81, %div3A_96 : vector<512x512xf32>
    %dot_general3A_98 = arith.constant dense<0.000000e+00> : vector<512x1024xf32>
    %dot_general3A_99 = tpu.matmul %div3A_97, %get3A_87, %dot_general3A_98 {dimension_numbers = #tpu.dot_dimension_numbers<[1], [1], [0], [0], [0, 0, 1, 0], [], []>, transpose_lhs_hint = false} : vector<512x512xf32>, vector<1024x512xf32>, vector<512x1024xf32> -> vector<512x1024xf32>
    %reduce_max3A_100 = arith.constant dense<0xFF800000> : vector<512xf32>
    %reduce_max3A_101 = vector.multi_reduction <maximumf>, %dot_general3A_99, %reduce_max3A_100 [1] : vector<512x1024xf32> to vector<512xf32>
    %broadcast_in_dim3A_102 = vector.shape_cast %reduce_max3A_101 : vector<512xf32> to vector<512x1xf32>
    %iota3A_103 = tpu.iota {dimensions = array<i32: 1>} : vector<512x1024xi32>
    %ge3A_104 = vector.broadcast %broadcast_in_dim3A_102 : vector<512x1xf32> to vector<512x1024xf32>
    %ge3A_105 = arith.cmpf oge, %dot_general3A_99, %ge3A_104 : vector<512x1024xf32>
    %jit3A_106 = arith.constant 1024 : i32
    %broadcast_in_dim3A_107 = vector.broadcast %jit3A_106 : i32 to vector<512x1024xi32>
    %select_n3A_108 = arith.select %ge3A_105, %iota3A_103, %broadcast_in_dim3A_107 : vector<512x1024xi1>, vector<512x1024xi32>
    %reduce_min3A_109 = arith.constant dense<2147483647> : vector<512xi32>
    %reduce_min3A_110 = vector.multi_reduction <minsi>, %select_n3A_108, %reduce_min3A_109 [1] : vector<512x1024xi32> to vector<512xi32>
    %broadcast_in_dim3A_111 = vector.shape_cast %reduce_min3A_110 : vector<512xi32> to vector<512x1xi32>
    %eq3A_112 = vector.broadcast %broadcast_in_dim3A_111 : vector<512x1xi32> to vector<512x1024xi32>
    %eq3A_113 = arith.cmpi eq, %iota3A_103, %eq3A_112 : vector<512x1024xi32>
    %convert_element_type3A_114 = arith.extui %eq3A_113 : vector<512x1024xi1> to vector<512x1024xi32>
    %convert_element_type3A_115 = arith.sitofp %convert_element_type3A_114 : vector<512x1024xi32> to vector<512x1024xf32>
    %dot_general3A_116 = arith.constant dense<0.000000e+00> : vector<512x512xf32>
    %dot_general3A_117 = tpu.matmul %convert_element_type3A_115, %get3A_87, %dot_general3A_116 {dimension_numbers = #tpu.dot_dimension_numbers<[1], [0], [0], [1], [0, 0, 1, 1], [], []>, precision = #tpu.contract_precision<fp32>, transpose_lhs_hint = false} : vector<512x1024xf32>, vector<1024x512xf32>, vector<512x512xf32> -> vector<512x512xf32>
    %sub3A_118 = arith.subf %dot_general3A_117, %sub3A_81 : vector<512x512xf32>
    %get3A_119 = arith.constant 1 : index
    %get3A_120 = memref.load %arg17[%get3A_119] : memref<4xf32, #tpu.memory_space<smem>>
    %mul3A_121 = arith.mulf %sub3A_118, %sub3A_118 : vector<512x512xf32>
    %mul3A_122 = vector.broadcast %convert_element_type3A_38 : vector<512x1xf32> to vector<512x512xf32>
    %mul3A_123 = arith.mulf %mul3A_121, %mul3A_122 : vector<512x512xf32>
    %reduce_sum3A_124 = vector.shape_cast %mul3A_123 : vector<512x512xf32> to vector<1x512x512xf32>
    %reduce_sum3A_125 = arith.constant dense<0.000000e+00> : vector<1xf32>
    %reduce_sum3A_126 = vector.multi_reduction <add>, %reduce_sum3A_124, %reduce_sum3A_125 [1, 2] : vector<1x512x512xf32> to vector<1xf32>
    %reduce_sum3A_127 = vector.shape_cast %reduce_sum3A_126 : vector<1xf32> to vector<1x1x1xf32>
    %reduce_sum3A_128 = vector.extract %reduce_sum3A_127[0, 0, 0] : f32 from vector<1x1x1xf32>
    %add3A_129 = arith.addf %get3A_120, %reduce_sum3A_128 : f32
    %swap3A_130 = arith.constant 1 : index
    %swap3A_131 = memref.load %arg17[%swap3A_130] : memref<4xf32, #tpu.memory_space<smem>>
    memref.store %add3A_129, %arg17[%swap3A_130] : memref<4xf32, #tpu.memory_space<smem>>
    %broadcast_in_dim3A_132 = vector.shape_cast %reduce_min3A_110 : vector<512xi32> to vector<512x1xi32>
    %sub3A_133 = arith.subf %sub3A_81, %dot_general3A_117 : vector<512x512xf32>
    %add3A_134 = arith.addf %add3A_82, %dot_general3A_117 : vector<512x512xf32>
    %get3A_135 = arith.constant 2 : index
    %get3A_136 = arith.constant 0 : index
    %get3A_137 = arith.constant 0 : index
    %get3A_138 = vector.load %arg8[%get3A_135, %get3A_136, %get3A_137] : memref<4x1024x512xf32, #tpu.memory_space<vmem>>, vector<1x1024x512xf32>
    %get3A_139 = vector.shape_cast %get3A_138 : vector<1x1024x512xf32> to vector<1024x512xf32>
    %mul3A_140 = arith.mulf %sub3A_133, %sub3A_133 : vector<512x512xf32>
    %reduce_sum3A_141 = arith.constant dense<0.000000e+00> : vector<512xf32>
    %reduce_sum3A_142 = vector.multi_reduction <add>, %mul3A_140, %reduce_sum3A_141 [1] : vector<512x512xf32> to vector<512xf32>
    %broadcast_in_dim3A_143 = vector.shape_cast %reduce_sum3A_142 : vector<512xf32> to vector<512x1xf32>
    %sqrt3A_144 = math.sqrt %broadcast_in_dim3A_143 : vector<512x1xf32>
    %add3A_145 = arith.constant 9.99999993E-9 : f32
    %add3A_146 = vector.broadcast %add3A_145 : f32 to vector<512x1xf32>
    %add3A_147 = arith.addf %sqrt3A_144, %add3A_146 : vector<512x1xf32>
    %div3A_148 = vector.broadcast %add3A_147 : vector<512x1xf32> to vector<512x512xf32>
    %div3A_149 = arith.divf %sub3A_133, %div3A_148 : vector<512x512xf32>
    %dot_general3A_150 = arith.constant dense<0.000000e+00> : vector<512x1024xf32>
    %dot_general3A_151 = tpu.matmul %div3A_149, %get3A_139, %dot_general3A_150 {dimension_numbers = #tpu.dot_dimension_numbers<[1], [1], [0], [0], [0, 0, 1, 0], [], []>, transpose_lhs_hint = false} : vector<512x512xf32>, vector<1024x512xf32>, vector<512x1024xf32> -> vector<512x1024xf32>
    %reduce_max3A_152 = arith.constant dense<0xFF800000> : vector<512xf32>
    %reduce_max3A_153 = vector.multi_reduction <maximumf>, %dot_general3A_151, %reduce_max3A_152 [1] : vector<512x1024xf32> to vector<512xf32>
    %broadcast_in_dim3A_154 = vector.shape_cast %reduce_max3A_153 : vector<512xf32> to vector<512x1xf32>
    %iota3A_155 = tpu.iota {dimensions = array<i32: 1>} : vector<512x1024xi32>
    %ge3A_156 = vector.broadcast %broadcast_in_dim3A_154 : vector<512x1xf32> to vector<512x1024xf32>
    %ge3A_157 = arith.cmpf oge, %dot_general3A_151, %ge3A_156 : vector<512x1024xf32>
    %jit3A_158 = arith.constant 1024 : i32
    %broadcast_in_dim3A_159 = vector.broadcast %jit3A_158 : i32 to vector<512x1024xi32>
    %select_n3A_160 = arith.select %ge3A_157, %iota3A_155, %broadcast_in_dim3A_159 : vector<512x1024xi1>, vector<512x1024xi32>
    %reduce_min3A_161 = arith.constant dense<2147483647> : vector<512xi32>
    %reduce_min3A_162 = vector.multi_reduction <minsi>, %select_n3A_160, %reduce_min3A_161 [1] : vector<512x1024xi32> to vector<512xi32>
    %broadcast_in_dim3A_163 = vector.shape_cast %reduce_min3A_162 : vector<512xi32> to vector<512x1xi32>
    %eq3A_164 = vector.broadcast %broadcast_in_dim3A_163 : vector<512x1xi32> to vector<512x1024xi32>
    %eq3A_165 = arith.cmpi eq, %iota3A_155, %eq3A_164 : vector<512x1024xi32>
    %convert_element_type3A_166 = arith.extui %eq3A_165 : vector<512x1024xi1> to vector<512x1024xi32>
    %convert_element_type3A_167 = arith.sitofp %convert_element_type3A_166 : vector<512x1024xi32> to vector<512x1024xf32>
    %dot_general3A_168 = arith.constant dense<0.000000e+00> : vector<512x512xf32>
    %dot_general3A_169 = tpu.matmul %convert_element_type3A_167, %get3A_139, %dot_general3A_168 {dimension_numbers = #tpu.dot_dimension_numbers<[1], [0], [0], [1], [0, 0, 1, 1], [], []>, precision = #tpu.contract_precision<fp32>, transpose_lhs_hint = false} : vector<512x1024xf32>, vector<1024x512xf32>, vector<512x512xf32> -> vector<512x512xf32>
    %sub3A_170 = arith.subf %dot_general3A_169, %sub3A_133 : vector<512x512xf32>
    %get3A_171 = arith.constant 2 : index
    %get3A_172 = memref.load %arg17[%get3A_171] : memref<4xf32, #tpu.memory_space<smem>>
    %mul3A_173 = arith.mulf %sub3A_170, %sub3A_170 : vector<512x512xf32>
    %mul3A_174 = vector.broadcast %convert_element_type3A_38 : vector<512x1xf32> to vector<512x512xf32>
    %mul3A_175 = arith.mulf %mul3A_173, %mul3A_174 : vector<512x512xf32>
    %reduce_sum3A_176 = vector.shape_cast %mul3A_175 : vector<512x512xf32> to vector<1x512x512xf32>
    %reduce_sum3A_177 = arith.constant dense<0.000000e+00> : vector<1xf32>
    %reduce_sum3A_178 = vector.multi_reduction <add>, %reduce_sum3A_176, %reduce_sum3A_177 [1, 2] : vector<1x512x512xf32> to vector<1xf32>
    %reduce_sum3A_179 = vector.shape_cast %reduce_sum3A_178 : vector<1xf32> to vector<1x1x1xf32>
    %reduce_sum3A_180 = vector.extract %reduce_sum3A_179[0, 0, 0] : f32 from vector<1x1x1xf32>
    %add3A_181 = arith.addf %get3A_172, %reduce_sum3A_180 : f32
    %swap3A_182 = arith.constant 2 : index
    %swap3A_183 = memref.load %arg17[%swap3A_182] : memref<4xf32, #tpu.memory_space<smem>>
    memref.store %add3A_181, %arg17[%swap3A_182] : memref<4xf32, #tpu.memory_space<smem>>
    %broadcast_in_dim3A_184 = vector.shape_cast %reduce_min3A_162 : vector<512xi32> to vector<512x1xi32>
    %sub3A_185 = arith.subf %sub3A_133, %dot_general3A_169 : vector<512x512xf32>
    %add3A_186 = arith.addf %add3A_134, %dot_general3A_169 : vector<512x512xf32>
    %get3A_187 = arith.constant 3 : index
    %get3A_188 = arith.constant 0 : index
    %get3A_189 = arith.constant 0 : index
    %get3A_190 = vector.load %arg8[%get3A_187, %get3A_188, %get3A_189] : memref<4x1024x512xf32, #tpu.memory_space<vmem>>, vector<1x1024x512xf32>
    %get3A_191 = vector.shape_cast %get3A_190 : vector<1x1024x512xf32> to vector<1024x512xf32>
    %mul3A_192 = arith.mulf %sub3A_185, %sub3A_185 : vector<512x512xf32>
    %reduce_sum3A_193 = arith.constant dense<0.000000e+00> : vector<512xf32>
    %reduce_sum3A_194 = vector.multi_reduction <add>, %mul3A_192, %reduce_sum3A_193 [1] : vector<512x512xf32> to vector<512xf32>
    %broadcast_in_dim3A_195 = vector.shape_cast %reduce_sum3A_194 : vector<512xf32> to vector<512x1xf32>
    %sqrt3A_196 = math.sqrt %broadcast_in_dim3A_195 : vector<512x1xf32>
    %add3A_197 = arith.constant 9.99999993E-9 : f32
    %add3A_198 = vector.broadcast %add3A_197 : f32 to vector<512x1xf32>
    %add3A_199 = arith.addf %sqrt3A_196, %add3A_198 : vector<512x1xf32>
    %div3A_200 = vector.broadcast %add3A_199 : vector<512x1xf32> to vector<512x512xf32>
    %div3A_201 = arith.divf %sub3A_185, %div3A_200 : vector<512x512xf32>
    %dot_general3A_202 = arith.constant dense<0.000000e+00> : vector<512x1024xf32>
    %dot_general3A_203 = tpu.matmul %div3A_201, %get3A_191, %dot_general3A_202 {dimension_numbers = #tpu.dot_dimension_numbers<[1], [1], [0], [0], [0, 0, 1, 0], [], []>, transpose_lhs_hint = false} : vector<512x512xf32>, vector<1024x512xf32>, vector<512x1024xf32> -> vector<512x1024xf32>
    %reduce_max3A_204 = arith.constant dense<0xFF800000> : vector<512xf32>
    %reduce_max3A_205 = vector.multi_reduction <maximumf>, %dot_general3A_203, %reduce_max3A_204 [1] : vector<512x1024xf32> to vector<512xf32>
    %broadcast_in_dim3A_206 = vector.shape_cast %reduce_max3A_205 : vector<512xf32> to vector<512x1xf32>
    %iota3A_207 = tpu.iota {dimensions = array<i32: 1>} : vector<512x1024xi32>
    %ge3A_208 = vector.broadcast %broadcast_in_dim3A_206 : vector<512x1xf32> to vector<512x1024xf32>
    %ge3A_209 = arith.cmpf oge, %dot_general3A_203, %ge3A_208 : vector<512x1024xf32>
    %jit3A_210 = arith.constant 1024 : i32
    %broadcast_in_dim3A_211 = vector.broadcast %jit3A_210 : i32 to vector<512x1024xi32>
    %select_n3A_212 = arith.select %ge3A_209, %iota3A_207, %broadcast_in_dim3A_211 : vector<512x1024xi1>, vector<512x1024xi32>
    %reduce_min3A_213 = arith.constant dense<2147483647> : vector<512xi32>
    %reduce_min3A_214 = vector.multi_reduction <minsi>, %select_n3A_212, %reduce_min3A_213 [1] : vector<512x1024xi32> to vector<512xi32>
    %broadcast_in_dim3A_215 = vector.shape_cast %reduce_min3A_214 : vector<512xi32> to vector<512x1xi32>
    %eq3A_216 = vector.broadcast %broadcast_in_dim3A_215 : vector<512x1xi32> to vector<512x1024xi32>
    %eq3A_217 = arith.cmpi eq, %iota3A_207, %eq3A_216 : vector<512x1024xi32>
    %convert_element_type3A_218 = arith.extui %eq3A_217 : vector<512x1024xi1> to vector<512x1024xi32>
    %convert_element_type3A_219 = arith.sitofp %convert_element_type3A_218 : vector<512x1024xi32> to vector<512x1024xf32>
    %dot_general3A_220 = arith.constant dense<0.000000e+00> : vector<512x512xf32>
    %dot_general3A_221 = tpu.matmul %convert_element_type3A_219, %get3A_191, %dot_general3A_220 {dimension_numbers = #tpu.dot_dimension_numbers<[1], [0], [0], [1], [0, 0, 1, 1], [], []>, precision = #tpu.contract_precision<fp32>, transpose_lhs_hint = false} : vector<512x1024xf32>, vector<1024x512xf32>, vector<512x512xf32> -> vector<512x512xf32>
    %sub3A_222 = arith.subf %dot_general3A_221, %sub3A_185 : vector<512x512xf32>
    %get3A_223 = arith.constant 3 : index
    %get3A_224 = memref.load %arg17[%get3A_223] : memref<4xf32, #tpu.memory_space<smem>>
    %mul3A_225 = arith.mulf %sub3A_222, %sub3A_222 : vector<512x512xf32>
    %mul3A_226 = vector.broadcast %convert_element_type3A_38 : vector<512x1xf32> to vector<512x512xf32>
    %mul3A_227 = arith.mulf %mul3A_225, %mul3A_226 : vector<512x512xf32>
    %reduce_sum3A_228 = vector.shape_cast %mul3A_227 : vector<512x512xf32> to vector<1x512x512xf32>
    %reduce_sum3A_229 = arith.constant dense<0.000000e+00> : vector<1xf32>
    %reduce_sum3A_230 = vector.multi_reduction <add>, %reduce_sum3A_228, %reduce_sum3A_229 [1, 2] : vector<1x512x512xf32> to vector<1xf32>
    %reduce_sum3A_231 = vector.shape_cast %reduce_sum3A_230 : vector<1xf32> to vector<1x1x1xf32>
    %reduce_sum3A_232 = vector.extract %reduce_sum3A_231[0, 0, 0] : f32 from vector<1x1x1xf32>
    %add3A_233 = arith.addf %get3A_224, %reduce_sum3A_232 : f32
    %swap3A_234 = arith.constant 3 : index
    %swap3A_235 = memref.load %arg17[%swap3A_234] : memref<4xf32, #tpu.memory_space<smem>>
    memref.store %add3A_233, %arg17[%swap3A_234] : memref<4xf32, #tpu.memory_space<smem>>
    %broadcast_in_dim3A_236 = vector.shape_cast %reduce_min3A_214 : vector<512xi32> to vector<512x1xi32>
    %add3A_237 = arith.addf %add3A_186, %dot_general3A_221 : vector<512x512xf32>
    %swap3A_238 = arith.constant 0 : index
    %swap3A_239 = arith.constant 0 : index
    %swap3A_240 = vector.load %arg10[%swap3A_238, %swap3A_239] : memref<512x512xf32, #tpu.memory_space<vmem>>, vector<512x512xf32>
    tpu.vector_store %arg10[%swap3A_238, %swap3A_239], %add3A_237 {strides = array<i32>} : memref<512x512xf32, #tpu.memory_space<vmem>>, vector<512x512xf32>,
    %concatenate3A_241 = tpu.concatenate %broadcast_in_dim3A_80, %broadcast_in_dim3A_132, %broadcast_in_dim3A_184, %broadcast_in_dim3A_236 in 1 : vector<512x1xi32>, vector<512x1xi32>, vector<512x1xi32>, vector<512x1xi32> -> vector<512x4xi32>
    %swap3A_242 = arith.constant 0 : index
    %swap3A_243 = arith.constant 0 : index
    %swap3A_244 = vector.load %arg11[%swap3A_242, %swap3A_243] : memref<512x4xi32, #tpu.memory_space<vmem>>, vector<512x4xi32>
    tpu.vector_store %arg11[%swap3A_242, %swap3A_243], %concatenate3A_241 {strides = array<i32>} : memref<512x4xi32, #tpu.memory_space<vmem>>, vector<512x4xi32>,
    %get3A_245 = arith.constant 0 : index
    %get3A_246 = arith.constant 0 : index
    %get3A_247 = vector.load %arg15[%get3A_245, %get3A_246] : memref<1x512xf32, #tpu.memory_space<vmem>>, vector<1x512xf32>
    %mul3A_248 = vector.broadcast %convert_element_type3A_38 : vector<512x1xf32> to vector<512x512xf32>
    %mul3A_249 = arith.mulf %max3A_29, %mul3A_248 : vector<512x512xf32>
    %reduce_sum3A_250 = arith.constant dense<0.000000e+00> : vector<512xf32>
    %reduce_sum3A_251 = vector.multi_reduction <add>, %mul3A_249, %reduce_sum3A_250 [0] : vector<512x512xf32> to vector<512xf32>
    %broadcast_in_dim3A_252 = vector.shape_cast %reduce_sum3A_251 : vector<512xf32> to vector<1x512xf32>
    %add3A_253 = arith.addf %get3A_247, %broadcast_in_dim3A_252 : vector<1x512xf32>
    %swap3A_254 = arith.constant 0 : index
    %swap3A_255 = arith.constant 0 : index
    %swap3A_256 = vector.load %arg15[%swap3A_254, %swap3A_255] : memref<1x512xf32, #tpu.memory_space<vmem>>, vector<1x512xf32>
    tpu.vector_store %arg15[%swap3A_254, %swap3A_255], %add3A_253 {strides = array<i32>} : memref<1x512xf32, #tpu.memory_space<vmem>>, vector<1x512xf32>,
    %get3A_257 = arith.constant 0 : index
    %get3A_258 = arith.constant 0 : index
    %get3A_259 = vector.load %arg16[%get3A_257, %get3A_258] : memref<1x512xf32, #tpu.memory_space<vmem>>, vector<1x512xf32>
    %mul3A_260 = vector.broadcast %convert_element_type3A_38 : vector<512x1xf32> to vector<512x512xf32>
    %mul3A_261 = arith.mulf %add3A_237, %mul3A_260 : vector<512x512xf32>
    %reduce_sum3A_262 = arith.constant dense<0.000000e+00> : vector<512xf32>
    %reduce_sum3A_263 = vector.multi_reduction <add>, %mul3A_261, %reduce_sum3A_262 [0] : vector<512x512xf32> to vector<512xf32>
    %broadcast_in_dim3A_264 = vector.shape_cast %reduce_sum3A_263 : vector<512xf32> to vector<1x512xf32>
    %add3A_265 = arith.addf %get3A_259, %broadcast_in_dim3A_264 : vector<1x512xf32>
    %swap3A_266 = arith.constant 0 : index
    %swap3A_267 = arith.constant 0 : index
    %swap3A_268 = vector.load %arg16[%swap3A_266, %swap3A_267] : memref<1x512xf32, #tpu.memory_space<vmem>>, vector<1x512xf32>
    tpu.vector_store %arg16[%swap3A_266, %swap3A_267], %add3A_265 {strides = array<i32>} : memref<1x512xf32, #tpu.memory_space<vmem>>, vector<1x512xf32>,
    %eq3A_269 = arith.constant 19 : i32
    %eq3A_270 = arith.cmpi eq, %arg0, %eq3A_269 : i32
    %convert_element_type3A_271 = arith.extui %eq3A_270 : i1 to i32
    %cond3A_272 = arith.constant 0 : i32
    %cond3A_273 = arith.cmpi ne, %convert_element_type3A_271, %cond3A_272 : i32
    scf.if %cond3A_273 {
      %get3A_274 = arith.constant 0 : index
      %get3A_275 = arith.constant 0 : index
      %get3A_276 = vector.load %arg15[%get3A_274, %get3A_275] : memref<1x512xf32, #tpu.memory_space<vmem>>, vector<1x512xf32>
      %div3A_277 = arith.constant 1.000000e+04 : f32
      %div3A_278 = vector.broadcast %div3A_277 : f32 to vector<1x512xf32>
      %div3A_279 = arith.divf %get3A_276, %div3A_278 : vector<1x512xf32>
      %logistic3A = arith.negf %div3A_279 : vector<1x512xf32>
      %logistic3A_280 = math.exp %logistic3A : vector<1x512xf32>
      %logistic3A_281 = arith.constant 1.000000e+00 : f32
      %logistic3A_282 = vector.broadcast %logistic3A_281 : f32 to vector<1x512xf32>
      %logistic3A_283 = arith.addf %logistic3A_282, %logistic3A_280 : vector<1x512xf32>
      %logistic3A_284 = arith.divf %logistic3A_282, %logistic3A_283 : vector<1x512xf32>
      %swap3A_285 = arith.constant 0 : index
      %swap3A_286 = arith.constant 0 : index
      %swap3A_287 = vector.load %arg12[%swap3A_285, %swap3A_286] : memref<1x512xf32, #tpu.memory_space<vmem>>, vector<1x512xf32>
      tpu.vector_store %arg12[%swap3A_285, %swap3A_286], %logistic3A_284 {strides = array<i32>} : memref<1x512xf32, #tpu.memory_space<vmem>>, vector<1x512xf32>,
      %get3A_288 = arith.constant 0 : index
      %get3A_289 = arith.constant 0 : index
      %get3A_290 = vector.load %arg16[%get3A_288, %get3A_289] : memref<1x512xf32, #tpu.memory_space<vmem>>, vector<1x512xf32>
      %div3A_291 = arith.constant 1.000000e+04 : f32
      %div3A_292 = vector.broadcast %div3A_291 : f32 to vector<1x512xf32>
      %div3A_293 = arith.divf %get3A_290, %div3A_292 : vector<1x512xf32>
      %logistic3A_294 = arith.negf %div3A_293 : vector<1x512xf32>
      %logistic3A_295 = math.exp %logistic3A_294 : vector<1x512xf32>
      %logistic3A_296 = arith.constant 1.000000e+00 : f32
      %logistic3A_297 = vector.broadcast %logistic3A_296 : f32 to vector<1x512xf32>
      %logistic3A_298 = arith.addf %logistic3A_297, %logistic3A_295 : vector<1x512xf32>
      %logistic3A_299 = arith.divf %logistic3A_297, %logistic3A_298 : vector<1x512xf32>
      %swap3A_300 = arith.constant 0 : index
      %swap3A_301 = arith.constant 0 : index
      %swap3A_302 = vector.load %arg13[%swap3A_300, %swap3A_301] : memref<1x512xf32, #tpu.memory_space<vmem>>, vector<1x512xf32>
      tpu.vector_store %arg13[%swap3A_300, %swap3A_301], %logistic3A_299 {strides = array<i32>} : memref<1x512xf32, #tpu.memory_space<vmem>>, vector<1x512xf32>,
      %get3A_303 = arith.constant 0 : index
      %get3A_304 = memref.load %arg17[%get3A_303] : memref<4xf32, #tpu.memory_space<smem>>
      %get3A_305 = arith.constant 1 : index
      %get3A_306 = memref.load %arg17[%get3A_305] : memref<4xf32, #tpu.memory_space<smem>>
      %add3A_307 = arith.addf %get3A_304, %get3A_306 : f32
      %get3A_308 = arith.constant 2 : index
      %get3A_309 = memref.load %arg17[%get3A_308] : memref<4xf32, #tpu.memory_space<smem>>
      %add3A_310 = arith.addf %add3A_307, %get3A_309 : f32
      %get3A_311 = arith.constant 3 : index
      %get3A_312 = memref.load %arg17[%get3A_311] : memref<4xf32, #tpu.memory_space<smem>>
      %add3A_313 = arith.addf %add3A_310, %get3A_312 : f32
      %div3A_314 = arith.constant 5.120000e+06 : f32
      %div3A_315 = arith.divf %add3A_313, %div3A_314 : f32
      %broadcast_in_dim3A_316 = vector.broadcast %div3A_315 : f32 to vector<1x1xf32>
      %swap3A_317 = arith.constant 0 : index
      %swap3A_318 = arith.constant 0 : index
      %swap3A_319 = vector.load %arg14[%swap3A_317, %swap3A_318] : memref<1x1xf32, #tpu.memory_space<vmem>>, vector<1x1xf32>
      tpu.vector_store %arg14[%swap3A_317, %swap3A_318], %broadcast_in_dim3A_316 {strides = array<i32>} : memref<1x1xf32, #tpu.memory_space<vmem>>, vector<1x1xf32>,
    } else {
    }
    return
  }
  func.func @transform_0(%arg0: i32) -> (i32, i32) {
    %c0_i32 = arith.constant 0 : i32
    %c0_i32_0 = arith.constant 0 : i32
    return %arg0, %c0_i32 : i32, i32
  }
  func.func @transform_1(%arg0: i32) -> (i32, i32) {
    %c0_i32 = arith.constant 0 : i32
    %c0_i32_0 = arith.constant 0 : i32
    return %arg0, %c0_i32 : i32, i32
  }
  func.func @transform_2(%arg0: i32) -> (i32, i32) {
    %c0_i32 = arith.constant 0 : i32
    %c0_i32_0 = arith.constant 0 : i32
    return %arg0, %c0_i32 : i32, i32
  }
  func.func @transform_3(%arg0: i32) -> (i32, i32) {
    %c0_i32 = arith.constant 0 : i32
    %c0_i32_0 = arith.constant 0 : i32
    return %arg0, %c0_i32 : i32, i32
  }
  func.func @transform_4(%arg0: i32) -> (i32, i32) {
    %c0_i32 = arith.constant 0 : i32
    %c0_i32_0 = arith.constant 0 : i32
    return %arg0, %c0_i32 : i32, i32
  }
  func.func @transform_5(%arg0: i32) -> (i32, i32) {
    %c0_i32 = arith.constant 0 : i32
    %c0_i32_0 = arith.constant 0 : i32
    return %arg0, %c0_i32 : i32, i32
  }
  func.func @transform_6(%arg0: i32) -> (i32, i32) {
    %c0_i32 = arith.constant 0 : i32
    %c0_i32_0 = arith.constant 0 : i32
    %c0_i32_1 = arith.constant 0 : i32
    return %c0_i32, %c0_i32_0 : i32, i32
  }
  func.func @transform_7(%arg0: i32) -> (i32, i32, i32) {
    %c0_i32 = arith.constant 0 : i32
    %c0_i32_0 = arith.constant 0 : i32
    %c0_i32_1 = arith.constant 0 : i32
    %c0_i32_2 = arith.constant 0 : i32
    return %c0_i32, %c0_i32_0, %c0_i32_1 : i32, i32, i32
  }
  func.func @transform_8(%arg0: i32) -> (i32, i32) {
    %c0_i32 = arith.constant 0 : i32
    %c0_i32_0 = arith.constant 0 : i32
    return %arg0, %c0_i32 : i32, i32
  }
  func.func @transform_9(%arg0: i32) -> (i32, i32) {
    %c0_i32 = arith.constant 0 : i32
    %c0_i32_0 = arith.constant 0 : i32
    return %arg0, %c0_i32 : i32, i32
  }
  func.func @transform_10(%arg0: i32) -> (i32, i32) {
    %c0_i32 = arith.constant 0 : i32
    %c0_i32_0 = arith.constant 0 : i32
    return %arg0, %c0_i32 : i32, i32
  }
  func.func @transform_11(%arg0: i32) -> (i32, i32) {
    %c0_i32 = arith.constant 0 : i32
    %c0_i32_0 = arith.constant 0 : i32
    %c0_i32_1 = arith.constant 0 : i32
    return %c0_i32, %c0_i32_0 : i32, i32
  }
  func.func @transform_12(%arg0: i32) -> (i32, i32) {
    %c0_i32 = arith.constant 0 : i32
    %c0_i32_0 = arith.constant 0 : i32
    %c0_i32_1 = arith.constant 0 : i32
    return %c0_i32, %c0_i32_0 : i32, i32
  }
  func.func @transform_13(%arg0: i32) -> (i32, i32) {
    %c0_i32 = arith.constant 0 : i32
    %c0_i32_0 = arith.constant 0 : i32
    %c0_i32_1 = arith.constant 0 : i32
    return %c0_i32, %c0_i32_0 : i32, i32
  }
}

module attributes {stable_mosaic.version = 14 : i64} {
  func.func @_tc_body(%arg0: i32, %arg1: memref<512x128xf32, #tpu.memory_space<vmem>>, %arg2: memref<512x128xf32, #tpu.memory_space<vmem>>, %arg3: memref<512x128xf32, #tpu.memory_space<vmem>>, %arg4: memref<512x128xf32, #tpu.memory_space<vmem>>, %arg5: memref<512x128xf32, #tpu.memory_space<vmem>>, %arg6: memref<512x128xf32, #tpu.memory_space<vmem>>, %arg7: memref<1x512xf32, #tpu.memory_space<vmem>>, %arg8: memref<4x1024x512xf32, #tpu.memory_space<vmem>>, %arg9: memref<512x512xf32, #tpu.memory_space<vmem>>, %arg10: memref<512x512xf32, #tpu.memory_space<vmem>>, %arg11: memref<512x4xi32, #tpu.memory_space<vmem>>, %arg12: memref<1x512xf32, #tpu.memory_space<vmem>>, %arg13: memref<1x512xf32, #tpu.memory_space<vmem>>, %arg14: memref<1x1xf32, #tpu.memory_space<vmem>>, %arg15: memref<1x512xf32, #tpu.memory_space<vmem>>, %arg16: memref<1x512xf32, #tpu.memory_space<vmem>>, %arg17: memref<4xf32, #tpu.memory_space<smem>>) attributes {dimension_semantics = [#tpu.dimension_semantics<arbitrary>], iteration_bounds = array<i64: 20>, scalar_prefetch = 0 : i64, scratch_operands = 3 : i64, tpu.core_type = #tpu.core_type<tc>, window_params = [{transform_indices = @transform_0, window_bounds = array<i64: 512, 128>}, {transform_indices = @transform_1, window_bounds = array<i64: 512, 128>}, {transform_indices = @transform_2, window_bounds = array<i64: 512, 128>}, {transform_indices = @transform_3, window_bounds = array<i64: 512, 128>}, {transform_indices = @transform_4, window_bounds = array<i64: 512, 128>}, {transform_indices = @transform_5, window_bounds = array<i64: 512, 128>}, {pipeline_mode = #tpu.pipeline_mode<synchronous>, transform_indices = @transform_6, window_bounds = array<i64: 1, 512>}, {pipeline_mode = #tpu.pipeline_mode<synchronous>, transform_indices = @transform_7, window_bounds = array<i64: 4, 1024, 512>}, {transform_indices = @transform_8, window_bounds = array<i64: 512, 512>}, {transform_indices = @transform_9, window_bounds = array<i64: 512, 512>}, {transform_indices = @transform_10, window_bounds = array<i64: 512, 4>}, {pipeline_mode = #tpu.pipeline_mode<synchronous>, transform_indices = @transform_11, window_bounds = array<i64: 1, 512>}, {pipeline_mode = #tpu.pipeline_mode<synchronous>, transform_indices = @transform_12, window_bounds = array<i64: 1, 512>}, {pipeline_mode = #tpu.pipeline_mode<synchronous>, transform_indices = @transform_13, window_bounds = array<i64: 1, 1>}]} {
    %eq3A = arith.constant 0 : i32
    %eq3A_0 = arith.cmpi eq, %arg0, %eq3A : i32
    %convert_element_type3A = arith.extui %eq3A_0 : i1 to i32
    %cond3A = arith.constant 0 : i32
    %cond3A_1 = arith.cmpi ne, %convert_element_type3A, %cond3A : i32
    scf.if %cond3A_1 {
      %broadcast_in_dim3A_274 = arith.constant 0.000000e+00 : f32
      %broadcast_in_dim3A_275 = vector.broadcast %broadcast_in_dim3A_274 : f32 to vector<1x512xf32>
      %swap3A_276 = arith.constant 0 : index
      %swap3A_277 = arith.constant 0 : index
      %swap3A_278 = vector.load %arg15[%swap3A_276, %swap3A_277] : memref<1x512xf32, #tpu.memory_space<vmem>>, vector<1x512xf32>
      tpu.vector_store %arg15[%swap3A_276, %swap3A_277], %broadcast_in_dim3A_275 {strides = array<i32>} : memref<1x512xf32, #tpu.memory_space<vmem>>, vector<1x512xf32>,
      %broadcast_in_dim3A_279 = arith.constant 0.000000e+00 : f32
      %broadcast_in_dim3A_280 = vector.broadcast %broadcast_in_dim3A_279 : f32 to vector<1x512xf32>
      %swap3A_281 = arith.constant 0 : index
      %swap3A_282 = arith.constant 0 : index
      %swap3A_283 = vector.load %arg16[%swap3A_281, %swap3A_282] : memref<1x512xf32, #tpu.memory_space<vmem>>, vector<1x512xf32>
      tpu.vector_store %arg16[%swap3A_281, %swap3A_282], %broadcast_in_dim3A_280 {strides = array<i32>} : memref<1x512xf32, #tpu.memory_space<vmem>>, vector<1x512xf32>,
      %swap3A_284 = arith.constant 0.000000e+00 : f32
      %swap3A_285 = arith.constant 0 : index
      %swap3A_286 = memref.load %arg17[%swap3A_285] : memref<4xf32, #tpu.memory_space<smem>>
      memref.store %swap3A_284, %arg17[%swap3A_285] : memref<4xf32, #tpu.memory_space<smem>>
      %swap3A_287 = arith.constant 0.000000e+00 : f32
      %swap3A_288 = arith.constant 1 : index
      %swap3A_289 = memref.load %arg17[%swap3A_288] : memref<4xf32, #tpu.memory_space<smem>>
      memref.store %swap3A_287, %arg17[%swap3A_288] : memref<4xf32, #tpu.memory_space<smem>>
      %swap3A_290 = arith.constant 0.000000e+00 : f32
      %swap3A_291 = arith.constant 2 : index
      %swap3A_292 = memref.load %arg17[%swap3A_291] : memref<4xf32, #tpu.memory_space<smem>>
      memref.store %swap3A_290, %arg17[%swap3A_291] : memref<4xf32, #tpu.memory_space<smem>>
      %swap3A_293 = arith.constant 0.000000e+00 : f32
      %swap3A_294 = arith.constant 3 : index
      %swap3A_295 = memref.load %arg17[%swap3A_294] : memref<4xf32, #tpu.memory_space<smem>>
      memref.store %swap3A_293, %arg17[%swap3A_294] : memref<4xf32, #tpu.memory_space<smem>>
    } else {
    }
    %get3A = arith.constant 0 : index
    %get3A_2 = arith.constant 0 : index
    %get3A_3 = vector.load %arg1[%get3A, %get3A_2] : memref<512x128xf32, #tpu.memory_space<vmem>>, vector<512x128xf32>
    %get3A_4 = arith.constant 0 : index
    %get3A_5 = arith.constant 0 : index
    %get3A_6 = vector.load %arg2[%get3A_4, %get3A_5] : memref<512x128xf32, #tpu.memory_space<vmem>>, vector<512x128xf32>
    %get3A_7 = arith.constant 0 : index
    %get3A_8 = arith.constant 0 : index
    %get3A_9 = vector.load %arg3[%get3A_7, %get3A_8] : memref<512x128xf32, #tpu.memory_space<vmem>>, vector<512x128xf32>
    %get3A_10 = arith.constant 0 : index
    %get3A_11 = arith.constant 0 : index
    %get3A_12 = vector.load %arg4[%get3A_10, %get3A_11] : memref<512x128xf32, #tpu.memory_space<vmem>>, vector<512x128xf32>
    %concatenate3A = tpu.concatenate %get3A_3, %get3A_6, %get3A_9, %get3A_12 in 1 : vector<512x128xf32>, vector<512x128xf32>, vector<512x128xf32>, vector<512x128xf32> -> vector<512x512xf32>
    %get3A_13 = arith.constant 0 : index
    %get3A_14 = arith.constant 0 : index
    %get3A_15 = vector.load %arg5[%get3A_13, %get3A_14] : memref<512x128xf32, #tpu.memory_space<vmem>>, vector<512x1xf32>
    %get3A_16 = arith.constant 0 : index
    %get3A_17 = arith.constant 0 : index
    %get3A_18 = vector.load %arg6[%get3A_16, %get3A_17] : memref<512x128xf32, #tpu.memory_space<vmem>>, vector<512x1xf32>
    %add3A = arith.addf %get3A_15, %get3A_18 : vector<512x1xf32>
    %max3A = arith.constant 1.000000e+00 : f32
    %max3A_19 = vector.broadcast %max3A : f32 to vector<512x1xf32>
    %max3A_20 = arith.maximumf %add3A, %max3A_19 : vector<512x1xf32>
    %div3A = vector.broadcast %max3A_20 : vector<512x1xf32> to vector<512x512xf32>
    %div3A_21 = arith.divf %concatenate3A, %div3A : vector<512x512xf32>
    %get3A_22 = arith.constant 0 : index
    %get3A_23 = arith.constant 0 : index
    %get3A_24 = vector.load %arg7[%get3A_22, %get3A_23] : memref<1x512xf32, #tpu.memory_space<vmem>>, vector<1x512xf32>
    %add3A_25 = vector.broadcast %get3A_24 : vector<1x512xf32> to vector<512x512xf32>
    %add3A_26 = arith.addf %div3A_21, %add3A_25 : vector<512x512xf32>
    %max3A_27 = arith.constant 0.000000e+00 : f32
    %max3A_28 = vector.broadcast %max3A_27 : f32 to vector<512x512xf32>
    %max3A_29 = arith.maximumf %add3A_26, %max3A_28 : vector<512x512xf32>
    %swap3A = arith.constant 0 : index
    %swap3A_30 = arith.constant 0 : index
    %swap3A_31 = vector.load %arg9[%swap3A, %swap3A_30] : memref<512x512xf32, #tpu.memory_space<vmem>>, vector<512x512xf32>
    tpu.vector_store %arg9[%swap3A, %swap3A_30], %max3A_29 {strides = array<i32>} : memref<512x512xf32, #tpu.memory_space<vmem>>, vector<512x512xf32>,
    %mul3A = arith.constant 512 : i32
    %mul3A_32 = arith.muli %arg0, %mul3A : i32
    %iota3A = tpu.iota {dimensions = array<i32: 0>} : vector<512x1xi32>
    %add3A_33 = vector.broadcast %mul3A_32 : i32 to vector<512x1xi32>
    %add3A_34 = arith.addi %add3A_33, %iota3A : vector<512x1xi32>
    %lt3A = arith.constant 10000 : i32
    %lt3A_35 = vector.broadcast %lt3A : i32 to vector<512x1xi32>
    %lt3A_36 = arith.cmpi slt, %add3A_34, %lt3A_35 : vector<512x1xi32>
    %convert_element_type3A_37 = arith.extui %lt3A_36 : vector<512x1xi1> to vector<512x1xi32>
    %convert_element_type3A_38 = arith.sitofp %convert_element_type3A_37 : vector<512x1xi32> to vector<512x1xf32>
    %broadcast_in_dim3A = arith.constant 0.000000e+00 : f32
    %broadcast_in_dim3A_39 = vector.broadcast %broadcast_in_dim3A : f32 to vector<512x512xf32>
    %get3A_40 = arith.constant 0 : index
    %get3A_41 = arith.constant 0 : index
    %get3A_42 = arith.constant 0 : index
    %get3A_43 = vector.load %arg8[%get3A_40, %get3A_41, %get3A_42] : memref<4x1024x512xf32, #tpu.memory_space<vmem>>, vector<1x1024x512xf32>
    %get3A_44 = vector.shape_cast %get3A_43 : vector<1x1024x512xf32> to vector<1024x512xf32>
    %mul3A_45 = arith.mulf %max3A_29, %max3A_29 : vector<512x512xf32>
    %reduce_sum3A = arith.constant dense<0.000000e+00> : vector<512xf32>
    %reduce_sum3A_46 = vector.multi_reduction <add>, %mul3A_45, %reduce_sum3A [1] : vector<512x512xf32> to vector<512xf32>
    %broadcast_in_dim3A_47 = vector.shape_cast %reduce_sum3A_46 : vector<512xf32> to vector<512x1xf32>
    %sqrt3A = math.sqrt %broadcast_in_dim3A_47 : vector<512x1xf32>
    %add3A_48 = arith.constant 9.99999993E-9 : f32
    %add3A_49 = vector.broadcast %add3A_48 : f32 to vector<512x1xf32>
    %add3A_50 = arith.addf %sqrt3A, %add3A_49 : vector<512x1xf32>
    %div3A_51 = vector.broadcast %add3A_50 : vector<512x1xf32> to vector<512x512xf32>
    %div3A_52 = arith.divf %max3A_29, %div3A_51 : vector<512x512xf32>
    %dot_general3A = arith.constant dense<0.000000e+00> : vector<512x1024xf32>
    %dot_general3A_53 = tpu.matmul %div3A_52, %get3A_44, %dot_general3A {dimension_numbers = #tpu.dot_dimension_numbers<[1], [1], [0], [0], [0, 0, 1, 0], [], []>, transpose_lhs_hint = false} : vector<512x512xf32>, vector<1024x512xf32>, vector<512x1024xf32> -> vector<512x1024xf32>
    %reduce_max3A = arith.constant dense<0xFF800000> : vector<512xf32>
    %reduce_max3A_54 = vector.multi_reduction <maximumf>, %dot_general3A_53, %reduce_max3A [1] : vector<512x1024xf32> to vector<512xf32>
    %broadcast_in_dim3A_55 = vector.shape_cast %reduce_max3A_54 : vector<512xf32> to vector<512x1xf32>
    %iota3A_56 = tpu.iota {dimensions = array<i32: 1>} : vector<512x1024xi32>
    %ge3A = vector.broadcast %broadcast_in_dim3A_55 : vector<512x1xf32> to vector<512x1024xf32>
    %ge3A_57 = arith.cmpf oge, %dot_general3A_53, %ge3A : vector<512x1024xf32>
    %jit3A = arith.constant 1024 : i32
    %broadcast_in_dim3A_58 = vector.broadcast %jit3A : i32 to vector<512x1024xi32>
    %select_n3A = arith.select %ge3A_57, %iota3A_56, %broadcast_in_dim3A_58 : vector<512x1024xi1>, vector<512x1024xi32>
    %reduce_min3A = arith.constant dense<2147483647> : vector<512xi32>
    %reduce_min3A_59 = vector.multi_reduction <minsi>, %select_n3A, %reduce_min3A [1] : vector<512x1024xi32> to vector<512xi32>
    %broadcast_in_dim3A_60 = vector.shape_cast %reduce_min3A_59 : vector<512xi32> to vector<512x1xi32>
    %eq3A_61 = vector.broadcast %broadcast_in_dim3A_60 : vector<512x1xi32> to vector<512x1024xi32>
    %eq3A_62 = arith.cmpi eq, %iota3A_56, %eq3A_61 : vector<512x1024xi32>
    %convert_element_type3A_63 = arith.extui %eq3A_62 : vector<512x1024xi1> to vector<512x1024xi32>
    %convert_element_type3A_64 = arith.sitofp %convert_element_type3A_63 : vector<512x1024xi32> to vector<512x1024xf32>
    %dot_general3A_65 = arith.constant dense<0.000000e+00> : vector<512x512xf32>
    %dot_general3A_66 = tpu.matmul %convert_element_type3A_64, %get3A_44, %dot_general3A_65 {dimension_numbers = #tpu.dot_dimension_numbers<[1], [0], [0], [1], [0, 0, 1, 1], [], []>, precision = #tpu.contract_precision<fp32>, transpose_lhs_hint = false} : vector<512x1024xf32>, vector<1024x512xf32>, vector<512x512xf32> -> vector<512x512xf32>
    %sub3A = arith.subf %dot_general3A_66, %max3A_29 : vector<512x512xf32>
    %get3A_67 = arith.constant 0 : index
    %get3A_68 = memref.load %arg17[%get3A_67] : memref<4xf32, #tpu.memory_space<smem>>
    %mul3A_69 = arith.mulf %sub3A, %sub3A : vector<512x512xf32>
    %mul3A_70 = vector.broadcast %convert_element_type3A_38 : vector<512x1xf32> to vector<512x512xf32>
    %mul3A_71 = arith.mulf %mul3A_69, %mul3A_70 : vector<512x512xf32>
    %reduce_sum3A_72 = vector.shape_cast %mul3A_71 : vector<512x512xf32> to vector<1x512x512xf32>
    %reduce_sum3A_73 = arith.constant dense<0.000000e+00> : vector<1xf32>
    %reduce_sum3A_74 = vector.multi_reduction <add>, %reduce_sum3A_72, %reduce_sum3A_73 [1, 2] : vector<1x512x512xf32> to vector<1xf32>
    %reduce_sum3A_75 = vector.shape_cast %reduce_sum3A_74 : vector<1xf32> to vector<1x1x1xf32>
    %reduce_sum3A_76 = vector.extract %reduce_sum3A_75[0, 0, 0] : f32 from vector<1x1x1xf32>
    %add3A_77 = arith.addf %get3A_68, %reduce_sum3A_76 : f32
    %swap3A_78 = arith.constant 0 : index
    %swap3A_79 = memref.load %arg17[%swap3A_78] : memref<4xf32, #tpu.memory_space<smem>>
    memref.store %add3A_77, %arg17[%swap3A_78] : memref<4xf32, #tpu.memory_space<smem>>
    %broadcast_in_dim3A_80 = vector.shape_cast %reduce_min3A_59 : vector<512xi32> to vector<512x1xi32>
    %sub3A_81 = arith.subf %max3A_29, %dot_general3A_66 : vector<512x512xf32>
    %add3A_82 = arith.addf %broadcast_in_dim3A_39, %dot_general3A_66 : vector<512x512xf32>
    %get3A_83 = arith.constant 1 : index
    %get3A_84 = arith.constant 0 : index
    %get3A_85 = arith.constant 0 : index
    %get3A_86 = vector.load %arg8[%get3A_83, %get3A_84, %get3A_85] : memref<4x1024x512xf32, #tpu.memory_space<vmem>>, vector<1x1024x512xf32>
    %get3A_87 = vector.shape_cast %get3A_86 : vector<1x1024x512xf32> to vector<1024x512xf32>
    %mul3A_88 = arith.mulf %sub3A_81, %sub3A_81 : vector<512x512xf32>
    %reduce_sum3A_89 = arith.constant dense<0.000000e+00> : vector<512xf32>
    %reduce_sum3A_90 = vector.multi_reduction <add>, %mul3A_88, %reduce_sum3A_89 [1] : vector<512x512xf32> to vector<512xf32>
    %broadcast_in_dim3A_91 = vector.shape_cast %reduce_sum3A_90 : vector<512xf32> to vector<512x1xf32>
    %sqrt3A_92 = math.sqrt %broadcast_in_dim3A_91 : vector<512x1xf32>
    %add3A_93 = arith.constant 9.99999993E-9 : f32
    %add3A_94 = vector.broadcast %add3A_93 : f32 to vector<512x1xf32>
    %add3A_95 = arith.addf %sqrt3A_92, %add3A_94 : vector<512x1xf32>
    %div3A_96 = vector.broadcast %add3A_95 : vector<512x1xf32> to vector<512x512xf32>
    %div3A_97 = arith.divf %sub3A_81, %div3A_96 : vector<512x512xf32>
    %dot_general3A_98 = arith.constant dense<0.000000e+00> : vector<512x1024xf32>
    %dot_general3A_99 = tpu.matmul %div3A_97, %get3A_87, %dot_general3A_98 {dimension_numbers = #tpu.dot_dimension_numbers<[1], [1], [0], [0], [0, 0, 1, 0], [], []>, transpose_lhs_hint = false} : vector<512x512xf32>, vector<1024x512xf32>, vector<512x1024xf32> -> vector<512x1024xf32>
    %reduce_max3A_100 = arith.constant dense<0xFF800000> : vector<512xf32>
    %reduce_max3A_101 = vector.multi_reduction <maximumf>, %dot_general3A_99, %reduce_max3A_100 [1] : vector<512x1024xf32> to vector<512xf32>
    %broadcast_in_dim3A_102 = vector.shape_cast %reduce_max3A_101 : vector<512xf32> to vector<512x1xf32>
    %iota3A_103 = tpu.iota {dimensions = array<i32: 1>} : vector<512x1024xi32>
    %ge3A_104 = vector.broadcast %broadcast_in_dim3A_102 : vector<512x1xf32> to vector<512x1024xf32>
    %ge3A_105 = arith.cmpf oge, %dot_general3A_99, %ge3A_104 : vector<512x1024xf32>
    %jit3A_106 = arith.constant 1024 : i32
    %broadcast_in_dim3A_107 = vector.broadcast %jit3A_106 : i32 to vector<512x1024xi32>
    %select_n3A_108 = arith.select %ge3A_105, %iota3A_103, %broadcast_in_dim3A_107 : vector<512x1024xi1>, vector<512x1024xi32>
    %reduce_min3A_109 = arith.constant dense<2147483647> : vector<512xi32>
    %reduce_min3A_110 = vector.multi_reduction <minsi>, %select_n3A_108, %reduce_min3A_109 [1] : vector<512x1024xi32> to vector<512xi32>
    %broadcast_in_dim3A_111 = vector.shape_cast %reduce_min3A_110 : vector<512xi32> to vector<512x1xi32>
    %eq3A_112 = vector.broadcast %broadcast_in_dim3A_111 : vector<512x1xi32> to vector<512x1024xi32>
    %eq3A_113 = arith.cmpi eq, %iota3A_103, %eq3A_112 : vector<512x1024xi32>
    %convert_element_type3A_114 = arith.extui %eq3A_113 : vector<512x1024xi1> to vector<512x1024xi32>
    %convert_element_type3A_115 = arith.sitofp %convert_element_type3A_114 : vector<512x1024xi32> to vector<512x1024xf32>
    %dot_general3A_116 = arith.constant dense<0.000000e+00> : vector<512x512xf32>
    %dot_general3A_117 = tpu.matmul %convert_element_type3A_115, %get3A_87, %dot_general3A_116 {dimension_numbers = #tpu.dot_dimension_numbers<[1], [0], [0], [1], [0, 0, 1, 1], [], []>, precision = #tpu.contract_precision<fp32>, transpose_lhs_hint = false} : vector<512x1024xf32>, vector<1024x512xf32>, vector<512x512xf32> -> vector<512x512xf32>
    %sub3A_118 = arith.subf %dot_general3A_117, %sub3A_81 : vector<512x512xf32>
    %get3A_119 = arith.constant 1 : index
    %get3A_120 = memref.load %arg17[%get3A_119] : memref<4xf32, #tpu.memory_space<smem>>
    %mul3A_121 = arith.mulf %sub3A_118, %sub3A_118 : vector<512x512xf32>
    %mul3A_122 = vector.broadcast %convert_element_type3A_38 : vector<512x1xf32> to vector<512x512xf32>
    %mul3A_123 = arith.mulf %mul3A_121, %mul3A_122 : vector<512x512xf32>
    %reduce_sum3A_124 = vector.shape_cast %mul3A_123 : vector<512x512xf32> to vector<1x512x512xf32>
    %reduce_sum3A_125 = arith.constant dense<0.000000e+00> : vector<1xf32>
    %reduce_sum3A_126 = vector.multi_reduction <add>, %reduce_sum3A_124, %reduce_sum3A_125 [1, 2] : vector<1x512x512xf32> to vector<1xf32>
    %reduce_sum3A_127 = vector.shape_cast %reduce_sum3A_126 : vector<1xf32> to vector<1x1x1xf32>
    %reduce_sum3A_128 = vector.extract %reduce_sum3A_127[0, 0, 0] : f32 from vector<1x1x1xf32>
    %add3A_129 = arith.addf %get3A_120, %reduce_sum3A_128 : f32
    %swap3A_130 = arith.constant 1 : index
    %swap3A_131 = memref.load %arg17[%swap3A_130] : memref<4xf32, #tpu.memory_space<smem>>
    memref.store %add3A_129, %arg17[%swap3A_130] : memref<4xf32, #tpu.memory_space<smem>>
    %broadcast_in_dim3A_132 = vector.shape_cast %reduce_min3A_110 : vector<512xi32> to vector<512x1xi32>
    %sub3A_133 = arith.subf %sub3A_81, %dot_general3A_117 : vector<512x512xf32>
    %add3A_134 = arith.addf %add3A_82, %dot_general3A_117 : vector<512x512xf32>
    %get3A_135 = arith.constant 2 : index
    %get3A_136 = arith.constant 0 : index
    %get3A_137 = arith.constant 0 : index
    %get3A_138 = vector.load %arg8[%get3A_135, %get3A_136, %get3A_137] : memref<4x1024x512xf32, #tpu.memory_space<vmem>>, vector<1x1024x512xf32>
    %get3A_139 = vector.shape_cast %get3A_138 : vector<1x1024x512xf32> to vector<1024x512xf32>
    %mul3A_140 = arith.mulf %sub3A_133, %sub3A_133 : vector<512x512xf32>
    %reduce_sum3A_141 = arith.constant dense<0.000000e+00> : vector<512xf32>
    %reduce_sum3A_142 = vector.multi_reduction <add>, %mul3A_140, %reduce_sum3A_141 [1] : vector<512x512xf32> to vector<512xf32>
    %broadcast_in_dim3A_143 = vector.shape_cast %reduce_sum3A_142 : vector<512xf32> to vector<512x1xf32>
    %sqrt3A_144 = math.sqrt %broadcast_in_dim3A_143 : vector<512x1xf32>
    %add3A_145 = arith.constant 9.99999993E-9 : f32
    %add3A_146 = vector.broadcast %add3A_145 : f32 to vector<512x1xf32>
    %add3A_147 = arith.addf %sqrt3A_144, %add3A_146 : vector<512x1xf32>
    %div3A_148 = vector.broadcast %add3A_147 : vector<512x1xf32> to vector<512x512xf32>
    %div3A_149 = arith.divf %sub3A_133, %div3A_148 : vector<512x512xf32>
    %dot_general3A_150 = arith.constant dense<0.000000e+00> : vector<512x1024xf32>
    %dot_general3A_151 = tpu.matmul %div3A_149, %get3A_139, %dot_general3A_150 {dimension_numbers = #tpu.dot_dimension_numbers<[1], [1], [0], [0], [0, 0, 1, 0], [], []>, transpose_lhs_hint = false} : vector<512x512xf32>, vector<1024x512xf32>, vector<512x1024xf32> -> vector<512x1024xf32>
    %reduce_max3A_152 = arith.constant dense<0xFF800000> : vector<512xf32>
    %reduce_max3A_153 = vector.multi_reduction <maximumf>, %dot_general3A_151, %reduce_max3A_152 [1] : vector<512x1024xf32> to vector<512xf32>
    %broadcast_in_dim3A_154 = vector.shape_cast %reduce_max3A_153 : vector<512xf32> to vector<512x1xf32>
    %iota3A_155 = tpu.iota {dimensions = array<i32: 1>} : vector<512x1024xi32>
    %ge3A_156 = vector.broadcast %broadcast_in_dim3A_154 : vector<512x1xf32> to vector<512x1024xf32>
    %ge3A_157 = arith.cmpf oge, %dot_general3A_151, %ge3A_156 : vector<512x1024xf32>
    %jit3A_158 = arith.constant 1024 : i32
    %broadcast_in_dim3A_159 = vector.broadcast %jit3A_158 : i32 to vector<512x1024xi32>
    %select_n3A_160 = arith.select %ge3A_157, %iota3A_155, %broadcast_in_dim3A_159 : vector<512x1024xi1>, vector<512x1024xi32>
    %reduce_min3A_161 = arith.constant dense<2147483647> : vector<512xi32>
    %reduce_min3A_162 = vector.multi_reduction <minsi>, %select_n3A_160, %reduce_min3A_161 [1] : vector<512x1024xi32> to vector<512xi32>
    %broadcast_in_dim3A_163 = vector.shape_cast %reduce_min3A_162 : vector<512xi32> to vector<512x1xi32>
    %eq3A_164 = vector.broadcast %broadcast_in_dim3A_163 : vector<512x1xi32> to vector<512x1024xi32>
    %eq3A_165 = arith.cmpi eq, %iota3A_155, %eq3A_164 : vector<512x1024xi32>
    %convert_element_type3A_166 = arith.extui %eq3A_165 : vector<512x1024xi1> to vector<512x1024xi32>
    %convert_element_type3A_167 = arith.sitofp %convert_element_type3A_166 : vector<512x1024xi32> to vector<512x1024xf32>
    %dot_general3A_168 = arith.constant dense<0.000000e+00> : vector<512x512xf32>
    %dot_general3A_169 = tpu.matmul %convert_element_type3A_167, %get3A_139, %dot_general3A_168 {dimension_numbers = #tpu.dot_dimension_numbers<[1], [0], [0], [1], [0, 0, 1, 1], [], []>, precision = #tpu.contract_precision<fp32>, transpose_lhs_hint = false} : vector<512x1024xf32>, vector<1024x512xf32>, vector<512x512xf32> -> vector<512x512xf32>
    %sub3A_170 = arith.subf %dot_general3A_169, %sub3A_133 : vector<512x512xf32>
    %get3A_171 = arith.constant 2 : index
    %get3A_172 = memref.load %arg17[%get3A_171] : memref<4xf32, #tpu.memory_space<smem>>
    %mul3A_173 = arith.mulf %sub3A_170, %sub3A_170 : vector<512x512xf32>
    %mul3A_174 = vector.broadcast %convert_element_type3A_38 : vector<512x1xf32> to vector<512x512xf32>
    %mul3A_175 = arith.mulf %mul3A_173, %mul3A_174 : vector<512x512xf32>
    %reduce_sum3A_176 = vector.shape_cast %mul3A_175 : vector<512x512xf32> to vector<1x512x512xf32>
    %reduce_sum3A_177 = arith.constant dense<0.000000e+00> : vector<1xf32>
    %reduce_sum3A_178 = vector.multi_reduction <add>, %reduce_sum3A_176, %reduce_sum3A_177 [1, 2] : vector<1x512x512xf32> to vector<1xf32>
    %reduce_sum3A_179 = vector.shape_cast %reduce_sum3A_178 : vector<1xf32> to vector<1x1x1xf32>
    %reduce_sum3A_180 = vector.extract %reduce_sum3A_179[0, 0, 0] : f32 from vector<1x1x1xf32>
    %add3A_181 = arith.addf %get3A_172, %reduce_sum3A_180 : f32
    %swap3A_182 = arith.constant 2 : index
    %swap3A_183 = memref.load %arg17[%swap3A_182] : memref<4xf32, #tpu.memory_space<smem>>
    memref.store %add3A_181, %arg17[%swap3A_182] : memref<4xf32, #tpu.memory_space<smem>>
    %broadcast_in_dim3A_184 = vector.shape_cast %reduce_min3A_162 : vector<512xi32> to vector<512x1xi32>
    %sub3A_185 = arith.subf %sub3A_133, %dot_general3A_169 : vector<512x512xf32>
    %add3A_186 = arith.addf %add3A_134, %dot_general3A_169 : vector<512x512xf32>
    %get3A_187 = arith.constant 3 : index
    %get3A_188 = arith.constant 0 : index
    %get3A_189 = arith.constant 0 : index
    %get3A_190 = vector.load %arg8[%get3A_187, %get3A_188, %get3A_189] : memref<4x1024x512xf32, #tpu.memory_space<vmem>>, vector<1x1024x512xf32>
    %get3A_191 = vector.shape_cast %get3A_190 : vector<1x1024x512xf32> to vector<1024x512xf32>
    %mul3A_192 = arith.mulf %sub3A_185, %sub3A_185 : vector<512x512xf32>
    %reduce_sum3A_193 = arith.constant dense<0.000000e+00> : vector<512xf32>
    %reduce_sum3A_194 = vector.multi_reduction <add>, %mul3A_192, %reduce_sum3A_193 [1] : vector<512x512xf32> to vector<512xf32>
    %broadcast_in_dim3A_195 = vector.shape_cast %reduce_sum3A_194 : vector<512xf32> to vector<512x1xf32>
    %sqrt3A_196 = math.sqrt %broadcast_in_dim3A_195 : vector<512x1xf32>
    %add3A_197 = arith.constant 9.99999993E-9 : f32
    %add3A_198 = vector.broadcast %add3A_197 : f32 to vector<512x1xf32>
    %add3A_199 = arith.addf %sqrt3A_196, %add3A_198 : vector<512x1xf32>
    %div3A_200 = vector.broadcast %add3A_199 : vector<512x1xf32> to vector<512x512xf32>
    %div3A_201 = arith.divf %sub3A_185, %div3A_200 : vector<512x512xf32>
    %dot_general3A_202 = arith.constant dense<0.000000e+00> : vector<512x1024xf32>
    %dot_general3A_203 = tpu.matmul %div3A_201, %get3A_191, %dot_general3A_202 {dimension_numbers = #tpu.dot_dimension_numbers<[1], [1], [0], [0], [0, 0, 1, 0], [], []>, transpose_lhs_hint = false} : vector<512x512xf32>, vector<1024x512xf32>, vector<512x1024xf32> -> vector<512x1024xf32>
    %reduce_max3A_204 = arith.constant dense<0xFF800000> : vector<512xf32>
    %reduce_max3A_205 = vector.multi_reduction <maximumf>, %dot_general3A_203, %reduce_max3A_204 [1] : vector<512x1024xf32> to vector<512xf32>
    %broadcast_in_dim3A_206 = vector.shape_cast %reduce_max3A_205 : vector<512xf32> to vector<512x1xf32>
    %iota3A_207 = tpu.iota {dimensions = array<i32: 1>} : vector<512x1024xi32>
    %ge3A_208 = vector.broadcast %broadcast_in_dim3A_206 : vector<512x1xf32> to vector<512x1024xf32>
    %ge3A_209 = arith.cmpf oge, %dot_general3A_203, %ge3A_208 : vector<512x1024xf32>
    %jit3A_210 = arith.constant 1024 : i32
    %broadcast_in_dim3A_211 = vector.broadcast %jit3A_210 : i32 to vector<512x1024xi32>
    %select_n3A_212 = arith.select %ge3A_209, %iota3A_207, %broadcast_in_dim3A_211 : vector<512x1024xi1>, vector<512x1024xi32>
    %reduce_min3A_213 = arith.constant dense<2147483647> : vector<512xi32>
    %reduce_min3A_214 = vector.multi_reduction <minsi>, %select_n3A_212, %reduce_min3A_213 [1] : vector<512x1024xi32> to vector<512xi32>
    %broadcast_in_dim3A_215 = vector.shape_cast %reduce_min3A_214 : vector<512xi32> to vector<512x1xi32>
    %eq3A_216 = vector.broadcast %broadcast_in_dim3A_215 : vector<512x1xi32> to vector<512x1024xi32>
    %eq3A_217 = arith.cmpi eq, %iota3A_207, %eq3A_216 : vector<512x1024xi32>
    %convert_element_type3A_218 = arith.extui %eq3A_217 : vector<512x1024xi1> to vector<512x1024xi32>
    %convert_element_type3A_219 = arith.sitofp %convert_element_type3A_218 : vector<512x1024xi32> to vector<512x1024xf32>
    %dot_general3A_220 = arith.constant dense<0.000000e+00> : vector<512x512xf32>
    %dot_general3A_221 = tpu.matmul %convert_element_type3A_219, %get3A_191, %dot_general3A_220 {dimension_numbers = #tpu.dot_dimension_numbers<[1], [0], [0], [1], [0, 0, 1, 1], [], []>, precision = #tpu.contract_precision<fp32>, transpose_lhs_hint = false} : vector<512x1024xf32>, vector<1024x512xf32>, vector<512x512xf32> -> vector<512x512xf32>
    %sub3A_222 = arith.subf %dot_general3A_221, %sub3A_185 : vector<512x512xf32>
    %get3A_223 = arith.constant 3 : index
    %get3A_224 = memref.load %arg17[%get3A_223] : memref<4xf32, #tpu.memory_space<smem>>
    %mul3A_225 = arith.mulf %sub3A_222, %sub3A_222 : vector<512x512xf32>
    %mul3A_226 = vector.broadcast %convert_element_type3A_38 : vector<512x1xf32> to vector<512x512xf32>
    %mul3A_227 = arith.mulf %mul3A_225, %mul3A_226 : vector<512x512xf32>
    %reduce_sum3A_228 = vector.shape_cast %mul3A_227 : vector<512x512xf32> to vector<1x512x512xf32>
    %reduce_sum3A_229 = arith.constant dense<0.000000e+00> : vector<1xf32>
    %reduce_sum3A_230 = vector.multi_reduction <add>, %reduce_sum3A_228, %reduce_sum3A_229 [1, 2] : vector<1x512x512xf32> to vector<1xf32>
    %reduce_sum3A_231 = vector.shape_cast %reduce_sum3A_230 : vector<1xf32> to vector<1x1x1xf32>
    %reduce_sum3A_232 = vector.extract %reduce_sum3A_231[0, 0, 0] : f32 from vector<1x1x1xf32>
    %add3A_233 = arith.addf %get3A_224, %reduce_sum3A_232 : f32
    %swap3A_234 = arith.constant 3 : index
    %swap3A_235 = memref.load %arg17[%swap3A_234] : memref<4xf32, #tpu.memory_space<smem>>
    memref.store %add3A_233, %arg17[%swap3A_234] : memref<4xf32, #tpu.memory_space<smem>>
    %broadcast_in_dim3A_236 = vector.shape_cast %reduce_min3A_214 : vector<512xi32> to vector<512x1xi32>
    %add3A_237 = arith.addf %add3A_186, %dot_general3A_221 : vector<512x512xf32>
    %swap3A_238 = arith.constant 0 : index
    %swap3A_239 = arith.constant 0 : index
    %swap3A_240 = vector.load %arg10[%swap3A_238, %swap3A_239] : memref<512x512xf32, #tpu.memory_space<vmem>>, vector<512x512xf32>
    tpu.vector_store %arg10[%swap3A_238, %swap3A_239], %add3A_237 {strides = array<i32>} : memref<512x512xf32, #tpu.memory_space<vmem>>, vector<512x512xf32>,
    %concatenate3A_241 = tpu.concatenate %broadcast_in_dim3A_80, %broadcast_in_dim3A_132, %broadcast_in_dim3A_184, %broadcast_in_dim3A_236 in 1 : vector<512x1xi32>, vector<512x1xi32>, vector<512x1xi32>, vector<512x1xi32> -> vector<512x4xi32>
    %swap3A_242 = arith.constant 0 : index
    %swap3A_243 = arith.constant 0 : index
    %swap3A_244 = vector.load %arg11[%swap3A_242, %swap3A_243] : memref<512x4xi32, #tpu.memory_space<vmem>>, vector<512x4xi32>
    tpu.vector_store %arg11[%swap3A_242, %swap3A_243], %concatenate3A_241 {strides = array<i32>} : memref<512x4xi32, #tpu.memory_space<vmem>>, vector<512x4xi32>,
    %get3A_245 = arith.constant 0 : index
    %get3A_246 = arith.constant 0 : index
    %get3A_247 = vector.load %arg15[%get3A_245, %get3A_246] : memref<1x512xf32, #tpu.memory_space<vmem>>, vector<1x512xf32>
    %mul3A_248 = vector.broadcast %convert_element_type3A_38 : vector<512x1xf32> to vector<512x512xf32>
    %mul3A_249 = arith.mulf %max3A_29, %mul3A_248 : vector<512x512xf32>
    %reduce_sum3A_250 = arith.constant dense<0.000000e+00> : vector<512xf32>
    %reduce_sum3A_251 = vector.multi_reduction <add>, %mul3A_249, %reduce_sum3A_250 [0] : vector<512x512xf32> to vector<512xf32>
    %broadcast_in_dim3A_252 = vector.shape_cast %reduce_sum3A_251 : vector<512xf32> to vector<1x512xf32>
    %add3A_253 = arith.addf %get3A_247, %broadcast_in_dim3A_252 : vector<1x512xf32>
    %swap3A_254 = arith.constant 0 : index
    %swap3A_255 = arith.constant 0 : index
    %swap3A_256 = vector.load %arg15[%swap3A_254, %swap3A_255] : memref<1x512xf32, #tpu.memory_space<vmem>>, vector<1x512xf32>
    tpu.vector_store %arg15[%swap3A_254, %swap3A_255], %add3A_253 {strides = array<i32>} : memref<1x512xf32, #tpu.memory_space<vmem>>, vector<1x512xf32>,
    %get3A_257 = arith.constant 0 : index
    %get3A_258 = arith.constant 0 : index
    %get3A_259 = vector.load %arg16[%get3A_257, %get3A_258] : memref<1x512xf32, #tpu.memory_space<vmem>>, vector<1x512xf32>
    %mul3A_260 = vector.broadcast %convert_element_type3A_38 : vector<512x1xf32> to vector<512x512xf32>
    %mul3A_261 = arith.mulf %add3A_237, %mul3A_260 : vector<512x512xf32>
    %reduce_sum3A_262 = arith.constant dense<0.000000e+00> : vector<512xf32>
    %reduce_sum3A_263 = vector.multi_reduction <add>, %mul3A_261, %reduce_sum3A_262 [0] : vector<512x512xf32> to vector<512xf32>
    %broadcast_in_dim3A_264 = vector.shape_cast %reduce_sum3A_263 : vector<512xf32> to vector<1x512xf32>
    %add3A_265 = arith.addf %get3A_259, %broadcast_in_dim3A_264 : vector<1x512xf32>
    %swap3A_266 = arith.constant 0 : index
    %swap3A_267 = arith.constant 0 : index
    %swap3A_268 = vector.load %arg16[%swap3A_266, %swap3A_267] : memref<1x512xf32, #tpu.memory_space<vmem>>, vector<1x512xf32>
    tpu.vector_store %arg16[%swap3A_266, %swap3A_267], %add3A_265 {strides = array<i32>} : memref<1x512xf32, #tpu.memory_space<vmem>>, vector<1x512xf32>,
    %eq3A_269 = arith.constant 19 : i32
    %eq3A_270 = arith.cmpi eq, %arg0, %eq3A_269 : i32
    %convert_element_type3A_271 = arith.extui %eq3A_270 : i1 to i32
    %cond3A_272 = arith.constant 0 : i32
    %cond3A_273 = arith.cmpi ne, %convert_element_type3A_271, %cond3A_272 : i32
    scf.if %cond3A_273 {
      %get3A_274 = arith.constant 0 : index
      %get3A_275 = arith.constant 0 : index
      %get3A_276 = vector.load %arg15[%get3A_274, %get3A_275] : memref<1x512xf32, #tpu.memory_space<vmem>>, vector<1x512xf32>
      %div3A_277 = arith.constant 1.000000e+04 : f32
      %div3A_278 = vector.broadcast %div3A_277 : f32 to vector<1x512xf32>
      %div3A_279 = arith.divf %get3A_276, %div3A_278 : vector<1x512xf32>
      %logistic3A = arith.negf %div3A_279 : vector<1x512xf32>
      %logistic3A_280 = math.exp %logistic3A : vector<1x512xf32>
      %logistic3A_281 = arith.constant 1.000000e+00 : f32
      %logistic3A_282 = vector.broadcast %logistic3A_281 : f32 to vector<1x512xf32>
      %logistic3A_283 = arith.addf %logistic3A_282, %logistic3A_280 : vector<1x512xf32>
      %logistic3A_284 = arith.divf %logistic3A_282, %logistic3A_283 : vector<1x512xf32>
      %swap3A_285 = arith.constant 0 : index
      %swap3A_286 = arith.constant 0 : index
      %swap3A_287 = vector.load %arg12[%swap3A_285, %swap3A_286] : memref<1x512xf32, #tpu.memory_space<vmem>>, vector<1x512xf32>
      tpu.vector_store %arg12[%swap3A_285, %swap3A_286], %logistic3A_284 {strides = array<i32>} : memref<1x512xf32, #tpu.memory_space<vmem>>, vector<1x512xf32>,
      %get3A_288 = arith.constant 0 : index
      %get3A_289 = arith.constant 0 : index
      %get3A_290 = vector.load %arg16[%get3A_288, %get3A_289] : memref<1x512xf32, #tpu.memory_space<vmem>>, vector<1x512xf32>
      %div3A_291 = arith.constant 1.000000e+04 : f32
      %div3A_292 = vector.broadcast %div3A_291 : f32 to vector<1x512xf32>
      %div3A_293 = arith.divf %get3A_290, %div3A_292 : vector<1x512xf32>
      %logistic3A_294 = arith.negf %div3A_293 : vector<1x512xf32>
      %logistic3A_295 = math.exp %logistic3A_294 : vector<1x512xf32>
      %logistic3A_296 = arith.constant 1.000000e+00 : f32
      %logistic3A_297 = vector.broadcast %logistic3A_296 : f32 to vector<1x512xf32>
      %logistic3A_298 = arith.addf %logistic3A_297, %logistic3A_295 : vector<1x512xf32>
      %logistic3A_299 = arith.divf %logistic3A_297, %logistic3A_298 : vector<1x512xf32>
      %swap3A_300 = arith.constant 0 : index
      %swap3A_301 = arith.constant 0 : index
      %swap3A_302 = vector.load %arg13[%swap3A_300, %swap3A_301] : memref<1x512xf32, #tpu.memory_space<vmem>>, vector<1x512xf32>
      tpu.vector_store %arg13[%swap3A_300, %swap3A_301], %logistic3A_299 {strides = array<i32>} : memref<1x512xf32, #tpu.memory_space<vmem>>, vector<1x512xf32>,
      %get3A_303 = arith.constant 0 : index
      %get3A_304 = memref.load %arg17[%get3A_303] : memref<4xf32, #tpu.memory_space<smem>>
      %get3A_305 = arith.constant 1 : index
      %get3A_306 = memref.load %arg17[%get3A_305] : memref<4xf32, #tpu.memory_space<smem>>
      %add3A_307 = arith.addf %get3A_304, %get3A_306 : f32
      %get3A_308 = arith.constant 2 : index
      %get3A_309 = memref.load %arg17[%get3A_308] : memref<4xf32, #tpu.memory_space<smem>>
      %add3A_310 = arith.addf %add3A_307, %get3A_309 : f32
      %get3A_311 = arith.constant 3 : index
      %get3A_312 = memref.load %arg17[%get3A_311] : memref<4xf32, #tpu.memory_space<smem>>
      %add3A_313 = arith.addf %add3A_310, %get3A_312 : f32
      %div3A_314 = arith.constant 5.120000e+06 : f32
      %div3A_315 = arith.divf %add3A_313, %div3A_314 : f32
      %broadcast_in_dim3A_316 = vector.broadcast %div3A_315 : f32 to vector<1x1xf32>
      %swap3A_317 = arith.constant 0 : index
      %swap3A_318 = arith.constant 0 : index
      %swap3A_319 = vector.load %arg14[%swap3A_317, %swap3A_318] : memref<1x1xf32, #tpu.memory_space<vmem>>, vector<1x1xf32>
      tpu.vector_store %arg14[%swap3A_317, %swap3A_318], %broadcast_in_dim3A_316 {strides = array<i32>} : memref<1x1xf32, #tpu.memory_space<vmem>>, vector<1x1xf32>,
    } else {
    }
    return
  }
  func.func @transform_0(%arg0: i32) -> (i32, i32) {
    %c0_i32 = arith.constant 0 : i32
    %c0_i32_0 = arith.constant 0 : i32
    return %arg0, %c0_i32 : i32, i32
  }
  func.func @transform_1(%arg0: i32) -> (i32, i32) {
    %c0_i32 = arith.constant 0 : i32
    %c0_i32_0 = arith.constant 0 : i32
    return %arg0, %c0_i32 : i32, i32
  }
  func.func @transform_2(%arg0: i32) -> (i32, i32) {
    %c0_i32 = arith.constant 0 : i32
    %c0_i32_0 = arith.constant 0 : i32
    return %arg0, %c0_i32 : i32, i32
  }
  func.func @transform_3(%arg0: i32) -> (i32, i32) {
    %c0_i32 = arith.constant 0 : i32
    %c0_i32_0 = arith.constant 0 : i32
    return %arg0, %c0_i32 : i32, i32
  }
  func.func @transform_4(%arg0: i32) -> (i32, i32) {
    %c0_i32 = arith.constant 0 : i32
    %c0_i32_0 = arith.constant 0 : i32
    return %arg0, %c0_i32 : i32, i32
  }
  func.func @transform_5(%arg0: i32) -> (i32, i32) {
    %c0_i32 = arith.constant 0 : i32
    %c0_i32_0 = arith.constant 0 : i32
    return %arg0, %c0_i32 : i32, i32
  }
  func.func @transform_6(%arg0: i32) -> (i32, i32) {
    %c0_i32 = arith.constant 0 : i32
    %c0_i32_0 = arith.constant 0 : i32
    %c0_i32_1 = arith.constant 0 : i32
    return %c0_i32, %c0_i32_0 : i32, i32
  }
  func.func @transform_7(%arg0: i32) -> (i32, i32, i32) {
    %c0_i32 = arith.constant 0 : i32
    %c0_i32_0 = arith.constant 0 : i32
    %c0_i32_1 = arith.constant 0 : i32
    %c0_i32_2 = arith.constant 0 : i32
    return %c0_i32, %c0_i32_0, %c0_i32_1 : i32, i32, i32
  }
  func.func @transform_8(%arg0: i32) -> (i32, i32) {
    %c0_i32 = arith.constant 0 : i32
    %c0_i32_0 = arith.constant 0 : i32
    return %arg0, %c0_i32 : i32, i32
  }
  func.func @transform_9(%arg0: i32) -> (i32, i32) {
    %c0_i32 = arith.constant 0 : i32
    %c0_i32_0 = arith.constant 0 : i32
    return %arg0, %c0_i32 : i32, i32
  }
  func.func @transform_10(%arg0: i32) -> (i32, i32) {
    %c0_i32 = arith.constant 0 : i32
    %c0_i32_0 = arith.constant 0 : i32
    return %arg0, %c0_i32 : i32, i32
  }
  func.func @transform_11(%arg0: i32) -> (i32, i32) {
    %c0_i32 = arith.constant 0 : i32
    %c0_i32_0 = arith.constant 0 : i32
    %c0_i32_1 = arith.constant 0 : i32
    return %c0_i32, %c0_i32_0 : i32, i32
  }
  func.func @transform_12(%arg0: i32) -> (i32, i32) {
    %c0_i32 = arith.constant 0 : i32
    %c0_i32_0 = arith.constant 0 : i32
    %c0_i32_1 = arith.constant 0 : i32
    return %c0_i32, %c0_i32_0 : i32, i32
  }
  func.func @transform_13(%arg0: i32) -> (i32, i32) {
    %c0_i32 = arith.constant 0 : i32
    %c0_i32_0 = arith.constant 0 : i32
    %c0_i32_1 = arith.constant 0 : i32
    return %c0_i32, %c0_i32_0 : i32, i32
  }
}

</mosaic_0001>

<sc_bundles>
// kernel: kernel.11.cloned.1.call-start
scs
__scs_entry_jumppad:
0x0: {  	(pc) =	sbr.rel $0x88, $3  }
0x1: {  	(tag) =	ssettag $0x0;
	lr =	simm.s32 $0x1  }
0x2: {  	[smem:$0x3F9B] =	sst lr;
	_ =	strace $0xD0000000  }
0x3: {  	_ = 	snop  }
0x4: {  	_ = 	snop  }
0x5: {  	_ = 	snop  }
0x6: {  	_ = 	snop  }
0x7: {  	_ = 	snop  }
__scs_overlays_trampoline_lowered:
0x8: {  	[smem:$0x3FAA] =	sst s0  }
0x9: {  	[smem:$0x3FAB] =	sst s1  }
0xa: {  	[smem:$0x3FAC] =	sst s2  }
0xb: {  	[smem:$0x3FAD] =	sst s3  }
0xc: {  	[smem:$0x3FAE] =	sst s4  }
0xd: {  	[smem:$0x3FAF] =	sst s5  }
0xe: {  	[smem:$0x3FB0] =	sst s6  }
0xf: {  	[smem:$0x3FB1] =	sst s7  }
0x10: {  	[smem:$0x3FB2] =	sst s8  }
0x11: {  	[smem:$0x3FB3] =	sst s9;
	s0 =	simm.s32 @!p0 $0x0  }
0x12: {  	s1 =	sld [smem:$0x3F99];
	s0 =	simm.s32 @p0 $0x1  }
0x13: {  	[smem:$0x3FB4] =	sst s0;
	s0 =	simm.s32 @!p1 $0x0  }
0x14: {  	s2 =	sld [smem:$0x3F98];
	s0 =	simm.s32 @p1 $0x1  }
0x15: {  	[smem:$0x3FB5] =	sst s0;
	s0 =	simm.s32 @!p2 $0x0  }
0x16: {  	s3 =	sld [smem:$0x3FDB];
	s0 =	simm.s32 @p2 $0x1  }
0x17: {  	s4 =	simm.s32 $0x1BF5;
	[smem:$0x3FB7] =	sst s0  }
0x18: {  	s0 =	sld [smem:$0x3F9A];
	_ =	swait.ge [sflag:s4], $0x0  }
0x19: {  	s7 =	sld [smem:$0x3F9B]  }
0x1a: {  	s8 =	sadd.s32 $0xFFFFE003, lr  }
0x1b: {  	s9 =	sadd.s32 $0xFFFFFEF7, lr;
	s5 =	simm.s32 $0xFFFFFFFF;
	p2 =	slt.u32 s8, $0xFFFFF086  }
0x1c: {  	p1 =	slt.u32 s9, $0xF7A;
	s5 =	simm.s32 @!p2 $0x0  }
0x1d: {  	s5 =	simm.s32 @p1 $0x1;
	p0 =	seq.s32 s7, s2  }
0x1e: {  	s7 =	smul.u32 @!p0 $0xF7A, s2;
	p2 =	seq.s32 @!p0 s5, $0x0  }
0x1f: {  	s9 =	smul.u32 $0xF7A, s1;
	s8 =	simm.s32 @!p0 $0x1BF5;
	p2 =	por !p2, p0  }
0x20: {  	[sflag:s8] =	ssyncset.s32 @!p0 $0xFFFFF086;
	s6 =	sadd.s32 @!p0 s3, s7;
	s7 =	simm.s32 @!p0 $0x108  }
0x21: {  	s3 =	sadd.s32 s3, s9;
	s6 =	sadd.s32 @!p0 $0x88, s6;
	s7 =	simm.s32 @p2 $0x1082  }
0x22: {  	[simem:s7], [sflag:s8] =	dma.local @!p0 [hbm:s6], $0xF7A  }
0x23: {  	s9 =	sor.u32 $0xD0000000, s2;
	s6 =	simm.s32 $0x108;
	_ =	swait.ge @!p0 [sflag:s8], $0x0  }
0x24: {  	s3 =	sadd.s32 $0x88, s3;
	s6 =	simm.s32 @!p1 $0x1082;
	[sflag:s4] =	ssyncset.s32 $0xFFFFF086  }
0x25: {  	[simem:s6], [sflag:s4] =	dma.local [hbm:s3], $0xF7A  }
0x26: {  	[smem:$0x3F9B] =	sst s1;
	(tag) =	ssettag s2;
	_ =	strace s9  }
0x27: {  	s1 =	sld [smem:$0x3FAB]  }
0x28: {  	s2 =	sld [smem:$0x3FAC]  }
0x29: {  	s4 =	sld [smem:$0x3FAE]  }
0x2a: {  	p0 =	seq.s32 s5, $0x0;
	s5 =	sld [smem:$0x3FAF]  }
0x2b: {  	s6 =	sld [smem:$0x3FB0]  }
0x2c: {  	s7 =	sld [smem:$0x3FB1]  }
0x2d: {  	s3 =	simm.s32 $0x108;
	s8 =	sld [smem:$0x3FB2]  }
0x2e: {  	s3 =	simm.s32 @!p0 $0x1082;
	s9 =	sld [smem:$0x3FB3]  }
0x2f: {  	lr =	sadd.s32 s0, s3;
	s0 =	sld [smem:$0x3FAA]  }
0x30: {  	s3 =	sld [smem:$0x3FAD]  }
0x31: {  	[smem:$0x3FB6] =	sst s10  }
0x32: {  	s10 =	sld [smem:$0x3FB4];
	_ =	sdelay $0x3  }
0x33: {  	p0 =	seq.s32 s10, $0x1;
	s10 =	sld [smem:$0x3FB6];
	_ =	sdelay $0x3  }
0x34: {  	[smem:$0x3FB6] =	sst s10  }
0x35: {  	s10 =	sld [smem:$0x3FB5];
	_ =	sdelay $0x3  }
0x36: {  	p1 =	seq.s32 s10, $0x1;
	s10 =	sld [smem:$0x3FB6];
	_ =	sdelay $0x3  }
0x37: {  	[smem:$0x3FB6] =	sst s10  }
0x38: {  	s10 =	sld [smem:$0x3FB7]  }
0x39: {  	_ = 	snop;
	(pc) =	sbr.ind lr, $3  }
0x3a: {  	_ = 	snop  }
0x3b: {  	_ = 	snop  }
0x3c: {  	p2 =	seq.s32 s10, $0x1;
	s10 =	sld [smem:$0x3FB6]  }
0x3d: {  	_ =	shalt  }
0x3e: {  	_ =	shalt  }
0x3f: {  	_ =	shalt  }
0x40: {  	_ =	shalt  }
0x41: {  	_ =	shalt  }
0x42: {  	_ =	shalt  }
0x43: {  	_ =	shalt  }
0x44: {  	_ =	shalt  }
0x45: {  	_ =	shalt  }
0x46: {  	_ =	shalt  }
0x47: {  	_ =	shalt  }
0x48: {  	_ =	shalt  }
0x49: {  	_ =	shalt  }
0x4a: {  	_ =	shalt  }
0x4b: {  	_ =	shalt  }
0x4c: {  	_ =	shalt  }
0x4d: {  	_ =	shalt  }
0x4e: {  	_ =	shalt  }
0x4f: {  	_ =	shalt  }
0x50: {  	_ =	shalt  }
0x51: {  	_ =	shalt  }
0x52: {  	_ =	shalt  }
0x53: {  	_ =	shalt  }
0x54: {  	_ =	shalt  }
0x55: {  	_ =	shalt  }
0x56: {  	_ =	shalt  }
0x57: {  	_ =	shalt  }
0x58: {  	_ =	shalt  }
0x59: {  	_ =	shalt  }
0x5a: {  	_ =	shalt  }
0x5b: {  	_ =	shalt  }
0x5c: {  	_ =	shalt  }
0x5d: {  	_ =	shalt  }
0x5e: {  	_ =	shalt  }
0x5f: {  	_ =	shalt  }
0x60: {  	_ =	shalt  }
0x61: {  	_ =	shalt  }
0x62: {  	_ =	shalt  }
0x63: {  	_ =	shalt  }
0x64: {  	_ =	shalt  }
0x65: {  	_ =	shalt  }
0x66: {  	_ =	shalt  }
0x67: {  	_ =	shalt  }
0x68: {  	_ =	shalt  }
0x69: {  	_ =	shalt  }
0x6a: {  	_ =	shalt  }
0x6b: {  	_ =	shalt  }
0x6c: {  	_ =	shalt  }
0x6d: {  	_ =	shalt  }
0x6e: {  	_ =	shalt  }
0x6f: {  	_ =	shalt  }
0x70: {  	_ =	shalt  }
0x71: {  	_ =	shalt  }
0x72: {  	_ =	shalt  }
0x73: {  	_ =	shalt  }
0x74: {  	_ =	shalt  }
0x75: {  	_ =	shalt  }
0x76: {  	_ =	shalt  }
0x77: {  	_ =	shalt  }
0x78: {  	_ =	shalt  }
0x79: {  	_ =	shalt  }
0x7a: {  	_ =	shalt  }
0x7b: {  	_ =	shalt  }
0x7c: {  	_ =	shalt  }
0x7d: {  	_ =	shalt  }
0x7e: {  	_ =	shalt  }
0x7f: {  	_ =	shalt  }
0x80: {  	_ =	shalt  }
0x81: {  	_ =	shalt  }
0x82: {  	_ =	shalt  }
0x83: {  	_ =	shalt  }
0x84: {  	_ =	shalt  }
0x85: {  	_ =	shalt  }
0x86: {  	_ =	shalt  }
0x87: {  	_ =	shalt  }
.Lfunc_end0:
.L_simem_size_0:
called_computation.1_lowered:
.L_overlay_start_0:
0x88: {  	s2 =	sld [smem:$0x3FD9]  }
0x89: {  	s3 =	sld [smem:$0x3FFE];
	_ =	sdelay $0x1  }
0x8a: {  	s1 =	srdreg.scid  }
0x8b: {  	s0 =	sand.u32 $0x1, s1  }
0x8c: {  	s15 =	sshll.u32 s0, $0xA;
	s2 =	sadd.s32 s3, s2  }
0x8d: {  	s2 =	sadd.s32 s2, s15  }
0x8e: {  	[smem:$0x3FC2] =	sst s2  }
0x8f: {  	_ = 	snop  }
0x90: {  	s2 =	sld [smem:$0x3FD0];
	_ =	sdelay $0x2  }
0x91: {  	s16 =	simm.s32 $0xB;
	s4 =	simm.s32 $0x10  }
0x92: {  	[smem:s4], [sflag:s16] =	dma.local [hbm:s2], $0x1  }
0x93: {  	_ =	swait.eq [sflag:s16], $0x1  }
0x94: {  	[sflag:s16] =	ssyncset.done $0x0  }
0x95: {  	[sflag:s16] =	ssyncadd.s32 $0xFFFFFFFF  }
0x96: {  	s17 =	sld [smem:$0x11];
	(tm) =	ssettm $0x1  }
0x97: {  	s18 =	sld [smem:$0x3FFB];
	_ =	sdelay $0x3  }
0x98: {  	_ =	strace s18  }
0x99: {  	s2 =	sld [smem:$0x3FFC];
	_ =	sdelay $0x3  }
0x9a: {  	_ =	strace s2  }
0x9b: {  	s2 =	sld [smem:$0x3FFD];
	_ =	sdelay $0x3  }
0x9c: {  	_ =	strace s2  }
0x9d: {  	_ =	strace $0x8FFFFFFF  }
0x9e: {  	s19 =	sld [smem:$0x3FDB];
	_ =	sdelay $0x1  }
0x9f: {  	s20 =	simm.s32 $_scs_section_size  }
0xa0: {  	s5 =	simm.s32 $_size__tile_overlayer_lowered;
	s6 =	simm.s32 $_tile_overlayer_lowered  }
0xa1: {  	s7 =	simm.s32 $0x1BFF;
	s21 =	sshll.u32 s6, $0x1;
	s4 =	sadd.s32 s20, s19  }
0xa2: {  	s22 =	simm.s32 $0x0;
	s5 =	sshll.u32 s5, $0x1;
	s6 =	sadd.s32 s21, s4  }
0xa3: {  	[timem:s22], [sflag:s7] =	dma.local [hbm:s6], s5  }
0xa4: {  	_ =	swait.ge [sflag:s7], s5  }
0xa5: {  	s5 =	ssub.s32 $0x0, s5;
	[sflag:s7] =	ssyncset.done $0x0  }
0xa6: {  	[sflag:s7] =	ssyncadd.s32 s5;
	_ =	sdelay $0x1  }
0xa7: {  	s23 =	simm.s32 $0x1B8B  }
0xa8: {  	_ =	swait.ge [sflag:s23], $0x1  }
0xa9: {  	[sflag:s23] =	ssyncset.done $0x0  }
0xaa: {  	[sflag:s23] =	ssyncadd.s32 $0xFFFFFFFF  }
0xab: {  	s5 =	sld [smem:$0x0]  }
0xac: {  	s6 =	sand.u32 $0xFFFFFFFE, s1  }
0xad: {  	p0 =	sne.s32 s1, s6  }
0xae: {  	s6 =	sshll.u32 @p0 s6, $0xE  }
0xaf: {  	s6 =	sadd.s32 @p0 $0x11B8D, s6;
	s7 =	sshll.u32 @p0 s5, $0x11  }
0xb0: {  	s6 =	sor.u32 @p0 s7, s6  }
0xb1: {  	[sflag:s6] =	ssyncadd.remote.s32 @p0 $0x1;
	_ =	sdelay $0x1  }
0xb2: {  	s6 =	simm.s32 @p0 $0x1B8D  }
0xb3: {  	_ =	swait.eq @p0 [sflag:s6], $0x1  }
0xb4: {  	[sflag:s6] =	ssyncadd.s32 @p0 $0xFFFFFFFF  }
0xb5: {  	s7 =	sshll.u32 @!p0 s1, $0xE  }
0xb6: {  	s7 =	sor.u32 @!p0 $0x4000, s7;
	s6 =	simm.s32 @!p0 $0x1B8D  }
0xb7: {  	s5 =	sshll.u32 @!p0 s5, $0x11;
	s7 =	sadd.s32 @!p0 $0x11B8D, s7;
	_ =	swait.eq @!p0 [sflag:s6], $0x1  }
0xb8: {  	s5 =	sor.u32 @!p0 s5, s7;
	[sflag:s6] =	ssyncadd.s32 @!p0 $0xFFFFFFFF  }
0xb9: {  	s25 =	simm.s32 $0x1B8E;
	s24 =	sld [smem:$0x3FFE];
	[sflag:s5] =	ssyncadd.remote.s32 @!p0 $0x1  }
0xba: {  	s26 =	simm.s32 $execute0_lowered;
	[smem:$0x3FD2] =	sst s25  }
0xbb: {  	s6 =	sshll.u32 s26, $0x1;
	_ =	strace $0x80000049;
	[dreg:$0x1] =	wrdreg $0xFFFFFFFF  }
0xbc: {  	s28 =	simm.s32 $_size_execute0_lowered;
	s4 =	sadd.s32 s4, s6;
	[dreg:$0x0] =	wrdreg $0x0  }
0xbd: {  	s6 =	sshll.u32 s28, $0x1;
	[dreg:$0x2] =	wrdreg s4  }
0xbe: {  	[dreg:$0x3] =	wrdreg s6  }
0xbf: {  	[dreg:$0x4] =	wrdreg $0xC0  }
0xc0: {  	_ =	task [dreg:s22], $0x5FFFF  }
0xc1: {  	[dreg:$0x1] =	wrdreg $0xFFFFFFFF  }
0xc2: {  	[dreg:$0x0] =	wrdreg $0x60  }
0xc3: {  	[dreg:$0x2] =	wrdreg s24  }
0xc4: {  	[dreg:$0x3] =	wrdreg s17  }
0xc5: {  	[dreg:$0x4] =	wrdreg $0x0  }
0xc6: {  	[dreg:$0x5] =	wrdreg $0xA  }
0xc7: {  	_ =	task.clear_ibuf [dreg:s22], $0x6FFFF;
	_ =	strace $0x90000049  }
0xc8: {  	s29 =	simm.s32 $0xA;
	_ =	strace $0x8000004B  }
0xc9: {  	_ =	swait.ge [sflag:s29], $0x1  }
0xca: {  	[sflag:s29] =	ssyncadd.s32 $0xFFFFFFFF  }
0xcb: {  	_ =	strace $0x9000004B  }
0xcc: {  	_ =	sfence  }
0xcd: {  	s30 =	sld [smem:$0x0];
	_ =	sdelay $0x2  }
0xce: {  	s31 =	sshll.u32 s1, $0xD;
	s1 =	sshrl.u32 s1, $0x2  }
0xcf: {  	s4 =	sand.u32 $0x4000, s31;
	s1 =	sadd.s32 s1, s30  }
0xd0: {  	s0 =	sor.u32 s4, s0;
	s1 =	sshll.u32 s1, $0x11  }
0xd1: {  	s0 =	sor.u32 s1, s0  }
0xd2: {  	s0 =	sadd.s32 $0x8F2B, s0  }
0xd3: {  	[sflag:s0] =	ssyncadd.remote.s32 $0x1  }
0xd4: {  	_ =	sfence.sel $0xFFFF  }
0xd5: {  	[dreg:$0x0] =	wrdreg $0xFFFFFFFF;
	(pc) =	sbr.abs _section_cstart, $3  }
0xd6: {  	[dreg:$0x1] =	wrdreg $0xFFFFFFFF  }
0xd7: {  	_ =	task.clear_ibuf [dreg:s22], $0x2FFFF;
	_ =	strace $0x9FFFFFFF  }
0xd8: {  	(tm) =	ssettm $0x7FFFFFFF  }
0xd9: {  	_ =	shalt  }
tec
execute0_lowered:
.L_overlay_start_1:
0x0: {  	(tag) =	ssettag $0x1  }
0x1: {  	s0 =	rddreg [dreg:$0x0]  }
0x2: {  	s1 =	rddreg [dreg:$0x1]  }
0x3: {  	s2 =	rddreg [dreg:$0x2];
	s3 =	simm.s32 $0x0;
	s12 =	stileid.u32  }
0x4: {  	s7 =	srdreg.scid;
	s28 =	simm.s32 $0x1;
	s29 =	simm.s32 $0x1D480  }
0x5: {  	s30 =	simm.s32 $0x1D500;
	s31 =	simm.s32 $0x1D580;
	s5 =	smul.u32 $0x500, s12  }
0x6: {  	[smem:$0x7FF] =	sst s3;
	s15 =	sadd.s32 $0x7800, s0;
	s20 =	smul.u32 $0x50000, s12  }
0x7: {  	s7 =	sand.u32 $0x1, s7;
	s17 =	sadd.s32 $0x1E7800, s0;
	s11 =	smul.u32 $0x14000, s12  }
0x8: {  	s4 =	sshll.u32 s12, $0x7;
	_ =	strace $0x8000004A;
	s18 =	smul.u32 $0x50000, s7  }
0x9: {  	s8 =	sadd.s32 s4, s0;
	s9 =	ssub.s32 $0x2, s7;
	s22 =	smul.u32 $0x280000, s7  }
0xa: {  	s6 =	sadd.s32 s5, s0;
	s0 =	sadd.s32 $0x147800, s0;
	s10 =	sshrl.u32 s9, $0x1  }
0xb: {  	s4 =	sshrl.u32 s20, $0x2;
	s1 =	sadd.s32 s1, s5;
	s23 =	sadd.s32 $0x2000, s8  }
0xc: {  	s24 =	sshrl.u32 s11, $0x3;
	s19 =	ssub.s32 s9, s10;
	[dreg:$0x4] =	wrdreg s1  }
0xd: {  	s4 =	sadd.s32 s4, s2;
	s21 =	sadd.s32 $0x2800, s6;
	[dreg:$0x6] =	wrdreg s23  }
0xe: {  	s8 =	sadd.s32 s15, s18;
	s9 =	sadd.s32 s0, s18;
	s10 =	smul.u32 $0x2800, s12  }
0xf: {  	s1 =	sshrl.u32 s22, $0x3;
	s11 =	sadd.s32 $0x800, s24;
	s12 =	sadd.s32 $0x1000, s24  }
0x10: {  	s13 =	sadd.s32 $0x1800, s24;
	s14 =	sadd.s32 $0x2000, s24;
	s25 =	sadd.s32 s17, s18  }
0x11: {  	s18 =	simm.s32 $0x1D000;
	s22 =	simm.s32 $0x1D400;
	s23 =	simm.s32 $0x80  }
0x12: {  	[dreg:$0x5] =	wrdreg s21;
	s1 =	sadd.s32 $0x28000, s1;
	s26 =	smax.u32 s19, $0x1  }
0x13: {  	s19 =	simm.s32 $0x2;
	s15 =	sadd.s32 s15, s1;
	s16 =	sadd.s32 s0, s1  }
0x14: {  	s1 =	sadd.s32 s17, s1;
	[dreg:$0x7] =	wrdreg s26;
	s24 =	sadd.s32 s10, s25  }
0x15: {  	v0 =	vimm.f32 $0.0e+00;
	s26 =	simm.s32 $0x19000;
	s0 =	simm.s32 $0x1D600;
	s25 =	sadd.s32 s10, s1  }
.LBB2_1:
0x16: {  	s1 =	simm.s32 $0x0;
	s5 =	simm.s32 $0x0  }
.LBB2_2:
0x17: {  	p0 =	sne.s32 s5, $0xFC0  }
.Ltmp0:
0x18: {  	_ = 	snop;
	(pc) =	sbr.rel @p0 .LBB2_2-.Ltmp0, $4  }
0x19: {  	s20 =	sand.u32 $0xE00, s5  }
0x1a: {  	s21 =	sand.u32 $0x70, s1;
	s20 =	sshrl.u32 s20, $0x2  }
0x1b: {  	s20 =	sor.u32 s21, s20  }
0x1c: {  	s1 =	sadd.s32 $0x10, s1;
	s5 =	sadd.s32 $0x40, s5;
	[tilespmem:s20+$0x1D000] =	vst v0  }
0x1d: {  	s1 =	sadd.s32 $0x0, s4  }
0x1e: {  	[spmem:s1] =	stream.linear.scatter [tilespmem:s18], [sflag:$0x2], $0x400, $0x38;
	[tilespmem:$0x1D800] =	vst v63  }
0x1f: {  	s1 =	simm.s32 $0x1000;
	_ =	swait.ge [sflag:s19], $0x400  }
.LBB2_4:
0x20: {  	s5 =	sshra.s32 s1, $0x2;
	[sflag:s19] =	ssyncset.done $0x0;
	p0 =	sne.s32 s1, $0x4F000  }
.Ltmp1:
0x21: {  	s5 =	sadd.s32 s5, s4;
	[sflag:s19] =	ssyncadd.s32 $0xFFFFFC00;
	(pc) =	sbr.rel @p0 .LBB2_4-.Ltmp1, $3  }
0x22: {  	[spmem:s5] =	stream.linear.scatter [tilespmem:s18], [sflag:$0x2], $0x400, $0x38;
	[tilespmem:$0x1D800] =	vst v63  }
0x23: {  	s1 =	sadd.s32 $0x1000, s1;
	_ =	sdelay $0x1  }
0x24: {  	_ =	swait.ge [sflag:s19], $0x400  }
0x25: {  	[sflag:s19] =	ssyncset.done $0x0;
	s20 =	simm.s32 $0x0  }
0x26: {  	s1 =	rddreg [dreg:$0x4];
	s5 =	simm.s32 $0x14000;
	[sflag:s19] =	ssyncadd.s32 $0xFFFFFC00  }
0x27: {  	[tilespmem:s5], [sflag:$0x2] =	stream.linear.gather [hbm4b:s1+s20], $0x2800, $0x38;
	[tilespmem:$0x1D800] =	vst v63  }
0x28: {  	_ =	swait.ge [sflag:s19], $0x2800  }
0x29: {  	[sflag:s19] =	ssyncset.done $0x0  }
0x2a: {  	s7 =	simm.s32 $0x16800;
	s6 =	rddreg [dreg:$0x5];
	[sflag:s19] =	ssyncadd.s32 $0xFFFFD800  }
0x2b: {  	[tilespmem:s7], [sflag:$0x2] =	stream.linear.gather [hbm4b:s6+s20], $0x2800, $0x38;
	[tilespmem:$0x1D800] =	vst v63  }
0x2c: {  	_ =	swait.ge [sflag:s19], $0x2800  }
0x2d: {  	[sflag:s19] =	ssyncset.done $0x0  }
0x2e: {  	s17 =	rddreg [dreg:$0x6];
	[sflag:s19] =	ssyncadd.s32 $0xFFFFD800  }
0x2f: {  	[tilespmem:s22], [sflag:$0x2] =	stream.linear.gather [hbm4b:s17+s20], $0x280, $0x38;
	[tilespmem:$0x1D800] =	vst v63  }
0x30: {  	_ =	swait.ge [sflag:s19], $0x280  }
0x31: {  	[sflag:s19] =	ssyncset.done $0x0  }
0x32: {  	[sflag:s19] =	ssyncadd.s32 $0xFFFFFD80  }
0x33: {  	[tilespmem:s26], [sflag:$0x1] =	stream.indirect.gather [hbm4b:s8+s23], $0x80, s22, s23, $0xb8;
	[tilespmem:$0x1D800] =	vst v63  }
0x34: {  	_ =	swait.ge [sflag:s28], $0x4000  }
0x35: {  	[sflag:s28] =	ssyncset.done $0x0  }
0x36: {  	s21 =	sadd.s32 s10, s9;
	[sflag:s28] =	ssyncadd.s32 $0xFFFFC000  }
0x37: {  	[hbm4b:s21+s20] =	stream.linear.scatter [tilespmem:s26], [sflag:$0x2], $0x4000, $0x38;
	[tilespmem:$0x1D800] =	vst v63  }
0x38: {  	_ =	swait.ge [sflag:s19], $0x4000  }
0x39: {  	[sflag:s19] =	ssyncset.done $0x0  }
0x3a: {  	[sflag:s19] =	ssyncadd.s32 $0xFFFFC000  }
0x3b: {  	[tilespmem:s26], [sflag:$0x1] =	stream.indirect.gather [hbm4b:s8+s23], $0x80, s29, s23, $0xb8;
	[tilespmem:$0x1D800] =	vst v63  }
0x3c: {  	_ =	swait.ge [sflag:s28], $0x4000  }
0x3d: {  	[sflag:s28] =	ssyncset.done $0x0  }
0x3e: {  	s5 =	sadd.s32 s11, s9;
	[sflag:s28] =	ssyncadd.s32 $0xFFFFC000  }
0x3f: {  	[hbm4b:s5+s20] =	stream.linear.scatter [tilespmem:s26], [sflag:$0x2], $0x4000, $0x38;
	[tilespmem:$0x1D800] =	vst v63  }
0x40: {  	_ =	swait.ge [sflag:s19], $0x4000  }
0x41: {  	[sflag:s19] =	ssyncset.done $0x0  }
0x42: {  	[sflag:s19] =	ssyncadd.s32 $0xFFFFC000  }
0x43: {  	[tilespmem:s26], [sflag:$0x1] =	stream.indirect.gather [hbm4b:s8+s23], $0x80, s30, s23, $0xb8;
	[tilespmem:$0x1D800] =	vst v63  }
0x44: {  	_ =	swait.ge [sflag:s28], $0x4000  }
0x45: {  	[sflag:s28] =	ssyncset.done $0x0  }
0x46: {  	s6 =	sadd.s32 s12, s9;
	[sflag:s28] =	ssyncadd.s32 $0xFFFFC000  }
0x47: {  	[hbm4b:s6+s20] =	stream.linear.scatter [tilespmem:s26], [sflag:$0x2], $0x4000, $0x38;
	[tilespmem:$0x1D800] =	vst v63  }
0x48: {  	_ =	swait.ge [sflag:s19], $0x4000  }
0x49: {  	[sflag:s19] =	ssyncset.done $0x0  }
0x4a: {  	[sflag:s19] =	ssyncadd.s32 $0xFFFFC000  }
0x4b: {  	[tilespmem:s26], [sflag:$0x1] =	stream.indirect.gather [hbm4b:s8+s23], $0x80, s31, s23, $0xb8;
	[tilespmem:$0x1D800] =	vst v63  }
0x4c: {  	_ =	swait.ge [sflag:s28], $0x4000  }
0x4d: {  	[sflag:s28] =	ssyncset.done $0x0  }
0x4e: {  	s7 =	sadd.s32 s13, s9;
	[sflag:s28] =	ssyncadd.s32 $0xFFFFC000  }
0x4f: {  	[hbm4b:s7+s20] =	stream.linear.scatter [tilespmem:s26], [sflag:$0x2], $0x4000, $0x38;
	[tilespmem:$0x1D800] =	vst v63  }
0x50: {  	_ =	swait.ge [sflag:s19], $0x4000  }
0x51: {  	[sflag:s19] =	ssyncset.done $0x0  }
0x52: {  	[sflag:s19] =	ssyncadd.s32 $0xFFFFC000  }
0x53: {  	[tilespmem:s26], [sflag:$0x1] =	stream.indirect.gather [hbm4b:s8+s23], $0x80, s0, s23, $0xb8;
	[tilespmem:$0x1D800] =	vst v63  }
0x54: {  	_ =	swait.ge [sflag:s28], $0x4000  }
0x55: {  	[sflag:s28] =	ssyncset.done $0x0  }
0x56: {  	s17 =	sadd.s32 s14, s9;
	[sflag:s28] =	ssyncadd.s32 $0xFFFFC000  }
0x57: {  	[hbm4b:s17+s20] =	stream.linear.scatter [tilespmem:s26], [sflag:$0x2], $0x4000, $0x38;
	[tilespmem:$0x1D800] =	vst v63  }
0x58: {  	_ =	swait.ge [sflag:s19], $0x4000  }
0x59: {  	[sflag:s19] =	ssyncset.done $0x0  }
0x5a: {  	[sflag:s19] =	ssyncadd.s32 $0xFFFFC000  }
0x5b: {  	[tilespmem:s26], [sflag:$0x1] =	stream.indirect.gather [hbm4b:s15+s23], $0x80, s22, s23, $0xb8;
	[tilespmem:$0x1D800] =	vst v63  }
0x5c: {  	_ =	swait.ge [sflag:s28], $0x4000  }
0x5d: {  	[sflag:s28] =	ssyncset.done $0x0  }
0x5e: {  	s21 =	sadd.s32 s10, s16;
	[sflag:s28] =	ssyncadd.s32 $0xFFFFC000  }
0x5f: {  	[hbm4b:s21+s20] =	stream.linear.scatter [tilespmem:s26], [sflag:$0x2], $0x4000, $0x38;
	[tilespmem:$0x1D800] =	vst v63  }
0x60: {  	_ =	swait.ge [sflag:s19], $0x4000  }
0x61: {  	[sflag:s19] =	ssyncset.done $0x0  }
0x62: {  	[sflag:s19] =	ssyncadd.s32 $0xFFFFC000  }
0x63: {  	[tilespmem:s26], [sflag:$0x1] =	stream.indirect.gather [hbm4b:s15+s23], $0x80, s29, s23, $0xb8;
	[tilespmem:$0x1D800] =	vst v63  }
0x64: {  	_ =	swait.ge [sflag:s28], $0x4000  }
0x65: {  	[sflag:s28] =	ssyncset.done $0x0  }
0x66: {  	s5 =	sadd.s32 s11, s16;
	[sflag:s28] =	ssyncadd.s32 $0xFFFFC000  }
0x67: {  	[hbm4b:s5+s20] =	stream.linear.scatter [tilespmem:s26], [sflag:$0x2], $0x4000, $0x38;
	[tilespmem:$0x1D800] =	vst v63  }
0x68: {  	_ =	swait.ge [sflag:s19], $0x4000  }
0x69: {  	[sflag:s19] =	ssyncset.done $0x0  }
0x6a: {  	[sflag:s19] =	ssyncadd.s32 $0xFFFFC000  }
0x6b: {  	[tilespmem:s26], [sflag:$0x1] =	stream.indirect.gather [hbm4b:s15+s23], $0x80, s30, s23, $0xb8;
	[tilespmem:$0x1D800] =	vst v63  }
0x6c: {  	_ =	swait.ge [sflag:s28], $0x4000  }
0x6d: {  	[sflag:s28] =	ssyncset.done $0x0  }
0x6e: {  	s6 =	sadd.s32 s12, s16;
	[sflag:s28] =	ssyncadd.s32 $0xFFFFC000  }
0x6f: {  	[hbm4b:s6+s20] =	stream.linear.scatter [tilespmem:s26], [sflag:$0x2], $0x4000, $0x38;
	[tilespmem:$0x1D800] =	vst v63  }
0x70: {  	_ =	swait.ge [sflag:s19], $0x4000  }
0x71: {  	[sflag:s19] =	ssyncset.done $0x0  }
0x72: {  	[sflag:s19] =	ssyncadd.s32 $0xFFFFC000  }
0x73: {  	[tilespmem:s26], [sflag:$0x1] =	stream.indirect.gather [hbm4b:s15+s23], $0x80, s31, s23, $0xb8;
	[tilespmem:$0x1D800] =	vst v63  }
0x74: {  	_ =	swait.ge [sflag:s28], $0x4000  }
0x75: {  	[sflag:s28] =	ssyncset.done $0x0  }
0x76: {  	s7 =	sadd.s32 s13, s16;
	[sflag:s28] =	ssyncadd.s32 $0xFFFFC000  }
0x77: {  	[hbm4b:s7+s20] =	stream.linear.scatter [tilespmem:s26], [sflag:$0x2], $0x4000, $0x38;
	[tilespmem:$0x1D800] =	vst v63  }
0x78: {  	_ =	swait.ge [sflag:s19], $0x4000  }
0x79: {  	[sflag:s19] =	ssyncset.done $0x0  }
0x7a: {  	[sflag:s19] =	ssyncadd.s32 $0xFFFFC000  }
0x7b: {  	[tilespmem:s26], [sflag:$0x1] =	stream.indirect.gather [hbm4b:s15+s23], $0x80, s0, s23, $0xb8;
	[tilespmem:$0x1D800] =	vst v63  }
0x7c: {  	_ =	swait.ge [sflag:s28], $0x4000  }
0x7d: {  	[sflag:s28] =	ssyncset.done $0x0  }
0x7e: {  	s17 =	sadd.s32 s14, s16;
	[sflag:s28] =	ssyncadd.s32 $0xFFFFC000  }
0x7f: {  	[hbm4b:s17+s20] =	stream.linear.scatter [tilespmem:s26], [sflag:$0x2], $0x4000, $0x38;
	[tilespmem:$0x1D800] =	vst v63  }
0x80: {  	_ =	swait.ge [sflag:s19], $0x4000  }
0x81: {  	[sflag:s19] =	ssyncset.done $0x0  }
0x82: {  	[sflag:s19] =	ssyncadd.s32 $0xFFFFC000  }
0x83: {  	s20 =	simm.s32 $0x14000;
	[bflag:$0x0] =	sbarrier.arrive $0xFFFF  }
0x84: {  	[tilespmem:s26], [sflag:$0x1] =	stream.indirect.gather [hbm4b:s9+s23], $0x80, s20, s23, $0xb8;
	[tilespmem:$0x1D800] =	vst v63  }
0x85: {  	_ =	swait.ge [sflag:s28], $0x4000  }
0x86: {  	[sflag:s28] =	ssyncset.done $0x0  }
0x87: {  	s21 =	simm.s32 $0x16800;
	[sflag:s28] =	ssyncadd.s32 $0xFFFFC000  }
0x88: {  	[spmem:s2] =	stream.indirect.scatter.add.f32 [tilespmem:s26], [sflag:$0x2], $0x80, s21, s23, $0xb8;
	[tilespmem:$0x1D800] =	vst v63  }
0x89: {  	_ =	swait.ge [sflag:s19], $0x4000  }
0x8a: {  	s1 =	simm.s32 $0x400;
	s20 =	simm.s32 $0x80;
	[sflag:s19] =	ssyncset.done $0x0  }
.LBB2_6:
0x8b: {  	s5 =	sadd.s32 $0x14000, s20  }
0x8c: {  	[sflag:s19] =	ssyncadd.s32 $0xFFFFC000;
	s21 =	smov.u32 s1;
	s6 =	sadd.s32 $0x200, s1  }
0x8d: {  	[tilespmem:s26], [sflag:$0x1] =	stream.indirect.gather [hbm4b:s9+s23], $0x80, s5, s23, $0xb8;
	[tilespmem:$0x1D800] =	vst v63  }
0x8e: {  	p0 =	sne.s32 s1, $0x9E00;
	_ =	swait.ge [sflag:s28], $0x4000  }
.Ltmp2:
0x8f: {  	[sflag:s28] =	ssyncset.done $0x0;
	(pc) =	sbr.rel @p0 .LBB2_6-.Ltmp2, $4  }
0x90: {  	s1 =	sadd.s32 $0x16800, s20;
	[sflag:s28] =	ssyncadd.s32 $0xFFFFC000  }
0x91: {  	[spmem:s2] =	stream.indirect.scatter.add.f32 [tilespmem:s26], [sflag:$0x2], $0x80, s1, s23, $0xb8;
	[tilespmem:$0x1D800] =	vst v63  }
0x92: {  	_ =	swait.ge [sflag:s19], $0x4000  }
0x93: {  	s20 =	sshra.s32 s21, $0x2;
	s1 =	smov.u32 s6;
	[sflag:s19] =	ssyncset.done $0x0  }
0x94: {  	s1 =	sadd.s32 $0x14000, s20;
	[sflag:s19] =	ssyncadd.s32 $0xFFFFC000  }
0x95: {  	[tilespmem:s26], [sflag:$0x1] =	stream.indirect.gather [hbm4b:s9+s23], $0x80, s1, s23, $0xb8;
	[tilespmem:$0x1D800] =	vst v63  }
0x96: {  	_ =	swait.ge [sflag:s28], $0x4000  }
0x97: {  	[sflag:s28] =	ssyncset.done $0x0  }
0x98: {  	s6 =	sadd.s32 $0x16800, s20;
	[sflag:s28] =	ssyncadd.s32 $0xFFFFC000  }
0x99: {  	[spmem:s2] =	stream.indirect.scatter.add.f32 [tilespmem:s26], [sflag:$0x2], $0x80, s6, s23, $0xb8;
	[tilespmem:$0x1D800] =	vst v63  }
0x9a: {  	_ =	swait.ge [sflag:s19], $0x4000  }
0x9b: {  	s7 =	stileid.u32;
	[sflag:s19] =	ssyncset.done $0x0  }
0x9c: {  	s1 =	sshll.u32 s7, $0x6;
	[sflag:s19] =	ssyncadd.s32 $0xFFFFC000  }
0x9d: {  	s21 =	sshrl.u32 s4, $0x3;
	s20 =	sor.u32 $0x1C02, s1;
	[bflag:$0x0] =	sbarrier.arrive $0xFFFF  }
0x9e: {  	[hbm:s24], [sflag:s20] =	dma.local [spmem:s21], $0x2800  }
0x9f: {  	_ =	swait.ge [sflag:s19], $0x2800  }
0xa0: {  	[sflag:s19] =	ssyncset.done $0x0  }
0xa1: {  	[sflag:s19] =	ssyncadd.s32 $0xFFFFD800  }
0xa2: {  	s17 =	sadd.s32 $0x0, s4;
	[bflag:$0x0] =	sbarrier.arrive $0xFFFF  }
0xa3: {  	[spmem:s17] =	stream.linear.scatter [tilespmem:s18], [sflag:$0x2], $0x400, $0x38;
	[tilespmem:$0x1D800] =	vst v63  }
0xa4: {  	s1 =	simm.s32 $0x1000;
	_ =	swait.ge [sflag:s19], $0x400  }
.LBB2_8:
0xa5: {  	s5 =	sshra.s32 s1, $0x2;
	[sflag:s19] =	ssyncset.done $0x0;
	p0 =	sne.s32 s1, $0x4F000  }
.Ltmp3:
0xa6: {  	s5 =	sadd.s32 s5, s4;
	[sflag:s19] =	ssyncadd.s32 $0xFFFFFC00;
	(pc) =	sbr.rel @p0 .LBB2_8-.Ltmp3, $3  }
0xa7: {  	[spmem:s5] =	stream.linear.scatter [tilespmem:s18], [sflag:$0x2], $0x400, $0x38;
	[tilespmem:$0x1D800] =	vst v63  }
0xa8: {  	s1 =	sadd.s32 $0x1000, s1;
	_ =	sdelay $0x1  }
0xa9: {  	_ =	swait.ge [sflag:s19], $0x400  }
0xaa: {  	[sflag:s19] =	ssyncset.done $0x0  }
0xab: {  	[sflag:s19] =	ssyncadd.s32 $0xFFFFFC00  }
0xac: {  	s1 =	simm.s32 $0x14000;
	[bflag:$0x0] =	sbarrier.arrive $0xFFFF  }
0xad: {  	[tilespmem:s26], [sflag:$0x1] =	stream.indirect.gather [hbm4b:s16+s23], $0x80, s1, s23, $0xb8;
	[tilespmem:$0x1D800] =	vst v63  }
0xae: {  	_ =	swait.ge [sflag:s28], $0x4000  }
0xaf: {  	[sflag:s28] =	ssyncset.done $0x0  }
0xb0: {  	s17 =	simm.s32 $0x16800;
	[sflag:s28] =	ssyncadd.s32 $0xFFFFC000  }
0xb1: {  	[spmem:s2] =	stream.indirect.scatter.add.f32 [tilespmem:s26], [sflag:$0x2], $0x80, s17, s23, $0xb8;
	[tilespmem:$0x1D800] =	vst v63  }
0xb2: {  	_ =	swait.ge [sflag:s19], $0x4000  }
0xb3: {  	s5 =	simm.s32 $0x400;
	s1 =	simm.s32 $0x80;
	[sflag:s19] =	ssyncset.done $0x0  }
.LBB2_10:
0xb4: {  	s6 =	sadd.s32 $0x14000, s1  }
0xb5: {  	[sflag:s19] =	ssyncadd.s32 $0xFFFFC000;
	s7 =	smov.u32 s5;
	s17 =	sadd.s32 $0x200, s5  }
0xb6: {  	[tilespmem:s26], [sflag:$0x1] =	stream.indirect.gather [hbm4b:s16+s23], $0x80, s6, s23, $0xb8;
	[tilespmem:$0x1D800] =	vst v63  }
0xb7: {  	p0 =	sne.s32 s5, $0x9E00;
	_ =	swait.ge [sflag:s28], $0x4000  }
.Ltmp4:
0xb8: {  	[sflag:s28] =	ssyncset.done $0x0;
	(pc) =	sbr.rel @p0 .LBB2_10-.Ltmp4, $4  }
0xb9: {  	s1 =	sadd.s32 $0x16800, s1;
	[sflag:s28] =	ssyncadd.s32 $0xFFFFC000  }
0xba: {  	[spmem:s2] =	stream.indirect.scatter.add.f32 [tilespmem:s26], [sflag:$0x2], $0x80, s1, s23, $0xb8;
	[tilespmem:$0x1D800] =	vst v63  }
0xbb: {  	_ =	swait.ge [sflag:s19], $0x4000  }
0xbc: {  	s5 =	smov.u32 s17;
	s1 =	sshra.s32 s7, $0x2;
	[sflag:s19] =	ssyncset.done $0x0  }
0xbd: {  	s5 =	sadd.s32 $0x14000, s1;
	[sflag:s19] =	ssyncadd.s32 $0xFFFFC000  }
0xbe: {  	[tilespmem:s26], [sflag:$0x1] =	stream.indirect.gather [hbm4b:s16+s23], $0x80, s5, s23, $0xb8;
	[tilespmem:$0x1D800] =	vst v63  }
0xbf: {  	_ =	swait.ge [sflag:s28], $0x4000  }
0xc0: {  	[sflag:s28] =	ssyncset.done $0x0  }
0xc1: {  	s17 =	sadd.s32 $0x16800, s1;
	[sflag:s28] =	ssyncadd.s32 $0xFFFFC000  }
0xc2: {  	[spmem:s2] =	stream.indirect.scatter.add.f32 [tilespmem:s26], [sflag:$0x2], $0x80, s17, s23, $0xb8;
	[tilespmem:$0x1D800] =	vst v63  }
0xc3: {  	_ =	swait.ge [sflag:s19], $0x4000  }
0xc4: {  	[sflag:s19] =	ssyncset.done $0x0  }
0xc5: {  	[sflag:s19] =	ssyncadd.s32 $0xFFFFC000  }
0xc6: {  	[bflag:$0x0] =	sbarrier.arrive $0xFFFF  }
0xc7: {  	[hbm:s25], [sflag:s20] =	dma.local [spmem:s21], $0x2800  }
0xc8: {  	_ =	swait.ge [sflag:s19], $0x2800  }
0xc9: {  	s3 =	sadd.s32 $0x1, s3;
	s21 =	rddreg [dreg:$0x7]  }
0xca: {  	p0 =	sne.s32 s3, s21  }
.Ltmp5:
0xcb: {  	_ = 	snop;
	(pc) =	sbr.rel @p0 .LBB2_1-.Ltmp5, $3  }
0xcc: {  	_ =	sdelay $0x1  }
0xcd: {  	[sflag:s19] =	ssyncset.done $0x0  }
0xce: {  	[sflag:s19] =	ssyncadd.s32 $0xFFFFD800  }
0xcf: {  	_ =	sfence.sel $0x180000  }
0xd0: {  	[bflag:$0x0] =	sbarrier.arrive $0xFFFF  }
0xd1: {  	_ =	strace $0x9000004A  }
0xd2: {  	s0 =	stileid.u32;
	[bflag:$0x2] =	sbarrier.arrive $0xFFFF  }
0xd3: {  	p0 =	sne.s32 s0, $0x0;
	s0 =	rddreg [dreg:$0x3]  }
0xd4: {  	s0 =	sadd.s32 @!p0 $0x100000, s0  }
0xd5: {  	[sflag:s0] =	ssyncadd.tile.s32 @!p0 $0x1;
	_ =	shalt  }
.Lfunc_end2:
_tile_overlayer_lowered:
.L_overlay_start_2:
0xd6: {  	(tag) =	ssettag $0x2  }
0xd7: {  	s0 =	rddreg [dreg:$0x0];
	s2 =	stileid.u32  }
0xd8: {  	s1 =	rddreg [dreg:$0x1];
	p0 =	sne.s32 s2, $0x0  }
0xd9: {  	s3 =	rddreg [dreg:$0x2];
	[bflag:$0x3] =	sbarrier.arrive $0xFFFF;
	s2 =	simm.s32 @!p0 $0x1C02  }
0xda: {  	[timem:s3], [sflag:s2] =	dma.local @!p0 [hbm:s0], s1  }
0xdb: {  	s0 =	simm.s32 @!p0 $0x2  }
0xdc: {  	_ =	swait.ge @!p0 [sflag:s0], s1  }
0xdd: {  	s1 =	ssub.s32 @!p0 $0x0, s1;
	[sflag:s0] =	ssyncset.done @!p0 $0x0  }
0xde: {  	[sflag:s0] =	ssyncadd.s32 @!p0 s1  }
0xdf: {  	[bflag:$0x3] =	sbarrier.arrive $0xFFFF  }
0xe0: {  	_ =	shalt  }

// kernel: kernel.8.cloned.1.call-start
scs
__scs_entry_jumppad:
0x0: {  	(pc) =	sbr.rel $0x88, $3  }
0x1: {  	(tag) =	ssettag $0x0;
	lr =	simm.s32 $0x1  }
0x2: {  	[smem:$0x3F9B] =	sst lr;
	_ =	strace $0xD0000000  }
0x3: {  	_ = 	snop  }
0x4: {  	_ = 	snop  }
0x5: {  	_ = 	snop  }
0x6: {  	_ = 	snop  }
0x7: {  	_ = 	snop  }
__scs_overlays_trampoline_lowered:
0x8: {  	[smem:$0x3FAA] =	sst s0  }
0x9: {  	[smem:$0x3FAB] =	sst s1  }
0xa: {  	[smem:$0x3FAC] =	sst s2  }
0xb: {  	[smem:$0x3FAD] =	sst s3  }
0xc: {  	[smem:$0x3FAE] =	sst s4  }
0xd: {  	[smem:$0x3FAF] =	sst s5  }
0xe: {  	[smem:$0x3FB0] =	sst s6  }
0xf: {  	[smem:$0x3FB1] =	sst s7  }
0x10: {  	[smem:$0x3FB2] =	sst s8  }
0x11: {  	[smem:$0x3FB3] =	sst s9;
	s0 =	simm.s32 @!p0 $0x0  }
0x12: {  	s1 =	sld [smem:$0x3F99];
	s0 =	simm.s32 @p0 $0x1  }
0x13: {  	[smem:$0x3FB4] =	sst s0;
	s0 =	simm.s32 @!p1 $0x0  }
0x14: {  	s2 =	sld [smem:$0x3F98];
	s0 =	simm.s32 @p1 $0x1  }
0x15: {  	[smem:$0x3FB5] =	sst s0;
	s0 =	simm.s32 @!p2 $0x0  }
0x16: {  	s3 =	sld [smem:$0x3FDB];
	s0 =	simm.s32 @p2 $0x1  }
0x17: {  	s4 =	simm.s32 $0x1BF5;
	[smem:$0x3FB7] =	sst s0  }
0x18: {  	s0 =	sld [smem:$0x3F9A];
	_ =	swait.ge [sflag:s4], $0x0  }
0x19: {  	s7 =	sld [smem:$0x3F9B]  }
0x1a: {  	s8 =	sadd.s32 $0xFFFFE003, lr  }
0x1b: {  	s9 =	sadd.s32 $0xFFFFFEF7, lr;
	s5 =	simm.s32 $0xFFFFFFFF;
	p2 =	slt.u32 s8, $0xFFFFF086  }
0x1c: {  	p1 =	slt.u32 s9, $0xF7A;
	s5 =	simm.s32 @!p2 $0x0  }
0x1d: {  	s5 =	simm.s32 @p1 $0x1;
	p0 =	seq.s32 s7, s2  }
0x1e: {  	s7 =	smul.u32 @!p0 $0xF7A, s2;
	p2 =	seq.s32 @!p0 s5, $0x0  }
0x1f: {  	s9 =	smul.u32 $0xF7A, s1;
	s8 =	simm.s32 @!p0 $0x1BF5;
	p2 =	por !p2, p0  }
0x20: {  	[sflag:s8] =	ssyncset.s32 @!p0 $0xFFFFF086;
	s6 =	sadd.s32 @!p0 s3, s7;
	s7 =	simm.s32 @!p0 $0x108  }
0x21: {  	s3 =	sadd.s32 s3, s9;
	s6 =	sadd.s32 @!p0 $0x88, s6;
	s7 =	simm.s32 @p2 $0x1082  }
0x22: {  	[simem:s7], [sflag:s8] =	dma.local @!p0 [hbm:s6], $0xF7A  }
0x23: {  	s9 =	sor.u32 $0xD0000000, s2;
	s6 =	simm.s32 $0x108;
	_ =	swait.ge @!p0 [sflag:s8], $0x0  }
0x24: {  	s3 =	sadd.s32 $0x88, s3;
	s6 =	simm.s32 @!p1 $0x1082;
	[sflag:s4] =	ssyncset.s32 $0xFFFFF086  }
0x25: {  	[simem:s6], [sflag:s4] =	dma.local [hbm:s3], $0xF7A  }
0x26: {  	[smem:$0x3F9B] =	sst s1;
	(tag) =	ssettag s2;
	_ =	strace s9  }
0x27: {  	s1 =	sld [smem:$0x3FAB]  }
0x28: {  	s2 =	sld [smem:$0x3FAC]  }
0x29: {  	s4 =	sld [smem:$0x3FAE]  }
0x2a: {  	p0 =	seq.s32 s5, $0x0;
	s5 =	sld [smem:$0x3FAF]  }
0x2b: {  	s6 =	sld [smem:$0x3FB0]  }
0x2c: {  	s7 =	sld [smem:$0x3FB1]  }
0x2d: {  	s3 =	simm.s32 $0x108;
	s8 =	sld [smem:$0x3FB2]  }
0x2e: {  	s3 =	simm.s32 @!p0 $0x1082;
	s9 =	sld [smem:$0x3FB3]  }
0x2f: {  	lr =	sadd.s32 s0, s3;
	s0 =	sld [smem:$0x3FAA]  }
0x30: {  	s3 =	sld [smem:$0x3FAD]  }
0x31: {  	[smem:$0x3FB6] =	sst s10  }
0x32: {  	s10 =	sld [smem:$0x3FB4];
	_ =	sdelay $0x3  }
0x33: {  	p0 =	seq.s32 s10, $0x1;
	s10 =	sld [smem:$0x3FB6];
	_ =	sdelay $0x3  }
0x34: {  	[smem:$0x3FB6] =	sst s10  }
0x35: {  	s10 =	sld [smem:$0x3FB5];
	_ =	sdelay $0x3  }
0x36: {  	p1 =	seq.s32 s10, $0x1;
	s10 =	sld [smem:$0x3FB6];
	_ =	sdelay $0x3  }
0x37: {  	[smem:$0x3FB6] =	sst s10  }
0x38: {  	s10 =	sld [smem:$0x3FB7]  }
0x39: {  	_ = 	snop;
	(pc) =	sbr.ind lr, $3  }
0x3a: {  	_ = 	snop  }
0x3b: {  	_ = 	snop  }
0x3c: {  	p2 =	seq.s32 s10, $0x1;
	s10 =	sld [smem:$0x3FB6]  }
0x3d: {  	_ =	shalt  }
0x3e: {  	_ =	shalt  }
0x3f: {  	_ =	shalt  }
0x40: {  	_ =	shalt  }
0x41: {  	_ =	shalt  }
0x42: {  	_ =	shalt  }
0x43: {  	_ =	shalt  }
0x44: {  	_ =	shalt  }
0x45: {  	_ =	shalt  }
0x46: {  	_ =	shalt  }
0x47: {  	_ =	shalt  }
0x48: {  	_ =	shalt  }
0x49: {  	_ =	shalt  }
0x4a: {  	_ =	shalt  }
0x4b: {  	_ =	shalt  }
0x4c: {  	_ =	shalt  }
0x4d: {  	_ =	shalt  }
0x4e: {  	_ =	shalt  }
0x4f: {  	_ =	shalt  }
0x50: {  	_ =	shalt  }
0x51: {  	_ =	shalt  }
0x52: {  	_ =	shalt  }
0x53: {  	_ =	shalt  }
0x54: {  	_ =	shalt  }
0x55: {  	_ =	shalt  }
0x56: {  	_ =	shalt  }
0x57: {  	_ =	shalt  }
0x58: {  	_ =	shalt  }
0x59: {  	_ =	shalt  }
0x5a: {  	_ =	shalt  }
0x5b: {  	_ =	shalt  }
0x5c: {  	_ =	shalt  }
0x5d: {  	_ =	shalt  }
0x5e: {  	_ =	shalt  }
0x5f: {  	_ =	shalt  }
0x60: {  	_ =	shalt  }
0x61: {  	_ =	shalt  }
0x62: {  	_ =	shalt  }
0x63: {  	_ =	shalt  }
0x64: {  	_ =	shalt  }
0x65: {  	_ =	shalt  }
0x66: {  	_ =	shalt  }
0x67: {  	_ =	shalt  }
0x68: {  	_ =	shalt  }
0x69: {  	_ =	shalt  }
0x6a: {  	_ =	shalt  }
0x6b: {  	_ =	shalt  }
0x6c: {  	_ =	shalt  }
0x6d: {  	_ =	shalt  }
0x6e: {  	_ =	shalt  }
0x6f: {  	_ =	shalt  }
0x70: {  	_ =	shalt  }
0x71: {  	_ =	shalt  }
0x72: {  	_ =	shalt  }
0x73: {  	_ =	shalt  }
0x74: {  	_ =	shalt  }
0x75: {  	_ =	shalt  }
0x76: {  	_ =	shalt  }
0x77: {  	_ =	shalt  }
0x78: {  	_ =	shalt  }
0x79: {  	_ =	shalt  }
0x7a: {  	_ =	shalt  }
0x7b: {  	_ =	shalt  }
0x7c: {  	_ =	shalt  }
0x7d: {  	_ =	shalt  }
0x7e: {  	_ =	shalt  }
0x7f: {  	_ =	shalt  }
0x80: {  	_ =	shalt  }
0x81: {  	_ =	shalt  }
0x82: {  	_ =	shalt  }
0x83: {  	_ =	shalt  }
0x84: {  	_ =	shalt  }
0x85: {  	_ =	shalt  }
0x86: {  	_ =	shalt  }
0x87: {  	_ =	shalt  }
.Lfunc_end0:
.L_simem_size_0:
called_computation_lowered:
.L_overlay_start_0:
0x88: {  	s2 =	sld [smem:$0x3FD9]  }
0x89: {  	s3 =	sld [smem:$0x3FFE];
	_ =	sdelay $0x1  }
0x8a: {  	s1 =	srdreg.scid  }
0x8b: {  	s0 =	sand.u32 $0x1, s1  }
0x8c: {  	s14 =	sshll.u32 s0, $0xA;
	s2 =	sadd.s32 s3, s2  }
0x8d: {  	s2 =	sadd.s32 s2, s14  }
0x8e: {  	[smem:$0x3FC2] =	sst s2  }
0x8f: {  	_ = 	snop  }
0x90: {  	s2 =	sld [smem:$0x3FD0];
	_ =	sdelay $0x2  }
0x91: {  	s15 =	simm.s32 $0xB;
	s4 =	simm.s32 $0x10  }
0x92: {  	[smem:s4], [sflag:s15] =	dma.local [hbm:s2], $0x1  }
0x93: {  	_ =	swait.eq [sflag:s15], $0x1  }
0x94: {  	[sflag:s15] =	ssyncset.done $0x0  }
0x95: {  	s16 =	sld [smem:$0x11];
	[sflag:s15] =	ssyncadd.s32 $0xFFFFFFFF  }
0x96: {  	s17 =	sld [smem:$0x14];
	(tm) =	ssettm $0x1  }
0x97: {  	s18 =	sld [smem:$0x3FFB];
	_ =	sdelay $0x3  }
0x98: {  	_ =	strace s18  }
0x99: {  	s4 =	sld [smem:$0x3FFC];
	_ =	sdelay $0x3  }
0x9a: {  	_ =	strace s4  }
0x9b: {  	s4 =	sld [smem:$0x3FFD];
	_ =	sdelay $0x3  }
0x9c: {  	_ =	strace s4  }
0x9d: {  	_ =	strace $0x8FFFFFFF  }
0x9e: {  	s19 =	sld [smem:$0x3FDB];
	_ =	sdelay $0x1  }
0x9f: {  	s5 =	simm.s32 $_scs_section_size  }
0xa0: {  	s6 =	simm.s32 $_size__tile_overlayer_lowered;
	s7 =	simm.s32 $_tile_overlayer_lowered  }
0xa1: {  	s22 =	simm.s32 $0x1BFF;
	s21 =	sshll.u32 s7, $0x1;
	s4 =	sadd.s32 s5, s19  }
0xa2: {  	s8 =	simm.s32 $0x0;
	s20 =	sshll.u32 s6, $0x1;
	s6 =	sadd.s32 s21, s4  }
0xa3: {  	[timem:s8], [sflag:s22] =	dma.local [hbm:s6], s20  }
0xa4: {  	_ =	swait.ge [sflag:s22], s20  }
0xa5: {  	s5 =	ssub.s32 $0x0, s20;
	[sflag:s22] =	ssyncset.done $0x0  }
0xa6: {  	[sflag:s22] =	ssyncadd.s32 s5;
	_ =	sdelay $0x1  }
0xa7: {  	s23 =	simm.s32 $0x1B8B  }
0xa8: {  	_ =	swait.ge [sflag:s23], $0x1  }
0xa9: {  	[sflag:s23] =	ssyncset.done $0x0  }
0xaa: {  	s25 =	simm.s32 $0x1B8E;
	s24 =	sld [smem:$0x3FFE];
	[sflag:s23] =	ssyncadd.s32 $0xFFFFFFFF  }
0xab: {  	s26 =	simm.s32 $execute0_lowered;
	[smem:$0x3FD2] =	sst s25  }
0xac: {  	s6 =	sshll.u32 s26, $0x1;
	_ =	strace $0x80000046;
	[dreg:$0x1] =	wrdreg $0xFFFFFFFF  }
0xad: {  	s28 =	simm.s32 $_size_execute0_lowered;
	s4 =	sadd.s32 s4, s6;
	[dreg:$0x0] =	wrdreg $0x0  }
0xae: {  	s6 =	sshll.u32 s28, $0x1;
	[dreg:$0x2] =	wrdreg s4  }
0xaf: {  	[dreg:$0x3] =	wrdreg s6  }
0xb0: {  	[dreg:$0x4] =	wrdreg $0xC0  }
0xb1: {  	_ =	task [dreg:s8], $0x5FFFF  }
0xb2: {  	[dreg:$0x1] =	wrdreg $0xFFFFFFFF  }
0xb3: {  	[dreg:$0x0] =	wrdreg $0x60  }
0xb4: {  	[dreg:$0x2] =	wrdreg s24  }
0xb5: {  	[dreg:$0x3] =	wrdreg s16  }
0xb6: {  	[dreg:$0x4] =	wrdreg s17  }
0xb7: {  	[dreg:$0x5] =	wrdreg $0x0  }
0xb8: {  	[dreg:$0x6] =	wrdreg $0x9  }
0xb9: {  	_ =	task.clear_ibuf [dreg:s8], $0x7FFFF;
	_ =	strace $0x90000046  }
0xba: {  	s29 =	simm.s32 $0x9;
	_ =	strace $0x80000048  }
0xbb: {  	_ =	swait.ge [sflag:s29], $0x1  }
0xbc: {  	[sflag:s29] =	ssyncadd.s32 $0xFFFFFFFF  }
0xbd: {  	_ =	strace $0x90000048  }
0xbe: {  	_ =	sfence  }
0xbf: {  	s30 =	sld [smem:$0x0];
	_ =	sdelay $0x2  }
0xc0: {  	s31 =	sshll.u32 s1, $0xD;
	s1 =	sshrl.u32 s1, $0x2  }
0xc1: {  	s3 =	sand.u32 $0x4000, s31;
	s1 =	sadd.s32 s1, s30  }
0xc2: {  	s0 =	sor.u32 s3, s0;
	s1 =	sshll.u32 s1, $0x11  }
0xc3: {  	s0 =	sor.u32 s1, s0  }
0xc4: {  	s0 =	sadd.s32 $0x8F2B, s0  }
0xc5: {  	[sflag:s0] =	ssyncadd.remote.s32 $0x1  }
0xc6: {  	_ =	sfence.sel $0xFFFF  }
0xc7: {  	[dreg:$0x0] =	wrdreg $0xFFFFFFFF;
	(pc) =	sbr.abs _section_cstart, $3  }
0xc8: {  	[dreg:$0x1] =	wrdreg $0xFFFFFFFF  }
0xc9: {  	_ =	task.clear_ibuf [dreg:s8], $0x2FFFF;
	_ =	strace $0x9FFFFFFF  }
0xca: {  	(tm) =	ssettm $0x7FFFFFFF  }
0xcb: {  	_ =	shalt  }
tec
execute0_lowered:
.L_overlay_start_1:
0x0: {  	(tag) =	ssettag $0x1  }
0x1: {  	s4 =	rddreg [dreg:$0x0]  }
0x2: {  	s5 =	rddreg [dreg:$0x1]  }
0x3: {  	s9 =	rddreg [dreg:$0x2]  }
0x4: {  	s2 =	rddreg [dreg:$0x3];
	s1 =	stileid.u32  }
0x5: {  	s0 =	rddreg [dreg:$0x4];
	s6 =	smul.u32 $0x500, s1  }
0x6: {  	s3 =	simm.s32 $0x0;
	s7 =	srdreg.scid;
	s28 =	smul.u32 $0x50000, s1  }
0x7: {  	s17 =	simm.s32 $0x1;
	s8 =	sand.u32 $0x1, s7;
	s20 =	smul.u32 $0x2800, s1  }
0x8: {  	[smem:$0x7FF] =	sst s3;
	s10 =	sadd.s32 $0x7800, s4;
	s14 =	smul.u32 $0x50000, s8  }
0x9: {  	s13 =	sadd.s32 $0xA7800, s4;
	_ =	strace $0x80000047;
	s30 =	smul.u32 $0x28000, s8  }
0xa: {  	s12 =	ssub.s32 $0x2, s8;
	s16 =	smul.u32 $0x5000, s8;
	s11 =	sadd.s32 s6, s4  }
0xb: {  	s29 =	sshrl.u32 s12, $0x1;
	s7 =	sshrl.u32 s28, $0x2;
	s5 =	sadd.s32 s5, s6  }
0xc: {  	s12 =	ssub.s32 s12, s29;
	s4 =	sadd.s32 s7, s2;
	s6 =	sadd.s32 $0x2800, s11  }
0xd: {  	s7 =	sadd.s32 s10, s14;
	s15 =	sadd.s32 $0x28000, s14;
	s18 =	sadd.s32 s13, s14  }
0xe: {  	s21 =	sadd.s32 s9, s30;
	s31 =	sshrl.u32 s16, $0x2;
	s11 =	simm.s32 $0x1D000  }
0xf: {  	s14 =	simm.s32 $0x16800;
	s16 =	simm.s32 $0x19000;
	s8 =	sadd.s32 s10, s15  }
0x10: {  	s19 =	sadd.s32 s13, s15;
	s9 =	smax.u32 s12, $0x1;
	s10 =	sadd.s32 $0x16800, s31  }
0x11: {  	s12 =	simm.s32 $0x2;
	s13 =	simm.s32 $0x14000;
	s15 =	simm.s32 $0x80  }
0x12: {  	v0 =	vimm.f32 $0.0e+00;
	v1 =	vimm.f32 $1.000000000e+00;
	s18 =	sadd.s32 s20, s18;
	s19 =	sadd.s32 s20, s19;
	s20 =	sadd.s32 s20, s21  }
.LBB2_1:
0x13: {  	s21 =	simm.s32 $0x0;
	s22 =	simm.s32 $0x0  }
.LBB2_2:
0x14: {  	p0 =	sne.s32 s22, $0xFC0  }
.Ltmp0:
0x15: {  	_ = 	snop;
	(pc) =	sbr.rel @p0 .LBB2_2-.Ltmp0, $4  }
0x16: {  	s23 =	sand.u32 $0xE00, s22  }
0x17: {  	s24 =	sand.u32 $0x70, s21;
	s23 =	sshrl.u32 s23, $0x2  }
0x18: {  	s23 =	sor.u32 s24, s23  }
0x19: {  	s21 =	sadd.s32 $0x10, s21;
	s22 =	sadd.s32 $0x40, s22;
	[tilespmem:s23+$0x1D000] =	vst v0  }
0x1a: {  	s21 =	sadd.s32 $0x0, s4  }
0x1b: {  	[spmem:s21] =	stream.linear.scatter [tilespmem:s11], [sflag:$0x2], $0x400, $0x38;
	[tilespmem:$0x1D400] =	vst v63  }
0x1c: {  	s21 =	simm.s32 $0x1000;
	_ =	swait.ge [sflag:s12], $0x400  }
.LBB2_4:
0x1d: {  	s22 =	sshra.s32 s21, $0x2;
	[sflag:s12] =	ssyncset.done $0x0;
	p0 =	sne.s32 s21, $0x4F000  }
.Ltmp1:
0x1e: {  	s22 =	sadd.s32 s22, s4;
	[sflag:s12] =	ssyncadd.s32 $0xFFFFFC00;
	(pc) =	sbr.rel @p0 .LBB2_4-.Ltmp1, $3  }
0x1f: {  	[spmem:s22] =	stream.linear.scatter [tilespmem:s11], [sflag:$0x2], $0x400, $0x38;
	[tilespmem:$0x1D400] =	vst v63  }
0x20: {  	s21 =	sadd.s32 $0x1000, s21;
	_ =	sdelay $0x1  }
0x21: {  	_ =	swait.ge [sflag:s12], $0x400  }
0x22: {  	[sflag:s12] =	ssyncset.done $0x0  }
0x23: {  	s21 =	simm.s32 $0x0;
	[sflag:s12] =	ssyncadd.s32 $0xFFFFFC00  }
0x24: {  	[tilespmem:s13], [sflag:$0x2] =	stream.linear.gather [hbm4b:s5+s21], $0x2800, $0x38;
	[tilespmem:$0x1D400] =	vst v63  }
0x25: {  	_ =	swait.ge [sflag:s12], $0x2800  }
0x26: {  	[sflag:s12] =	ssyncset.done $0x0  }
0x27: {  	[sflag:s12] =	ssyncadd.s32 $0xFFFFD800  }
0x28: {  	[tilespmem:s14], [sflag:$0x2] =	stream.linear.gather [hbm4b:s6+s21], $0x2800, $0x38;
	[tilespmem:$0x1D400] =	vst v63  }
0x29: {  	_ =	swait.ge [sflag:s12], $0x2800  }
0x2a: {  	[sflag:s12] =	ssyncset.done $0x0  }
0x2b: {  	[sflag:s12] =	ssyncadd.s32 $0xFFFFD800  }
0x2c: {  	s30 =	simm.s32 $0x14000;
	[bflag:$0x0] =	sbarrier.arrive $0xFFFF  }
0x2d: {  	[tilespmem:s16], [sflag:$0x1] =	stream.indirect.gather [hbm4b:s7+s15], $0x80, s30, s15, $0xb8;
	[tilespmem:$0x1D400] =	vst v63  }
0x2e: {  	_ =	swait.ge [sflag:s17], $0x4000  }
0x2f: {  	[sflag:s17] =	ssyncset.done $0x0  }
0x30: {  	s31 =	simm.s32 $0x16800;
	[sflag:s17] =	ssyncadd.s32 $0xFFFFC000  }
0x31: {  	[spmem:s2] =	stream.indirect.scatter.add.f32 [tilespmem:s16], [sflag:$0x2], $0x80, s31, s15, $0xb8;
	[tilespmem:$0x1D400] =	vst v63  }
0x32: {  	_ =	swait.ge [sflag:s12], $0x4000  }
0x33: {  	s22 =	simm.s32 $0x400;
	s21 =	simm.s32 $0x80;
	[sflag:s12] =	ssyncset.done $0x0  }
.LBB2_6:
0x34: {  	s23 =	sadd.s32 $0x14000, s21  }
0x35: {  	[sflag:s12] =	ssyncadd.s32 $0xFFFFC000;
	s24 =	smov.u32 s22;
	s25 =	sadd.s32 $0x200, s22  }
0x36: {  	[tilespmem:s16], [sflag:$0x1] =	stream.indirect.gather [hbm4b:s7+s15], $0x80, s23, s15, $0xb8;
	[tilespmem:$0x1D400] =	vst v63  }
0x37: {  	p0 =	sne.s32 s22, $0x9E00;
	_ =	swait.ge [sflag:s17], $0x4000  }
.Ltmp2:
0x38: {  	[sflag:s17] =	ssyncset.done $0x0;
	(pc) =	sbr.rel @p0 .LBB2_6-.Ltmp2, $4  }
0x39: {  	s21 =	sadd.s32 $0x16800, s21;
	[sflag:s17] =	ssyncadd.s32 $0xFFFFC000  }
0x3a: {  	[spmem:s2] =	stream.indirect.scatter.add.f32 [tilespmem:s16], [sflag:$0x2], $0x80, s21, s15, $0xb8;
	[tilespmem:$0x1D400] =	vst v63  }
0x3b: {  	_ =	swait.ge [sflag:s12], $0x4000  }
0x3c: {  	s22 =	smov.u32 s25;
	s21 =	sshra.s32 s24, $0x2;
	[sflag:s12] =	ssyncset.done $0x0  }
0x3d: {  	s22 =	sadd.s32 $0x14000, s21;
	[sflag:s12] =	ssyncadd.s32 $0xFFFFC000  }
0x3e: {  	[tilespmem:s16], [sflag:$0x1] =	stream.indirect.gather [hbm4b:s7+s15], $0x80, s22, s15, $0xb8;
	[tilespmem:$0x1D400] =	vst v63  }
0x3f: {  	_ =	swait.ge [sflag:s17], $0x4000  }
0x40: {  	[sflag:s17] =	ssyncset.done $0x0  }
0x41: {  	s30 =	sadd.s32 $0x16800, s21;
	[sflag:s17] =	ssyncadd.s32 $0xFFFFC000  }
0x42: {  	[spmem:s2] =	stream.indirect.scatter.add.f32 [tilespmem:s16], [sflag:$0x2], $0x80, s30, s15, $0xb8;
	[tilespmem:$0x1D400] =	vst v63  }
0x43: {  	_ =	swait.ge [sflag:s12], $0x4000  }
0x44: {  	[sflag:s12] =	ssyncset.done $0x0  }
0x45: {  	s31 =	sshll.u32 s1, $0x6;
	[sflag:s12] =	ssyncadd.s32 $0xFFFFC000  }
0x46: {  	s21 =	sor.u32 $0x1C02, s31;
	s22 =	sshrl.u32 s4, $0x3;
	[bflag:$0x0] =	sbarrier.arrive $0xFFFF  }
0x47: {  	[hbm:s18], [sflag:s21] =	dma.local [spmem:s22], $0x2800  }
0x48: {  	_ =	swait.ge [sflag:s12], $0x2800  }
0x49: {  	[sflag:s12] =	ssyncset.done $0x0  }
0x4a: {  	[sflag:s12] =	ssyncadd.s32 $0xFFFFD800  }
0x4b: {  	s23 =	sadd.s32 $0x0, s4;
	[bflag:$0x0] =	sbarrier.arrive $0xFFFF  }
0x4c: {  	[spmem:s23] =	stream.linear.scatter [tilespmem:s11], [sflag:$0x2], $0x400, $0x38;
	[tilespmem:$0x1D400] =	vst v63  }
0x4d: {  	s23 =	simm.s32 $0x1000;
	_ =	swait.ge [sflag:s12], $0x400  }
.LBB2_8:
0x4e: {  	s24 =	sshra.s32 s23, $0x2;
	[sflag:s12] =	ssyncset.done $0x0;
	p0 =	sne.s32 s23, $0x4F000  }
.Ltmp3:
0x4f: {  	s24 =	sadd.s32 s24, s4;
	[sflag:s12] =	ssyncadd.s32 $0xFFFFFC00;
	(pc) =	sbr.rel @p0 .LBB2_8-.Ltmp3, $3  }
0x50: {  	[spmem:s24] =	stream.linear.scatter [tilespmem:s11], [sflag:$0x2], $0x400, $0x38;
	[tilespmem:$0x1D400] =	vst v63  }
0x51: {  	s23 =	sadd.s32 $0x1000, s23;
	_ =	sdelay $0x1  }
0x52: {  	_ =	swait.ge [sflag:s12], $0x400  }
0x53: {  	[sflag:s12] =	ssyncset.done $0x0  }
0x54: {  	[sflag:s12] =	ssyncadd.s32 $0xFFFFFC00  }
0x55: {  	s23 =	simm.s32 $0x14000;
	[bflag:$0x0] =	sbarrier.arrive $0xFFFF  }
0x56: {  	[tilespmem:s16], [sflag:$0x1] =	stream.indirect.gather [hbm4b:s8+s15], $0x80, s23, s15, $0xb8;
	[tilespmem:$0x1D400] =	vst v63  }
0x57: {  	_ =	swait.ge [sflag:s17], $0x4000  }
0x58: {  	[sflag:s17] =	ssyncset.done $0x0  }
0x59: {  	s31 =	simm.s32 $0x16800;
	[sflag:s17] =	ssyncadd.s32 $0xFFFFC000  }
0x5a: {  	[spmem:s2] =	stream.indirect.scatter.add.f32 [tilespmem:s16], [sflag:$0x2], $0x80, s31, s15, $0xb8;
	[tilespmem:$0x1D400] =	vst v63  }
0x5b: {  	_ =	swait.ge [sflag:s12], $0x4000  }
0x5c: {  	s24 =	simm.s32 $0x400;
	s23 =	simm.s32 $0x80;
	[sflag:s12] =	ssyncset.done $0x0  }
.LBB2_10:
0x5d: {  	s25 =	sadd.s32 $0x14000, s23  }
0x5e: {  	[sflag:s12] =	ssyncadd.s32 $0xFFFFC000;
	s26 =	smov.u32 s24;
	s28 =	sadd.s32 $0x200, s24  }
0x5f: {  	[tilespmem:s16], [sflag:$0x1] =	stream.indirect.gather [hbm4b:s8+s15], $0x80, s25, s15, $0xb8;
	[tilespmem:$0x1D400] =	vst v63  }
0x60: {  	p0 =	sne.s32 s24, $0x9E00;
	_ =	swait.ge [sflag:s17], $0x4000  }
.Ltmp4:
0x61: {  	[sflag:s17] =	ssyncset.done $0x0;
	(pc) =	sbr.rel @p0 .LBB2_10-.Ltmp4, $4  }
0x62: {  	s23 =	sadd.s32 $0x16800, s23;
	[sflag:s17] =	ssyncadd.s32 $0xFFFFC000  }
0x63: {  	[spmem:s2] =	stream.indirect.scatter.add.f32 [tilespmem:s16], [sflag:$0x2], $0x80, s23, s15, $0xb8;
	[tilespmem:$0x1D400] =	vst v63  }
0x64: {  	_ =	swait.ge [sflag:s12], $0x4000  }
0x65: {  	s24 =	smov.u32 s28;
	s23 =	sshra.s32 s26, $0x2;
	[sflag:s12] =	ssyncset.done $0x0  }
0x66: {  	s24 =	sadd.s32 $0x14000, s23;
	[sflag:s12] =	ssyncadd.s32 $0xFFFFC000  }
0x67: {  	[tilespmem:s16], [sflag:$0x1] =	stream.indirect.gather [hbm4b:s8+s15], $0x80, s24, s15, $0xb8;
	[tilespmem:$0x1D400] =	vst v63  }
0x68: {  	_ =	swait.ge [sflag:s17], $0x4000  }
0x69: {  	[sflag:s17] =	ssyncset.done $0x0  }
0x6a: {  	s30 =	sadd.s32 $0x16800, s23;
	[sflag:s17] =	ssyncadd.s32 $0xFFFFC000  }
0x6b: {  	[spmem:s2] =	stream.indirect.scatter.add.f32 [tilespmem:s16], [sflag:$0x2], $0x80, s30, s15, $0xb8;
	[tilespmem:$0x1D400] =	vst v63  }
0x6c: {  	_ =	swait.ge [sflag:s12], $0x4000  }
0x6d: {  	[sflag:s12] =	ssyncset.done $0x0  }
0x6e: {  	[sflag:s12] =	ssyncadd.s32 $0xFFFFC000  }
0x6f: {  	[bflag:$0x0] =	sbarrier.arrive $0xFFFF  }
0x70: {  	[hbm:s19], [sflag:s21] =	dma.local [spmem:s22], $0x2800  }
0x71: {  	_ =	swait.ge [sflag:s12], $0x2800  }
0x72: {  	[sflag:s12] =	ssyncset.done $0x0  }
0x73: {  	[sflag:s12] =	ssyncadd.s32 $0xFFFFD800  }
0x74: {  	s31 =	sadd.s32 $0x0, s4;
	[bflag:$0x0] =	sbarrier.arrive $0xFFFF  }
0x75: {  	[spmem:s31] =	stream.linear.scatter [tilespmem:s11], [sflag:$0x2], $0x400, $0x38;
	[tilespmem:$0x1D400] =	vst v63  }
0x76: {  	s23 =	simm.s32 $0x0;
	s24 =	simm.s32 $0x1000;
	_ =	swait.ge [sflag:s12], $0x400  }
.LBB2_12:
0x77: {  	s25 =	sshra.s32 s24, $0x2;
	[sflag:s12] =	ssyncset.done $0x0;
	p0 =	sne.s32 s24, $0x4F000  }
.Ltmp5:
0x78: {  	s25 =	sadd.s32 s25, s4;
	[sflag:s12] =	ssyncadd.s32 $0xFFFFFC00;
	(pc) =	sbr.rel @p0 .LBB2_12-.Ltmp5, $3  }
0x79: {  	[spmem:s25] =	stream.linear.scatter [tilespmem:s11], [sflag:$0x2], $0x400, $0x38;
	[tilespmem:$0x1D400] =	vst v63  }
0x7a: {  	s24 =	sadd.s32 $0x1000, s24;
	_ =	sdelay $0x1  }
0x7b: {  	_ =	swait.ge [sflag:s12], $0x400  }
0x7c: {  	s24 =	sand.u32 $0xFE00, s23  }
0x7d: {  	[sflag:s12] =	ssyncset.done $0x0;
	s25 =	sand.u32 $0x70, s23;
	s26 =	sshrl.u32 s24, $0x2  }
0x7e: {  	[sflag:s12] =	ssyncadd.s32 $0xFFFFFC00;
	s24 =	simm.s32 $0x40;
	s25 =	sor.u32 s25, s26  }
.LBB2_14:
0x7f: {  	p0 =	sne.s32 s24, $0xFFC0  }
0x80: {  	[tilespmem:s25+$0x19000] =	vst v1;
	s23 =	sadd.s32 $0x10, s23;
	s25 =	smov.u32 s24;
	s24 =	sadd.s32 $0x40, s24  }
.Ltmp6:
0x81: {  	(pc) =	sbr.rel @p0 .LBB2_14-.Ltmp6, $4  }
0x82: {  	_ = 	snop  }
0x83: {  	s25 =	sand.u32 $0xFE00, s25  }
0x84: {  	s26 =	sand.u32 $0x70, s23;
	s25 =	sshrl.u32 s25, $0x2  }
0x85: {  	s25 =	sor.u32 s26, s25  }
0x86: {  	[tilespmem:s25+$0x19000] =	vst v1  }
0x87: {  	s23 =	sadd.s32 $0x0, s10;
	[bflag:$0x0] =	sbarrier.arrive $0xFFFF  }
0x88: {  	[spmem:s2] =	stream.indirect.scatter.add.f32 [tilespmem:s16], [sflag:$0x2], $0x80, s23, s15, $0xb8;
	[tilespmem:$0x1D400] =	vst v63  }
0x89: {  	s23 =	simm.s32 $0x200;
	_ =	swait.ge [sflag:s12], $0x4000  }
.LBB2_16:
0x8a: {  	s24 =	sshra.s32 s23, $0x2;
	[sflag:s12] =	ssyncset.done $0x0;
	p0 =	sne.s32 s23, $0x4E00  }
.Ltmp7:
0x8b: {  	s24 =	sadd.s32 s24, s10;
	[sflag:s12] =	ssyncadd.s32 $0xFFFFC000;
	(pc) =	sbr.rel @p0 .LBB2_16-.Ltmp7, $3  }
0x8c: {  	[spmem:s2] =	stream.indirect.scatter.add.f32 [tilespmem:s16], [sflag:$0x2], $0x80, s24, s15, $0xb8;
	[tilespmem:$0x1D400] =	vst v63  }
0x8d: {  	s23 =	sadd.s32 $0x200, s23;
	_ =	sdelay $0x1  }
0x8e: {  	_ =	swait.ge [sflag:s12], $0x4000  }
0x8f: {  	[sflag:s12] =	ssyncset.done $0x0;
	s3 =	sadd.s32 $0x1, s3  }
0x90: {  	[sflag:s12] =	ssyncadd.s32 $0xFFFFC000;
	p0 =	sne.s32 s3, s9  }
.Ltmp8:
0x91: {  	[bflag:$0x0] =	sbarrier.arrive $0xFFFF;
	(pc) =	sbr.rel @p0 .LBB2_1-.Ltmp8, $4  }
0x92: {  	[hbm:s20], [sflag:s21] =	dma.local [spmem:s22], $0x2800  }
0x93: {  	_ =	swait.ge [sflag:s12], $0x2800  }
0x94: {  	[sflag:s12] =	ssyncset.done $0x0  }
0x95: {  	[sflag:s12] =	ssyncadd.s32 $0xFFFFD800  }
0x96: {  	_ =	sfence.sel $0x180000  }
0x97: {  	[bflag:$0x0] =	sbarrier.arrive $0xFFFF  }
0x98: {  	p0 =	sne.s32 s1, $0x0;
	_ =	strace $0x90000047  }
0x99: {  	s0 =	sadd.s32 @!p0 $0x100000, s0;
	[bflag:$0x2] =	sbarrier.arrive $0xFFFF  }
0x9a: {  	[sflag:s0] =	ssyncadd.tile.s32 @!p0 $0x1;
	_ =	shalt  }
.Lfunc_end2:
_tile_overlayer_lowered:
.L_overlay_start_2:
0x9b: {  	(tag) =	ssettag $0x2  }
0x9c: {  	s0 =	rddreg [dreg:$0x0];
	s2 =	stileid.u32  }
0x9d: {  	s1 =	rddreg [dreg:$0x1];
	p0 =	sne.s32 s2, $0x0  }
0x9e: {  	s3 =	rddreg [dreg:$0x2];
	[bflag:$0x3] =	sbarrier.arrive $0xFFFF;
	s2 =	simm.s32 @!p0 $0x1C02  }
0x9f: {  	[timem:s3], [sflag:s2] =	dma.local @!p0 [hbm:s0], s1  }
0xa0: {  	s0 =	simm.s32 @!p0 $0x2  }
0xa1: {  	_ =	swait.ge @!p0 [sflag:s0], s1  }
0xa2: {  	s1 =	ssub.s32 @!p0 $0x0, s1;
	[sflag:s0] =	ssyncset.done @!p0 $0x0  }
0xa3: {  	[sflag:s0] =	ssyncadd.s32 @!p0 s1  }
0xa4: {  	[bflag:$0x3] =	sbarrier.arrive $0xFFFF  }
0xa5: {  	_ =	shalt  }

</sc_bundles>
